<compile_context>
chip_gen: v7x
topology: tpu7x:2x2x1
jax: 0.10.2.dev20260603
libtpu: 0.0.44.dev20260713+nightly
codegen_flags: <defaults>
</compile_context>

<pallas_src>
import functools

import jax
import jax.numpy as jnp
from jax import lax
from jax.experimental import pallas as pl
from jax.experimental.pallas import tpu as pltpu
from jax.experimental.pallas import tpu_sc as plsc

N = 10000
E = 320000
D = 128
DE = 16
EPS = 1e-5

NC = 2
NS = 16
NW = NC * NS
EPW = E // NW
K = 40
NCHUNK = EPW // K
ROWS_PT = 640
BN_BLK = 2000
BE = 4000
BF = 4000

_HIGH = lax.Precision.HIGHEST
_MED = lax.Precision.DEFAULT
_ILV = plsc.PackFormat.INTERLEAVED


def _pack_tc(lo_f32, hi_f32):
    lo = lax.bitcast_convert_type(lo_f32.astype(jnp.bfloat16),
                                  jnp.uint16).astype(jnp.uint32)
    hi = lax.bitcast_convert_type(hi_f32.astype(jnp.bfloat16),
                                  jnp.uint16).astype(jnp.uint32)
    return lax.bitcast_convert_type(lo | (hi << 16), jnp.float32)


def _unpack_tc(w_f32):
    u = lax.bitcast_convert_type(w_f32, jnp.uint32)
    lo = lax.bitcast_convert_type((u & 0xFFFF).astype(jnp.uint16),
                                  jnp.bfloat16).astype(jnp.float32)
    hi = lax.bitcast_convert_type((u >> 16).astype(jnp.uint16),
                                  jnp.bfloat16).astype(jnp.float32)
    return lo, hi


def _prep_body(x_ref, awt, ab, bwt, bb, dwt, db, ewt, eb_, ax_out, dtab_out,
               ebtab_out):
    x = x_ref[...]
    ax_out[...] = jnp.dot(x, awt[...], precision=_HIGH) + ab[...]
    dtab_out[...] = jnp.dot(x, dwt[...], precision=_HIGH) + db[...]
    ex = jnp.dot(x, ewt[...], precision=_HIGH) + eb_[...]
    bx = jnp.dot(x, bwt[...], precision=_HIGH) + bb[...]
    ebtab_out[...] = _pack_tc(ex, bx)


def _ce_body(attr_ref, cwt_ref, cb_ref, x_ref, awt, ab, bwt, bb, dwt, db,
             ewt, eb_, ce_out, ax_out, dtab_out, ebtab_out):
    cv = jnp.dot(attr_ref[...], cwt_ref[...], precision=_MED) + cb_ref[...]
    ce_out[...] = _pack_tc(cv[:, : D // 2], cv[:, D // 2:])

    @pl.when(pl.program_id(0) < N // BN_BLK)
    def _():
        _prep_body(x_ref, awt, ab, bwt, bb, dwt, db, ewt, eb_, ax_out,
                   dtab_out, ebtab_out)


def _sc_edge_body(row_hbm, col_hbm, dtab_hbm, ebtab_hbm, ce_hbm,
                  eij_hbm, aggr_hbm, stats_hbm,
                  row0, col0, gd0, geb0, eij0,
                  row1, col1, gd1, geb1, eij1,
                  ce_v, msg_v, st_v, aggr_sp, sem0, sem1, sem_ce,
                  sem_eij0, sem_eij1):
    c = lax.axis_index("c")
    s = lax.axis_index("s")
    wid = c * NS + s
    rows = (row0, row1)
    cols = (col0, col1)
    gds = (gd0, gd1)
    gebs = (geb0, geb1)
    eijs = (eij0, eij1)
    sems = (sem0, sem1)
    sems_eij = (sem_eij0, sem_eij1)

    def _zero_row(r, _):
        for j in range(D // 16):
            msg_v[r, pl.ds(j * 16, 16)] = jnp.zeros((16,), jnp.float32)
        return 0

    lax.fori_loop(0, K, _zero_row, 0)
    base_row = s * ROWS_PT
    nblk = jnp.where(s == NS - 1, (N - (NS - 1) * ROWS_PT) // K,
                     ROWS_PT // K)

    def _zero_blk(t, _):
        pltpu.sync_copy(msg_v, aggr_sp.at[pl.ds(base_row + t * K, K)])
        return 0

    lax.fori_loop(0, nblk, _zero_blk, 0)
    plsc.subcore_barrier()

    e0 = wid * EPW

    def _issue(b, ci):
        base = e0 + ci * K
        pltpu.sync_copy(row_hbm.at[pl.ds(base, K)], rows[b])
        pltpu.sync_copy(col_hbm.at[pl.ds(base, K)], cols[b])
        pltpu.async_copy(dtab_hbm.at[rows[b]], gds[b], sems[b])
        pltpu.async_copy(ebtab_hbm.at[cols[b]], gebs[b], sems[b])

    def _issue_ce(ci):
        base = e0 + ci * K
        pltpu.async_copy(ce_hbm.at[pl.ds(base, K)], ce_v, sem_ce)

    def _wait(b):
        pltpu.make_async_copy(dtab_hbm.at[rows[b]], gds[b], sems[b]).wait()
        pltpu.make_async_copy(ebtab_hbm.at[cols[b]], gebs[b],
                              sems[b]).wait()
        pltpu.make_async_copy(ce_hbm.at[pl.ds(0, K)], ce_v, sem_ce).wait()

    def _wait_eij(b):
        pltpu.make_async_copy(eijs[b], eij_hbm.at[pl.ds(0, K)],
                              sems_eij[b]).wait()

    def _compute(b, carry):
        gd_v, geb_v, eij_v = gds[b], gebs[b], eijs[b]

        def _row(r, rc):
            vs = list(rc)
            for j in range(D // 32):
                lo16 = pl.ds(j * 16, 16)
                hi16 = pl.ds(64 + j * 16, 16)
                c_lo, c_hi = plsc.unpack(
                    plsc.bitcast(ce_v[r, lo16], jnp.bfloat16), format=_ILV)
                e1, b1 = plsc.unpack(
                    plsc.bitcast(geb_v[r, lo16], jnp.bfloat16), format=_ILV)
                e2, b2 = plsc.unpack(
                    plsc.bitcast(geb_v[r, hi16], jnp.bfloat16), format=_ILV)
                elo = gd_v[r, lo16] + e1 + c_lo
                ehi = gd_v[r, hi16] + e2 + c_hi
                eij_v[r, lo16] = plsc.bitcast(
                    plsc.pack(elo, ehi, format=_ILV), jnp.float32)
                siglo = 1.0 / (1.0 + jnp.exp(-elo))
                sighi = 1.0 / (1.0 + jnp.exp(-ehi))
                msg_v[r, lo16] = siglo * b1
                msg_v[r, hi16] = sighi * b2
                vs[j] = vs[j] + elo
                vs[4 + j] = vs[4 + j] + ehi
                vs[8 + j] = vs[8 + j] + elo * elo
                vs[12 + j] = vs[12 + j] + ehi * ehi
            return tuple(vs)

        return lax.fori_loop(0, K, _row, carry)

    _issue(0, 0)
    _issue_ce(0)

    def _step(step, carry):
        for b in range(2):
            ci = 2 * step + b

            @pl.when(ci + 1 < NCHUNK)
            def _():
                _issue(1 - b, ci + 1)

            _wait(b)

            @pl.when(ci >= 2)
            def _():
                _wait_eij(b)

            carry = _compute(b, carry)

            @pl.when(ci + 1 < NCHUNK)
            def _():
                _issue_ce(ci + 1)

            base = e0 + ci * K
            pltpu.async_copy(eijs[b], eij_hbm.at[pl.ds(base, K)],
                             sems_eij[b])
            pltpu.sync_copy(msg_v, aggr_sp.at[rows[b]], add=True)
        return carry

    zeros = tuple(jnp.zeros((16,), jnp.float32) for _ in range(16))
    sums = lax.fori_loop(0, NCHUNK // 2, _step, zeros)
    _wait_eij(0)
    _wait_eij(1)

    for j in range(D // 32):
        st_v[0, pl.ds(j * 16, 16)] = sums[j]
        st_v[0, pl.ds(64 + j * 16, 16)] = sums[4 + j]
        st_v[1, pl.ds(j * 16, 16)] = sums[8 + j]
        st_v[1, pl.ds(64 + j * 16, 16)] = sums[12 + j]
    pltpu.sync_copy(st_v, stats_hbm.at[wid])

    plsc.subcore_barrier()

    def _out_blk(t, _):
        pltpu.sync_copy(aggr_sp.at[pl.ds(base_row + t * K, K)],
                        aggr_hbm.at[c, pl.ds(base_row + t * K, K)])
        return 0

    lax.fori_loop(0, nblk, _out_blk, 0)


def _node_body(x_ref, ax_ref, agg_ref, g_ref, b_ref, out_ref):
    t = ax_ref[...] + agg_ref[0] + agg_ref[1]
    m = jnp.mean(t, axis=0, keepdims=True)
    d = t - m
    v = jnp.mean(d * d, axis=0, keepdims=True)
    y = d * lax.rsqrt(v + EPS) * g_ref[...] + b_ref[...]
    out_ref[...] = x_ref[...] + jnp.maximum(y, 0.0)


def _efin_body(eij_ref, attr_ref, rwt_ref, stats_ref, g_ref, b_ref,
               x_ref, ax_ref, agg_ref, gx_ref, bx_ref, out_ref, x_out):
    @pl.when(pl.program_id(0) == 0)
    def _():
        _node_body(x_ref, ax_ref, agg_ref, gx_ref, bx_ref, x_out)

    ssum = jnp.sum(stats_ref[:, 0, :], axis=0, keepdims=True)
    ssq = jnp.sum(stats_ref[:, 1, :], axis=0, keepdims=True)
    m = ssum * (1.0 / E)
    v = ssq * (1.0 / E) - m * m
    scale = lax.rsqrt(v + EPS) * g_ref[...]
    elo, ehi = _unpack_tc(eij_ref[...])
    res = jnp.dot(attr_ref[...], rwt_ref[...], precision=_MED)
    h = D // 2
    ylo = (elo - m[:, :h]) * scale[:, :h] + b_ref[:, :h]
    yhi = (ehi - m[:, h:]) * scale[:, h:] + b_ref[:, h:]
    out_ref[:, :h] = res[:, :h] + jnp.maximum(ylo, 0.0)
    out_ref[:, h:] = res[:, h:] + jnp.maximum(yhi, 0.0)


def kernel(x_in_node, edge_idx, edge_in_attr, A_w, A_b, B_w, B_b, C_w, C_b,
           D_w, D_b, E_w, E_b, bn_x_g, bn_x_b, bn_e_g, bn_e_b, res_e_w):
    row = jnp.asarray(edge_idx[0], jnp.int32)
    col = jnp.asarray(edge_idx[1], jnp.int32)

    wspec = pl.BlockSpec((D, D), lambda i: (0, 0))
    bspec = pl.BlockSpec((1, D), lambda i: (0, 0))
    nblocks = N // BN_BLK
    nspec = pl.BlockSpec((BN_BLK, D),
                         lambda i: (jnp.minimum(i, nblocks - 1), 0))
    ce, ax, dtab, ebtab = pl.pallas_call(
        _ce_body,
        grid=(E // BE,),
        in_specs=[
            pl.BlockSpec((BE, DE), lambda i: (i, 0)),
            pl.BlockSpec((DE, D), lambda i: (0, 0)),
            pl.BlockSpec((1, D), lambda i: (0, 0)),
            nspec, wspec, bspec, wspec, bspec, wspec, bspec, wspec, bspec,
        ],
        out_specs=(pl.BlockSpec((BE, D // 2), lambda i: (i, 0)),
                   nspec, nspec, nspec),
        out_shape=(
            jax.ShapeDtypeStruct((E, D // 2), jnp.float32),
            jax.ShapeDtypeStruct((N, D), jnp.float32),
            jax.ShapeDtypeStruct((N, D), jnp.float32),
            jax.ShapeDtypeStruct((N, D), jnp.float32),
        ),
    )(edge_in_attr, C_w.T, C_b[None, :], x_in_node, A_w.T, A_b[None, :],
      B_w.T, B_b[None, :], D_w.T, D_b[None, :], E_w.T, E_b[None, :])

    sc_edge = functools.partial(
        pl.kernel,
        out_type=(
            jax.ShapeDtypeStruct((E, D // 2), jnp.float32),
            jax.ShapeDtypeStruct((NC, N, D), jnp.float32),
            jax.ShapeDtypeStruct((NW, 2, D), jnp.float32),
        ),
        mesh=plsc.VectorSubcoreMesh(core_axis_name="c", subcore_axis_name="s"),
        compiler_params=pltpu.CompilerParams(needs_layout_passes=False),
        scratch_types=[
            pltpu.VMEM((K,), jnp.int32),
            pltpu.VMEM((K,), jnp.int32),
            pltpu.VMEM((K, D), jnp.float32),
            pltpu.VMEM((K, D), jnp.float32),
            pltpu.VMEM((K, D // 2), jnp.float32),
            pltpu.VMEM((K,), jnp.int32),
            pltpu.VMEM((K,), jnp.int32),
            pltpu.VMEM((K, D), jnp.float32),
            pltpu.VMEM((K, D), jnp.float32),
            pltpu.VMEM((K, D // 2), jnp.float32),
            pltpu.VMEM((K, D // 2), jnp.float32),
            pltpu.VMEM((K, D), jnp.float32),
            pltpu.VMEM((2, D), jnp.float32),
            pltpu.VMEM_SHARED((N, D), jnp.float32),
            pltpu.SemaphoreType.DMA,
            pltpu.SemaphoreType.DMA,
            pltpu.SemaphoreType.DMA,
            pltpu.SemaphoreType.DMA,
            pltpu.SemaphoreType.DMA,
        ],
    )(_sc_edge_body)
    eij, aggr, stats = sc_edge(row, col, dtab, ebtab, ce)

    fullnode = pl.BlockSpec((N, D), lambda i: (0, 0))
    e_final, x_final = pl.pallas_call(
        _efin_body,
        grid=(E // BF,),
        in_specs=[
            pl.BlockSpec((BF, D // 2), lambda i: (i, 0)),
            pl.BlockSpec((BF, DE), lambda i: (i, 0)),
            pl.BlockSpec((DE, D), lambda i: (0, 0)),
            pl.BlockSpec((NW, 2, D), lambda i: (0, 0, 0)),
            pl.BlockSpec((1, D), lambda i: (0, 0)),
            pl.BlockSpec((1, D), lambda i: (0, 0)),
            fullnode,
            fullnode,
            pl.BlockSpec((NC, N, D), lambda i: (0, 0, 0)),
            pl.BlockSpec((1, D), lambda i: (0, 0)),
            pl.BlockSpec((1, D), lambda i: (0, 0)),
        ],
        out_specs=(pl.BlockSpec((BF, D), lambda i: (i, 0)), fullnode),
        out_shape=(
            jax.ShapeDtypeStruct((E, D), jnp.float32),
            jax.ShapeDtypeStruct((N, D), jnp.float32),
        ),
    )(eij, edge_in_attr, res_e_w.T, stats, bn_e_g[None, :], bn_e_b[None, :],
      x_in_node, ax, aggr, bn_x_g[None, :], bn_x_b[None, :])

    return (x_final, e_final)

# --- scband reference (transcript-rebuilt; emitter-appended) ---
"""Pipeline reference for scband-gated-gcnlayer-76647986365219 (READ-ONLY COPY).

The authoritative reference and input builder live on the scoring server;
editing this copy changes nothing except your own understanding.
"""

import jax, jax.numpy as jnp
import numpy as np

N = 10000
E = 320000
DN = 128   # in_dim_node
DE = 16    # in_dim_edge
DO = 128   # out_dim
EPS = 1e-5


def _lin_w(k, out_d, in_d):
    return jax.random.normal(k, (out_d, in_d), jnp.float32) * (1.0 / np.sqrt(in_d))


def setup_inputs(seed: int = 0) -> dict:
    key = jax.random.key(seed)
    ks = jax.random.split(key, 20)
    inp = {}
    inp["x_in_node"] = jax.random.normal(ks[0], (N, DN), jnp.float32)
    inp["edge_idx"] = jax.random.randint(ks[1], (2, E), 0, N, dtype=jnp.int64)
    inp["edge_in_attr"] = jax.random.normal(ks[2], (E, DE), jnp.float32)
    # Learned parameters
    inp["A_w"] = _lin_w(ks[3], DO, DN); inp["A_b"] = jnp.zeros((DO,), jnp.float32)
    inp["B_w"] = _lin_w(ks[4], DO, DN); inp["B_b"] = jnp.zeros((DO,), jnp.float32)
    inp["C_w"] = _lin_w(ks[5], DO, DE); inp["C_b"] = jnp.zeros((DO,), jnp.float32)
    inp["D_w"] = _lin_w(ks[6], DO, DN); inp["D_b"] = jnp.zeros((DO,), jnp.float32)
    inp["E_w"] = _lin_w(ks[7], DO, DN); inp["E_b"] = jnp.zeros((DO,), jnp.float32)
    inp["bn_x_g"] = jnp.ones((DO,), jnp.float32); inp["bn_x_b"] = jnp.zeros((DO,), jnp.float32)
    inp["bn_e_g"] = jnp.ones((DO,), jnp.float32); inp["bn_e_b"] = jnp.zeros((DO,), jnp.float32)
    # residual projection for edges (in_dim_edge != out_dim), no bias
    inp["res_e_w"] = _lin_w(ks[8], DO, DE)
    return inp


def _bn(z, g, b):
    m = jnp.mean(z, axis=0)
    v = jnp.var(z, axis=0)  # biased, matches torch BN normalization
    return (z - m) / jnp.sqrt(v + EPS) * g + b


def reference(x_in_node, edge_idx, edge_in_attr, A_w, A_b, B_w, B_b, C_w, C_b,
              D_w, D_b, E_w, E_b, bn_x_g, bn_x_b, bn_e_g, bn_e_b, res_e_w):
    Ax = x_in_node @ A_w.T + A_b
    Bx = x_in_node @ B_w.T + B_b
    Ce = edge_in_attr @ C_w.T + C_b
    Dx = x_in_node @ D_w.T + D_b
    Ex = x_in_node @ E_w.T + E_b
    row = edge_idx[0]
    col = edge_idx[1]
    e_ij = Dx[row] + Ex[col] + Ce
    msg = jax.nn.sigmoid(e_ij) * Bx[col]
    aggr_out = jax.ops.segment_sum(msg, row, num_segments=x_in_node.shape[0])
    x_trans = Ax + aggr_out
    e_trans = e_ij
    x_trans = _bn(x_trans, bn_x_g, bn_x_b)
    e_trans = _bn(e_trans, bn_e_g, bn_e_b)
    x_trans = jax.nn.relu(x_trans)
    e_trans = jax.nn.relu(e_trans)
    # dropout rate = 0.0 -> identity
    x_final = x_in_node + x_trans  # residual_proj_node is Identity (DN == DO)
    e_final = edge_in_attr @ res_e_w.T + e_trans
    return (x_final, e_final)

if __name__ == "__main__":
    import jax
    _d = setup_inputs()
    print(jax.jit(kernel)(*tuple(_d.values())))

</pallas_src>

<mosaic_0001>
#map = affine_map<(d0, d1) -> (0)>
#map1 = affine_map<(d0, d1) -> (0, 0)>
#map2 = affine_map<(d0, d1) -> (0, 0, 0)>
module attributes {stable_mosaic.version = 14 : i64} {
  func.func @_sc_edge_body(%arg0: i32, %arg1: i32, %arg2: memref<320000xi32, #tpu.memory_space<hbm>>, %arg3: memref<320000xi32, #tpu.memory_space<hbm>>, %arg4: memref<10000x128xf32, #tpu.memory_space<hbm>>, %arg5: memref<10000x128xf32, #tpu.memory_space<hbm>>, %arg6: memref<320000x64xf32, #tpu.memory_space<hbm>>, %arg7: memref<320000x64xf32, #tpu.memory_space<hbm>>, %arg8: memref<2x10000x128xf32, #tpu.memory_space<hbm>>, %arg9: memref<32x2x128xf32, #tpu.memory_space<hbm>>, %arg10: memref<40xi32, #tpu.memory_space<vmem>>, %arg11: memref<40xi32, #tpu.memory_space<vmem>>, %arg12: memref<40x128xf32, #tpu.memory_space<vmem>>, %arg13: memref<40x128xf32, #tpu.memory_space<vmem>>, %arg14: memref<40x64xf32, #tpu.memory_space<vmem>>, %arg15: memref<40xi32, #tpu.memory_space<vmem>>, %arg16: memref<40xi32, #tpu.memory_space<vmem>>, %arg17: memref<40x128xf32, #tpu.memory_space<vmem>>, %arg18: memref<40x128xf32, #tpu.memory_space<vmem>>, %arg19: memref<40x64xf32, #tpu.memory_space<vmem>>, %arg20: memref<40x64xf32, #tpu.memory_space<vmem>>, %arg21: memref<40x128xf32, #tpu.memory_space<vmem>>, %arg22: memref<2x128xf32, #tpu.memory_space<vmem>>, %arg23: memref<10000x128xf32, #tpu.memory_space<vmem_shared>>, %arg24: memref<!tpu.dma_semaphore, #tpu.memory_space<semaphore_mem>>, %arg25: memref<!tpu.dma_semaphore, #tpu.memory_space<semaphore_mem>>, %arg26: memref<!tpu.dma_semaphore, #tpu.memory_space<semaphore_mem>>, %arg27: memref<!tpu.dma_semaphore, #tpu.memory_space<semaphore_mem>>, %arg28: memref<!tpu.dma_semaphore, #tpu.memory_space<semaphore_mem>>) attributes {dimension_semantics = [#tpu.dimension_semantics<core_parallel>, #tpu.dimension_semantics<subcore_parallel>], iteration_bounds = array<i64: 2, 16>, scalar_prefetch = 0 : i64, scratch_operands = 19 : i64, tpu.core_type = #tpu.core_type<sc_vector_subcore>, window_params = [{transform_indices = #map}, {transform_indices = #map}, {transform_indices = #map1}, {transform_indices = #map1}, {transform_indices = #map1}, {transform_indices = #map1}, {transform_indices = #map2}, {transform_indices = #map2}]} {
    %mul3A = arith.constant 16 : i32
    %mul3A_0 = arith.muli %arg0, %mul3A : i32
    %add3A = arith.addi %mul3A_0, %arg1 : i32
    %scan3A = arith.constant 0 : i32
    %scan3A_1 = arith.constant 0 : i32
    %scan3A_2 = arith.constant 40 : i32
    %scan3A_3 = arith.addi %scan3A_1, %scan3A_2 : i32
    %scan3A_4 = arith.constant 1 : i32
    %scan3A_5 = scf.for %scan3A_161 = %scan3A_1 to %scan3A_3 step %scan3A_4 iter_args(%scan3A_162 = %scan3A) -> (i32)  : i32 {
      %broadcast_in_dim3A_163 = arith.constant 0.000000e+00 : f32
      %broadcast_in_dim3A_164 = vector.broadcast %broadcast_in_dim3A_163 : f32 to vector<16xf32>
      %swap3A_165 = arith.index_cast %scan3A_161 : i32 to index
      %swap3A_166 = arith.constant 0 : index
      %swap3A_167 = tpu.vector_load %arg21[%swap3A_165, %swap3A_166] {strides = array<i32>} : memref<40x128xf32, #tpu.memory_space<vmem>>, vector<16xf32>,
      tpu.vector_store %arg21[%swap3A_165, %swap3A_166], %broadcast_in_dim3A_164 {strides = array<i32>} : memref<40x128xf32, #tpu.memory_space<vmem>>, vector<16xf32>,
      %broadcast_in_dim3A_168 = arith.constant 0.000000e+00 : f32
      %broadcast_in_dim3A_169 = vector.broadcast %broadcast_in_dim3A_168 : f32 to vector<16xf32>
      %swap3A_170 = arith.index_cast %scan3A_161 : i32 to index
      %swap3A_171 = arith.constant 16 : index
      %swap3A_172 = tpu.vector_load %arg21[%swap3A_170, %swap3A_171] {strides = array<i32>} : memref<40x128xf32, #tpu.memory_space<vmem>>, vector<16xf32>,
      tpu.vector_store %arg21[%swap3A_170, %swap3A_171], %broadcast_in_dim3A_169 {strides = array<i32>} : memref<40x128xf32, #tpu.memory_space<vmem>>, vector<16xf32>,
      %broadcast_in_dim3A_173 = arith.constant 0.000000e+00 : f32
      %broadcast_in_dim3A_174 = vector.broadcast %broadcast_in_dim3A_173 : f32 to vector<16xf32>
      %swap3A_175 = arith.index_cast %scan3A_161 : i32 to index
      %swap3A_176 = arith.constant 32 : index
      %swap3A_177 = tpu.vector_load %arg21[%swap3A_175, %swap3A_176] {strides = array<i32>} : memref<40x128xf32, #tpu.memory_space<vmem>>, vector<16xf32>,
      tpu.vector_store %arg21[%swap3A_175, %swap3A_176], %broadcast_in_dim3A_174 {strides = array<i32>} : memref<40x128xf32, #tpu.memory_space<vmem>>, vector<16xf32>,
      %broadcast_in_dim3A_178 = arith.constant 0.000000e+00 : f32
      %broadcast_in_dim3A_179 = vector.broadcast %broadcast_in_dim3A_178 : f32 to vector<16xf32>
      %swap3A_180 = arith.index_cast %scan3A_161 : i32 to index
      %swap3A_181 = arith.constant 48 : index
      %swap3A_182 = tpu.vector_load %arg21[%swap3A_180, %swap3A_181] {strides = array<i32>} : memref<40x128xf32, #tpu.memory_space<vmem>>, vector<16xf32>,
      tpu.vector_store %arg21[%swap3A_180, %swap3A_181], %broadcast_in_dim3A_179 {strides = array<i32>} : memref<40x128xf32, #tpu.memory_space<vmem>>, vector<16xf32>,
      %broadcast_in_dim3A_183 = arith.constant 0.000000e+00 : f32
      %broadcast_in_dim3A_184 = vector.broadcast %broadcast_in_dim3A_183 : f32 to vector<16xf32>
      %swap3A_185 = arith.index_cast %scan3A_161 : i32 to index
      %swap3A_186 = arith.constant 64 : index
      %swap3A_187 = tpu.vector_load %arg21[%swap3A_185, %swap3A_186] {strides = array<i32>} : memref<40x128xf32, #tpu.memory_space<vmem>>, vector<16xf32>,
      tpu.vector_store %arg21[%swap3A_185, %swap3A_186], %broadcast_in_dim3A_184 {strides = array<i32>} : memref<40x128xf32, #tpu.memory_space<vmem>>, vector<16xf32>,
      %broadcast_in_dim3A_188 = arith.constant 0.000000e+00 : f32
      %broadcast_in_dim3A_189 = vector.broadcast %broadcast_in_dim3A_188 : f32 to vector<16xf32>
      %swap3A_190 = arith.index_cast %scan3A_161 : i32 to index
      %swap3A_191 = arith.constant 80 : index
      %swap3A_192 = tpu.vector_load %arg21[%swap3A_190, %swap3A_191] {strides = array<i32>} : memref<40x128xf32, #tpu.memory_space<vmem>>, vector<16xf32>,
      tpu.vector_store %arg21[%swap3A_190, %swap3A_191], %broadcast_in_dim3A_189 {strides = array<i32>} : memref<40x128xf32, #tpu.memory_space<vmem>>, vector<16xf32>,
      %broadcast_in_dim3A_193 = arith.constant 0.000000e+00 : f32
      %broadcast_in_dim3A_194 = vector.broadcast %broadcast_in_dim3A_193 : f32 to vector<16xf32>
      %swap3A_195 = arith.index_cast %scan3A_161 : i32 to index
      %swap3A_196 = arith.constant 96 : index
      %swap3A_197 = tpu.vector_load %arg21[%swap3A_195, %swap3A_196] {strides = array<i32>} : memref<40x128xf32, #tpu.memory_space<vmem>>, vector<16xf32>,
      tpu.vector_store %arg21[%swap3A_195, %swap3A_196], %broadcast_in_dim3A_194 {strides = array<i32>} : memref<40x128xf32, #tpu.memory_space<vmem>>, vector<16xf32>,
      %broadcast_in_dim3A_198 = arith.constant 0.000000e+00 : f32
      %broadcast_in_dim3A_199 = vector.broadcast %broadcast_in_dim3A_198 : f32 to vector<16xf32>
      %swap3A_200 = arith.index_cast %scan3A_161 : i32 to index
      %swap3A_201 = arith.constant 112 : index
      %swap3A_202 = tpu.vector_load %arg21[%swap3A_200, %swap3A_201] {strides = array<i32>} : memref<40x128xf32, #tpu.memory_space<vmem>>, vector<16xf32>,
      tpu.vector_store %arg21[%swap3A_200, %swap3A_201], %broadcast_in_dim3A_199 {strides = array<i32>} : memref<40x128xf32, #tpu.memory_space<vmem>>, vector<16xf32>,
      %scan3A_203 = arith.constant 0 : i32
      scf.yield %scan3A_203 : i32
    }
    %scan3A_6 = arith.constant 40 : i32
    %mul3A_7 = arith.constant 640 : i32
    %mul3A_8 = arith.muli %arg1, %mul3A_7 : i32
    %eq3A = arith.constant 15 : i32
    %eq3A_9 = arith.cmpi eq, %arg1, %eq3A : i32
    %jit3A = arith.constant 10 : i32
    %jit3A_10 = arith.constant 16 : i32
    %select_n3A = arith.select %eq3A_9, %jit3A, %jit3A_10 : i32
    %while3A = arith.constant 0 : i32
    %while3A_11 = arith.constant 0 : i32
    %while3A_12 = arith.subi %select_n3A, %while3A : i32
    %while3A_13 = arith.addi %while3A, %while3A_12 : i32
    %while3A_14 = arith.constant 1 : i32
    %while3A_15 = arith.divsi %while3A_12, %while3A_14 : i32
    %while3A_16 = arith.muli %while3A_15, %while3A_14 : i32
    %while3A_17 = arith.addi %while3A, %while3A_16 : i32
    %while3A_18 = arith.constant 1 : i32
    %while3A_19 = scf.for %while3A_161 = %while3A to %while3A_17 step %while3A_18 iter_args(%while3A_162 = %while3A_11) -> (i32)  : i32 {
      %mul3A_163 = arith.constant 40 : i32
      %mul3A_164 = arith.muli %while3A_161, %mul3A_163 : i32
      %add3A_165 = arith.addi %mul3A_8, %mul3A_164 : i32
      "tpu.region"() ({
        %run_scoped3A = tpu.sem_alloc : memref<!tpu.dma_semaphore, #tpu.memory_space<semaphore_mem>>
        %dma_start3A_167 = arith.constant 0 : i32
        %dma_start3A_168 = tpu.memref_slice %arg23[%add3A_165, %dma_start3A_167] : memref<10000x128xf32, #tpu.memory_space<vmem_shared>> -> memref<40x128xf32, #tpu.memory_space<vmem_shared>>
        %dma_start3A_169 = arith.constant 0 : i32
        %dma_start3A_170 = tpu.memref_slice %arg23[%add3A_165, %dma_start3A_169] : memref<10000x128xf32, #tpu.memory_space<vmem_shared>> -> memref<40x128xf32, #tpu.memory_space<vmem_shared>>
        tpu.enqueue_dma source(%arg21 : memref<40x128xf32, #tpu.memory_space<vmem>>) target(%dma_start3A_170 : memref<40x128xf32, #tpu.memory_space<vmem_shared>>) target_semaphore(%run_scoped3A : memref<!tpu.dma_semaphore, #tpu.memory_space<semaphore_mem>>)
        %dma_wait3A_171 = arith.constant 0 : i32
        %dma_wait3A_172 = tpu.memref_slice %arg23[%add3A_165, %dma_wait3A_171] : memref<10000x128xf32, #tpu.memory_space<vmem_shared>> -> memref<40x128xf32, #tpu.memory_space<vmem_shared>>
        %dma_wait3A_173 = arith.constant 0 : i32
        %dma_wait3A_174 = tpu.memref_slice %arg23[%add3A_165, %dma_wait3A_173] : memref<10000x128xf32, #tpu.memory_space<vmem_shared>> -> memref<40x128xf32, #tpu.memory_space<vmem_shared>>
        tpu.wait_dma2 semaphore(%run_scoped3A : memref<!tpu.dma_semaphore, #tpu.memory_space<semaphore_mem>>) src(%arg21 : memref<40x128xf32, #tpu.memory_space<vmem>>) dst(%dma_wait3A_174 : memref<40x128xf32, #tpu.memory_space<vmem_shared>>)
        tpu.yield
      }) : () -> ()
      %while3A_166 = arith.constant 0 : i32
      scf.yield %while3A_166 : i32
    }
    %while3A_20 = arith.constant 1 : i32
    %while3A_21 = scf.for %while3A_161 = %while3A_17 to %while3A_13 step %while3A_20 iter_args(%while3A_162 = %while3A_19) -> (i32)  : i32 {
      %mul3A_163 = arith.constant 40 : i32
      %mul3A_164 = arith.muli %while3A_161, %mul3A_163 : i32
      %add3A_165 = arith.addi %mul3A_8, %mul3A_164 : i32
      "tpu.region"() ({
        %run_scoped3A = tpu.sem_alloc : memref<!tpu.dma_semaphore, #tpu.memory_space<semaphore_mem>>
        %dma_start3A_167 = arith.constant 0 : i32
        %dma_start3A_168 = tpu.memref_slice %arg23[%add3A_165, %dma_start3A_167] : memref<10000x128xf32, #tpu.memory_space<vmem_shared>> -> memref<40x128xf32, #tpu.memory_space<vmem_shared>>
        %dma_start3A_169 = arith.constant 0 : i32
        %dma_start3A_170 = tpu.memref_slice %arg23[%add3A_165, %dma_start3A_169] : memref<10000x128xf32, #tpu.memory_space<vmem_shared>> -> memref<40x128xf32, #tpu.memory_space<vmem_shared>>
        tpu.enqueue_dma source(%arg21 : memref<40x128xf32, #tpu.memory_space<vmem>>) target(%dma_start3A_170 : memref<40x128xf32, #tpu.memory_space<vmem_shared>>) target_semaphore(%run_scoped3A : memref<!tpu.dma_semaphore, #tpu.memory_space<semaphore_mem>>)
        %dma_wait3A_171 = arith.constant 0 : i32
        %dma_wait3A_172 = tpu.memref_slice %arg23[%add3A_165, %dma_wait3A_171] : memref<10000x128xf32, #tpu.memory_space<vmem_shared>> -> memref<40x128xf32, #tpu.memory_space<vmem_shared>>
        %dma_wait3A_173 = arith.constant 0 : i32
        %dma_wait3A_174 = tpu.memref_slice %arg23[%add3A_165, %dma_wait3A_173] : memref<10000x128xf32, #tpu.memory_space<vmem_shared>> -> memref<40x128xf32, #tpu.memory_space<vmem_shared>>
        tpu.wait_dma2 semaphore(%run_scoped3A : memref<!tpu.dma_semaphore, #tpu.memory_space<semaphore_mem>>) src(%arg21 : memref<40x128xf32, #tpu.memory_space<vmem>>) dst(%dma_wait3A_174 : memref<40x128xf32, #tpu.memory_space<vmem_shared>>)
        tpu.yield
      }) : () -> ()
      %while3A_166 = arith.constant 0 : i32
      scf.yield %while3A_166 : i32
    }
    %barrier3A = arith.constant 0 : index
    tpu.barrier barrier_id(%barrier3A)
    %mul3A_22 = arith.constant 10000 : i32
    %mul3A_23 = arith.muli %add3A, %mul3A_22 : i32
    %add3A_24 = arith.constant 0 : i32
    %add3A_25 = arith.addi %mul3A_23, %add3A_24 : i32
    "tpu.region"() ({
      %run_scoped3A = tpu.sem_alloc : memref<!tpu.dma_semaphore, #tpu.memory_space<semaphore_mem>>
      %dma_start3A_161 = tpu.memref_slice %arg2[%add3A_25] : memref<320000xi32, #tpu.memory_space<hbm>> -> memref<40xi32, #tpu.memory_space<hbm>>
      %dma_start3A_162 = tpu.memref_slice %arg2[%add3A_25] : memref<320000xi32, #tpu.memory_space<hbm>> -> memref<40xi32, #tpu.memory_space<hbm>>
      tpu.enqueue_dma source(%dma_start3A_162 : memref<40xi32, #tpu.memory_space<hbm>>) target(%arg10 : memref<40xi32, #tpu.memory_space<vmem>>) target_semaphore(%run_scoped3A : memref<!tpu.dma_semaphore, #tpu.memory_space<semaphore_mem>>)
      %dma_wait3A_163 = tpu.memref_slice %arg2[%add3A_25] : memref<320000xi32, #tpu.memory_space<hbm>> -> memref<40xi32, #tpu.memory_space<hbm>>
      %dma_wait3A_164 = tpu.memref_slice %arg2[%add3A_25] : memref<320000xi32, #tpu.memory_space<hbm>> -> memref<40xi32, #tpu.memory_space<hbm>>
      tpu.wait_dma2 semaphore(%run_scoped3A : memref<!tpu.dma_semaphore, #tpu.memory_space<semaphore_mem>>) src(%dma_wait3A_164 : memref<40xi32, #tpu.memory_space<hbm>>) dst(%arg10 : memref<40xi32, #tpu.memory_space<vmem>>)
      tpu.yield
    }) : () -> ()
    "tpu.region"() ({
      %run_scoped3A = tpu.sem_alloc : memref<!tpu.dma_semaphore, #tpu.memory_space<semaphore_mem>>
      %dma_start3A_161 = tpu.memref_slice %arg3[%add3A_25] : memref<320000xi32, #tpu.memory_space<hbm>> -> memref<40xi32, #tpu.memory_space<hbm>>
      %dma_start3A_162 = tpu.memref_slice %arg3[%add3A_25] : memref<320000xi32, #tpu.memory_space<hbm>> -> memref<40xi32, #tpu.memory_space<hbm>>
      tpu.enqueue_dma source(%dma_start3A_162 : memref<40xi32, #tpu.memory_space<hbm>>) target(%arg11 : memref<40xi32, #tpu.memory_space<vmem>>) target_semaphore(%run_scoped3A : memref<!tpu.dma_semaphore, #tpu.memory_space<semaphore_mem>>)
      %dma_wait3A_163 = tpu.memref_slice %arg3[%add3A_25] : memref<320000xi32, #tpu.memory_space<hbm>> -> memref<40xi32, #tpu.memory_space<hbm>>
      %dma_wait3A_164 = tpu.memref_slice %arg3[%add3A_25] : memref<320000xi32, #tpu.memory_space<hbm>> -> memref<40xi32, #tpu.memory_space<hbm>>
      tpu.wait_dma2 semaphore(%run_scoped3A : memref<!tpu.dma_semaphore, #tpu.memory_space<semaphore_mem>>) src(%dma_wait3A_164 : memref<40xi32, #tpu.memory_space<hbm>>) dst(%arg11 : memref<40xi32, #tpu.memory_space<vmem>>)
      tpu.yield
    }) : () -> ()
    %dma_start3A = arith.constant 0 : i32
    %dma_start3A_26 = arith.constant 0 : i32
    %dma_start3A_27 = tpu.memref_slice %arg4[%dma_start3A, %dma_start3A_26] : memref<10000x128xf32, #tpu.memory_space<hbm>> -> memref<10000x128xf32, #tpu.memory_space<hbm>>
    tpu.enqueue_indirect_dma source(%dma_start3A_27 : memref<10000x128xf32, #tpu.memory_space<hbm>>) target(%arg12 : memref<40x128xf32, #tpu.memory_space<vmem>>) offsets(%arg10 : memref<40xi32, #tpu.memory_space<vmem>>) semaphore(%arg24 : memref<!tpu.dma_semaphore, #tpu.memory_space<semaphore_mem>>)
    %dma_start3A_28 = arith.constant 0 : i32
    %dma_start3A_29 = arith.constant 0 : i32
    %dma_start3A_30 = tpu.memref_slice %arg5[%dma_start3A_28, %dma_start3A_29] : memref<10000x128xf32, #tpu.memory_space<hbm>> -> memref<10000x128xf32, #tpu.memory_space<hbm>>
    tpu.enqueue_indirect_dma source(%dma_start3A_30 : memref<10000x128xf32, #tpu.memory_space<hbm>>) target(%arg13 : memref<40x128xf32, #tpu.memory_space<vmem>>) offsets(%arg11 : memref<40xi32, #tpu.memory_space<vmem>>) semaphore(%arg24 : memref<!tpu.dma_semaphore, #tpu.memory_space<semaphore_mem>>)
    %add3A_31 = arith.constant 0 : i32
    %add3A_32 = arith.addi %mul3A_23, %add3A_31 : i32
    %dma_start3A_33 = arith.constant 0 : i32
    %dma_start3A_34 = tpu.memref_slice %arg6[%add3A_32, %dma_start3A_33] : memref<320000x64xf32, #tpu.memory_space<hbm>> -> memref<40x64xf32, #tpu.memory_space<hbm>>
    %dma_start3A_35 = arith.constant 0 : i32
    %dma_start3A_36 = tpu.memref_slice %arg6[%add3A_32, %dma_start3A_35] : memref<320000x64xf32, #tpu.memory_space<hbm>> -> memref<40x64xf32, #tpu.memory_space<hbm>>
    tpu.enqueue_dma source(%dma_start3A_36 : memref<40x64xf32, #tpu.memory_space<hbm>>) target(%arg20 : memref<40x64xf32, #tpu.memory_space<vmem>>) target_semaphore(%arg26 : memref<!tpu.dma_semaphore, #tpu.memory_space<semaphore_mem>>)
    %broadcast_in_dim3A = arith.constant 0.000000e+00 : f32
    %broadcast_in_dim3A_37 = vector.broadcast %broadcast_in_dim3A : f32 to vector<16xf32>
    %broadcast_in_dim3A_38 = arith.constant 0.000000e+00 : f32
    %broadcast_in_dim3A_39 = vector.broadcast %broadcast_in_dim3A_38 : f32 to vector<16xf32>
    %broadcast_in_dim3A_40 = arith.constant 0.000000e+00 : f32
    %broadcast_in_dim3A_41 = vector.broadcast %broadcast_in_dim3A_40 : f32 to vector<16xf32>
    %broadcast_in_dim3A_42 = arith.constant 0.000000e+00 : f32
    %broadcast_in_dim3A_43 = vector.broadcast %broadcast_in_dim3A_42 : f32 to vector<16xf32>
    %broadcast_in_dim3A_44 = arith.constant 0.000000e+00 : f32
    %broadcast_in_dim3A_45 = vector.broadcast %broadcast_in_dim3A_44 : f32 to vector<16xf32>
    %broadcast_in_dim3A_46 = arith.constant 0.000000e+00 : f32
    %broadcast_in_dim3A_47 = vector.broadcast %broadcast_in_dim3A_46 : f32 to vector<16xf32>
    %broadcast_in_dim3A_48 = arith.constant 0.000000e+00 : f32
    %broadcast_in_dim3A_49 = vector.broadcast %broadcast_in_dim3A_48 : f32 to vector<16xf32>
    %broadcast_in_dim3A_50 = arith.constant 0.000000e+00 : f32
    %broadcast_in_dim3A_51 = vector.broadcast %broadcast_in_dim3A_50 : f32 to vector<16xf32>
    %broadcast_in_dim3A_52 = arith.constant 0.000000e+00 : f32
    %broadcast_in_dim3A_53 = vector.broadcast %broadcast_in_dim3A_52 : f32 to vector<16xf32>
    %broadcast_in_dim3A_54 = arith.constant 0.000000e+00 : f32
    %broadcast_in_dim3A_55 = vector.broadcast %broadcast_in_dim3A_54 : f32 to vector<16xf32>
    %broadcast_in_dim3A_56 = arith.constant 0.000000e+00 : f32
    %broadcast_in_dim3A_57 = vector.broadcast %broadcast_in_dim3A_56 : f32 to vector<16xf32>
    %broadcast_in_dim3A_58 = arith.constant 0.000000e+00 : f32
    %broadcast_in_dim3A_59 = vector.broadcast %broadcast_in_dim3A_58 : f32 to vector<16xf32>
    %broadcast_in_dim3A_60 = arith.constant 0.000000e+00 : f32
    %broadcast_in_dim3A_61 = vector.broadcast %broadcast_in_dim3A_60 : f32 to vector<16xf32>
    %broadcast_in_dim3A_62 = arith.constant 0.000000e+00 : f32
    %broadcast_in_dim3A_63 = vector.broadcast %broadcast_in_dim3A_62 : f32 to vector<16xf32>
    %broadcast_in_dim3A_64 = arith.constant 0.000000e+00 : f32
    %broadcast_in_dim3A_65 = vector.broadcast %broadcast_in_dim3A_64 : f32 to vector<16xf32>
    %broadcast_in_dim3A_66 = arith.constant 0.000000e+00 : f32
    %broadcast_in_dim3A_67 = vector.broadcast %broadcast_in_dim3A_66 : f32 to vector<16xf32>
    %scan3A_68 = arith.constant 0 : i32
    %scan3A_69 = arith.constant 125 : i32
    %scan3A_70 = arith.addi %scan3A_68, %scan3A_69 : i32
    %scan3A_71 = arith.constant 1 : i32
    %scan3A_72:16 = scf.for %scan3A_161 = %scan3A_68 to %scan3A_70 step %scan3A_71 iter_args(%scan3A_162 = %broadcast_in_dim3A_37, %scan3A_163 = %broadcast_in_dim3A_39, %scan3A_164 = %broadcast_in_dim3A_41, %scan3A_165 = %broadcast_in_dim3A_43, %scan3A_166 = %broadcast_in_dim3A_45, %scan3A_167 = %broadcast_in_dim3A_47, %scan3A_168 = %broadcast_in_dim3A_49, %scan3A_169 = %broadcast_in_dim3A_51, %scan3A_170 = %broadcast_in_dim3A_53, %scan3A_171 = %broadcast_in_dim3A_55, %scan3A_172 = %broadcast_in_dim3A_57, %scan3A_173 = %broadcast_in_dim3A_59, %scan3A_174 = %broadcast_in_dim3A_61, %scan3A_175 = %broadcast_in_dim3A_63, %scan3A_176 = %broadcast_in_dim3A_65, %scan3A_177 = %broadcast_in_dim3A_67) -> (vector<16xf32>, vector<16xf32>, vector<16xf32>, vector<16xf32>, vector<16xf32>, vector<16xf32>, vector<16xf32>, vector<16xf32>, vector<16xf32>, vector<16xf32>, vector<16xf32>, vector<16xf32>, vector<16xf32>, vector<16xf32>, vector<16xf32>, vector<16xf32>)  : i32 {
      %mul3A_178 = arith.constant 2 : i32
      %mul3A_179 = arith.muli %mul3A_178, %scan3A_161 : i32
      %add3A_180 = arith.constant 0 : i32
      %add3A_181 = arith.addi %mul3A_179, %add3A_180 : i32
      %add3A_182 = arith.constant 1 : i32
      %add3A_183 = arith.addi %add3A_181, %add3A_182 : i32
      %lt3A = arith.constant 250 : i32
      %lt3A_184 = arith.cmpi slt, %add3A_183, %lt3A : i32
      %convert_element_type3A = arith.extui %lt3A_184 : i1 to i32
      %cond3A = arith.constant 0 : i32
      %cond3A_185 = arith.cmpi ne, %convert_element_type3A, %cond3A : i32
      scf.if %cond3A_185 {
        %add3A_270 = arith.constant 1 : i32
        %add3A_271 = arith.addi %add3A_181, %add3A_270 : i32
        %mul3A_272 = arith.constant 40 : i32
        %mul3A_273 = arith.muli %add3A_271, %mul3A_272 : i32
        %add3A_274 = arith.addi %mul3A_23, %mul3A_273 : i32
        "tpu.region"() ({
          %run_scoped3A = tpu.sem_alloc : memref<!tpu.dma_semaphore, #tpu.memory_space<semaphore_mem>>
          %dma_start3A_281 = tpu.memref_slice %arg2[%add3A_274] : memref<320000xi32, #tpu.memory_space<hbm>> -> memref<40xi32, #tpu.memory_space<hbm>>
          %dma_start3A_282 = tpu.memref_slice %arg2[%add3A_274] : memref<320000xi32, #tpu.memory_space<hbm>> -> memref<40xi32, #tpu.memory_space<hbm>>
          tpu.enqueue_dma source(%dma_start3A_282 : memref<40xi32, #tpu.memory_space<hbm>>) target(%arg15 : memref<40xi32, #tpu.memory_space<vmem>>) target_semaphore(%run_scoped3A : memref<!tpu.dma_semaphore, #tpu.memory_space<semaphore_mem>>)
          %dma_wait3A_283 = tpu.memref_slice %arg2[%add3A_274] : memref<320000xi32, #tpu.memory_space<hbm>> -> memref<40xi32, #tpu.memory_space<hbm>>
          %dma_wait3A_284 = tpu.memref_slice %arg2[%add3A_274] : memref<320000xi32, #tpu.memory_space<hbm>> -> memref<40xi32, #tpu.memory_space<hbm>>
          tpu.wait_dma2 semaphore(%run_scoped3A : memref<!tpu.dma_semaphore, #tpu.memory_space<semaphore_mem>>) src(%dma_wait3A_284 : memref<40xi32, #tpu.memory_space<hbm>>) dst(%arg15 : memref<40xi32, #tpu.memory_space<vmem>>)
          tpu.yield
        }) : () -> ()
        "tpu.region"() ({
          %run_scoped3A = tpu.sem_alloc : memref<!tpu.dma_semaphore, #tpu.memory_space<semaphore_mem>>
          %dma_start3A_281 = tpu.memref_slice %arg3[%add3A_274] : memref<320000xi32, #tpu.memory_space<hbm>> -> memref<40xi32, #tpu.memory_space<hbm>>
          %dma_start3A_282 = tpu.memref_slice %arg3[%add3A_274] : memref<320000xi32, #tpu.memory_space<hbm>> -> memref<40xi32, #tpu.memory_space<hbm>>
          tpu.enqueue_dma source(%dma_start3A_282 : memref<40xi32, #tpu.memory_space<hbm>>) target(%arg16 : memref<40xi32, #tpu.memory_space<vmem>>) target_semaphore(%run_scoped3A : memref<!tpu.dma_semaphore, #tpu.memory_space<semaphore_mem>>)
          %dma_wait3A_283 = tpu.memref_slice %arg3[%add3A_274] : memref<320000xi32, #tpu.memory_space<hbm>> -> memref<40xi32, #tpu.memory_space<hbm>>
          %dma_wait3A_284 = tpu.memref_slice %arg3[%add3A_274] : memref<320000xi32, #tpu.memory_space<hbm>> -> memref<40xi32, #tpu.memory_space<hbm>>
          tpu.wait_dma2 semaphore(%run_scoped3A : memref<!tpu.dma_semaphore, #tpu.memory_space<semaphore_mem>>) src(%dma_wait3A_284 : memref<40xi32, #tpu.memory_space<hbm>>) dst(%arg16 : memref<40xi32, #tpu.memory_space<vmem>>)
          tpu.yield
        }) : () -> ()
        %dma_start3A_275 = arith.constant 0 : i32
        %dma_start3A_276 = arith.constant 0 : i32
        %dma_start3A_277 = tpu.memref_slice %arg4[%dma_start3A_275, %dma_start3A_276] : memref<10000x128xf32, #tpu.memory_space<hbm>> -> memref<10000x128xf32, #tpu.memory_space<hbm>>
        tpu.enqueue_indirect_dma source(%dma_start3A_277 : memref<10000x128xf32, #tpu.memory_space<hbm>>) target(%arg17 : memref<40x128xf32, #tpu.memory_space<vmem>>) offsets(%arg15 : memref<40xi32, #tpu.memory_space<vmem>>) semaphore(%arg25 : memref<!tpu.dma_semaphore, #tpu.memory_space<semaphore_mem>>)
        %dma_start3A_278 = arith.constant 0 : i32
        %dma_start3A_279 = arith.constant 0 : i32
        %dma_start3A_280 = tpu.memref_slice %arg5[%dma_start3A_278, %dma_start3A_279] : memref<10000x128xf32, #tpu.memory_space<hbm>> -> memref<10000x128xf32, #tpu.memory_space<hbm>>
        tpu.enqueue_indirect_dma source(%dma_start3A_280 : memref<10000x128xf32, #tpu.memory_space<hbm>>) target(%arg18 : memref<40x128xf32, #tpu.memory_space<vmem>>) offsets(%arg16 : memref<40xi32, #tpu.memory_space<vmem>>) semaphore(%arg25 : memref<!tpu.dma_semaphore, #tpu.memory_space<semaphore_mem>>)
      } else {
      }
      %dma_wait3A_186 = arith.constant 0 : i32
      %dma_wait3A_187 = arith.constant 0 : i32
      %dma_wait3A_188 = tpu.memref_slice %arg4[%dma_wait3A_186, %dma_wait3A_187] : memref<10000x128xf32, #tpu.memory_space<hbm>> -> memref<10000x128xf32, #tpu.memory_space<hbm>>
      tpu.wait_indirect_dma semaphore(%arg24 : memref<!tpu.dma_semaphore, #tpu.memory_space<semaphore_mem>>) src(%dma_wait3A_188 : memref<10000x128xf32, #tpu.memory_space<hbm>>) dst(%arg12 : memref<40x128xf32, #tpu.memory_space<vmem>>)
      %dma_wait3A_189 = arith.constant 0 : i32
      %dma_wait3A_190 = arith.constant 0 : i32
      %dma_wait3A_191 = tpu.memref_slice %arg5[%dma_wait3A_189, %dma_wait3A_190] : memref<10000x128xf32, #tpu.memory_space<hbm>> -> memref<10000x128xf32, #tpu.memory_space<hbm>>
      tpu.wait_indirect_dma semaphore(%arg24 : memref<!tpu.dma_semaphore, #tpu.memory_space<semaphore_mem>>) src(%dma_wait3A_191 : memref<10000x128xf32, #tpu.memory_space<hbm>>) dst(%arg13 : memref<40x128xf32, #tpu.memory_space<vmem>>)
      %dma_wait3A_192 = arith.constant 0 : i32
      %dma_wait3A_193 = arith.constant 0 : i32
      %dma_wait3A_194 = tpu.memref_slice %arg6[%dma_wait3A_192, %dma_wait3A_193] : memref<320000x64xf32, #tpu.memory_space<hbm>> -> memref<40x64xf32, #tpu.memory_space<hbm>>
      %dma_wait3A_195 = arith.constant 0 : i32
      %dma_wait3A_196 = arith.constant 0 : i32
      %dma_wait3A_197 = tpu.memref_slice %arg6[%dma_wait3A_195, %dma_wait3A_196] : memref<320000x64xf32, #tpu.memory_space<hbm>> -> memref<40x64xf32, #tpu.memory_space<hbm>>
      tpu.wait_dma2 semaphore(%arg26 : memref<!tpu.dma_semaphore, #tpu.memory_space<semaphore_mem>>) src(%dma_wait3A_197 : memref<40x64xf32, #tpu.memory_space<hbm>>) dst(%arg20 : memref<40x64xf32, #tpu.memory_space<vmem>>)
      %ge3A = arith.constant 2 : i32
      %ge3A_198 = arith.cmpi sge, %add3A_181, %ge3A : i32
      %convert_element_type3A_199 = arith.extui %ge3A_198 : i1 to i32
      %cond3A_200 = arith.constant 0 : i32
      %cond3A_201 = arith.cmpi ne, %convert_element_type3A_199, %cond3A_200 : i32
      scf.if %cond3A_201 {
        %dma_wait3A_270 = arith.constant 0 : i32
        %dma_wait3A_271 = arith.constant 0 : i32
        %dma_wait3A_272 = tpu.memref_slice %arg7[%dma_wait3A_270, %dma_wait3A_271] : memref<320000x64xf32, #tpu.memory_space<hbm>> -> memref<40x64xf32, #tpu.memory_space<hbm>>
        %dma_wait3A_273 = arith.constant 0 : i32
        %dma_wait3A_274 = arith.constant 0 : i32
        %dma_wait3A_275 = tpu.memref_slice %arg7[%dma_wait3A_273, %dma_wait3A_274] : memref<320000x64xf32, #tpu.memory_space<hbm>> -> memref<40x64xf32, #tpu.memory_space<hbm>>
        tpu.wait_dma2 semaphore(%arg27 : memref<!tpu.dma_semaphore, #tpu.memory_space<semaphore_mem>>) src(%arg14 : memref<40x64xf32, #tpu.memory_space<vmem>>) dst(%dma_wait3A_275 : memref<40x64xf32, #tpu.memory_space<hbm>>)
      } else {
      }
      %scan3A_202 = arith.constant 0 : i32
      %scan3A_203 = arith.constant 40 : i32
      %scan3A_204 = arith.addi %scan3A_202, %scan3A_203 : i32
      %scan3A_205 = arith.constant 1 : i32
      %scan3A_206:16 = scf.for %scan3A_270 = %scan3A_202 to %scan3A_204 step %scan3A_205 iter_args(%scan3A_271 = %scan3A_162, %scan3A_272 = %scan3A_163, %scan3A_273 = %scan3A_164, %scan3A_274 = %scan3A_165, %scan3A_275 = %scan3A_166, %scan3A_276 = %scan3A_167, %scan3A_277 = %scan3A_168, %scan3A_278 = %scan3A_169, %scan3A_279 = %scan3A_170, %scan3A_280 = %scan3A_171, %scan3A_281 = %scan3A_172, %scan3A_282 = %scan3A_173, %scan3A_283 = %scan3A_174, %scan3A_284 = %scan3A_175, %scan3A_285 = %scan3A_176, %scan3A_286 = %scan3A_177) -> (vector<16xf32>, vector<16xf32>, vector<16xf32>, vector<16xf32>, vector<16xf32>, vector<16xf32>, vector<16xf32>, vector<16xf32>, vector<16xf32>, vector<16xf32>, vector<16xf32>, vector<16xf32>, vector<16xf32>, vector<16xf32>, vector<16xf32>, vector<16xf32>)  : i32 {
        %get3A = arith.index_cast %scan3A_270 : i32 to index
        %get3A_287 = arith.constant 0 : index
        %get3A_288 = tpu.vector_load %arg20[%get3A, %get3A_287] {strides = array<i32>} : memref<40x64xf32, #tpu.memory_space<vmem>>, vector<16xf32>,
        %bitcast3A = vector.bitcast %get3A_288 : vector<16xf32> to vector<32xbf16>
        %unpack3A = tpu.unpack_subelements %bitcast3A, 0 {pack_format = #tpu.pack_format<interleaved>} : vector<32xbf16> -> vector<16xf32>
        %unpack3A_289 = tpu.unpack_subelements %bitcast3A, 1 {pack_format = #tpu.pack_format<interleaved>} : vector<32xbf16> -> vector<16xf32>
        %get3A_290 = arith.index_cast %scan3A_270 : i32 to index
        %get3A_291 = arith.constant 0 : index
        %get3A_292 = tpu.vector_load %arg13[%get3A_290, %get3A_291] {strides = array<i32>} : memref<40x128xf32, #tpu.memory_space<vmem>>, vector<16xf32>,
        %bitcast3A_293 = vector.bitcast %get3A_292 : vector<16xf32> to vector<32xbf16>
        %unpack3A_294 = tpu.unpack_subelements %bitcast3A_293, 0 {pack_format = #tpu.pack_format<interleaved>} : vector<32xbf16> -> vector<16xf32>
        %unpack3A_295 = tpu.unpack_subelements %bitcast3A_293, 1 {pack_format = #tpu.pack_format<interleaved>} : vector<32xbf16> -> vector<16xf32>
        %get3A_296 = arith.index_cast %scan3A_270 : i32 to index
        %get3A_297 = arith.constant 64 : index
        %get3A_298 = tpu.vector_load %arg13[%get3A_296, %get3A_297] {strides = array<i32>} : memref<40x128xf32, #tpu.memory_space<vmem>>, vector<16xf32>,
        %bitcast3A_299 = vector.bitcast %get3A_298 : vector<16xf32> to vector<32xbf16>
        %unpack3A_300 = tpu.unpack_subelements %bitcast3A_299, 0 {pack_format = #tpu.pack_format<interleaved>} : vector<32xbf16> -> vector<16xf32>
        %unpack3A_301 = tpu.unpack_subelements %bitcast3A_299, 1 {pack_format = #tpu.pack_format<interleaved>} : vector<32xbf16> -> vector<16xf32>
        %get3A_302 = arith.index_cast %scan3A_270 : i32 to index
        %get3A_303 = arith.constant 0 : index
        %get3A_304 = tpu.vector_load %arg12[%get3A_302, %get3A_303] {strides = array<i32>} : memref<40x128xf32, #tpu.memory_space<vmem>>, vector<16xf32>,
        %add3A_305 = arith.addf %get3A_304, %unpack3A_294 : vector<16xf32>
        %add3A_306 = arith.addf %add3A_305, %unpack3A : vector<16xf32>
        %get3A_307 = arith.index_cast %scan3A_270 : i32 to index
        %get3A_308 = arith.constant 64 : index
        %get3A_309 = tpu.vector_load %arg12[%get3A_307, %get3A_308] {strides = array<i32>} : memref<40x128xf32, #tpu.memory_space<vmem>>, vector<16xf32>,
        %add3A_310 = arith.addf %get3A_309, %unpack3A_300 : vector<16xf32>
        %add3A_311 = arith.addf %add3A_310, %unpack3A_289 : vector<16xf32>
        %pack3A = tpu.pack_subelements %add3A_306, %add3A_311 {pack_format = #tpu.pack_format<interleaved>, positions = array<i32: 0, 1>} : vector<16xf32>, vector<16xf32> -> vector<32xbf16>
        %bitcast3A_312 = vector.bitcast %pack3A : vector<32xbf16> to vector<16xf32>
        %swap3A_313 = arith.index_cast %scan3A_270 : i32 to index
        %swap3A_314 = arith.constant 0 : index
        %swap3A_315 = tpu.vector_load %arg14[%swap3A_313, %swap3A_314] {strides = array<i32>} : memref<40x64xf32, #tpu.memory_space<vmem>>, vector<16xf32>,
        tpu.vector_store %arg14[%swap3A_313, %swap3A_314], %bitcast3A_312 {strides = array<i32>} : memref<40x64xf32, #tpu.memory_space<vmem>>, vector<16xf32>,
        %neg3A = arith.constant 0.000000e+00 : f32
        %neg3A_316 = vector.broadcast %neg3A : f32 to vector<16xf32>
        %neg3A_317 = arith.subf %neg3A_316, %add3A_306 : vector<16xf32>
        %exp3A = math.exp %neg3A_317 : vector<16xf32>
        %add3A_318 = arith.constant 1.000000e+00 : f32
        %add3A_319 = vector.broadcast %add3A_318 : f32 to vector<16xf32>
        %add3A_320 = arith.addf %add3A_319, %exp3A : vector<16xf32>
        %div3A = arith.constant 1.000000e+00 : f32
        %div3A_321 = vector.broadcast %div3A : f32 to vector<16xf32>
        %div3A_322 = arith.divf %div3A_321, %add3A_320 : vector<16xf32>
        %neg3A_323 = arith.constant 0.000000e+00 : f32
        %neg3A_324 = vector.broadcast %neg3A_323 : f32 to vector<16xf32>
        %neg3A_325 = arith.subf %neg3A_324, %add3A_311 : vector<16xf32>
        %exp3A_326 = math.exp %neg3A_325 : vector<16xf32>
        %add3A_327 = arith.constant 1.000000e+00 : f32
        %add3A_328 = vector.broadcast %add3A_327 : f32 to vector<16xf32>
        %add3A_329 = arith.addf %add3A_328, %exp3A_326 : vector<16xf32>
        %div3A_330 = arith.constant 1.000000e+00 : f32
        %div3A_331 = vector.broadcast %div3A_330 : f32 to vector<16xf32>
        %div3A_332 = arith.divf %div3A_331, %add3A_329 : vector<16xf32>
        %mul3A_333 = arith.mulf %div3A_322, %unpack3A_295 : vector<16xf32>
        %swap3A_334 = arith.index_cast %scan3A_270 : i32 to index
        %swap3A_335 = arith.constant 0 : index
        %swap3A_336 = tpu.vector_load %arg21[%swap3A_334, %swap3A_335] {strides = array<i32>} : memref<40x128xf32, #tpu.memory_space<vmem>>, vector<16xf32>,
        tpu.vector_store %arg21[%swap3A_334, %swap3A_335], %mul3A_333 {strides = array<i32>} : memref<40x128xf32, #tpu.memory_space<vmem>>, vector<16xf32>,
        %mul3A_337 = arith.mulf %div3A_332, %unpack3A_301 : vector<16xf32>
        %swap3A_338 = arith.index_cast %scan3A_270 : i32 to index
        %swap3A_339 = arith.constant 64 : index
        %swap3A_340 = tpu.vector_load %arg21[%swap3A_338, %swap3A_339] {strides = array<i32>} : memref<40x128xf32, #tpu.memory_space<vmem>>, vector<16xf32>,
        tpu.vector_store %arg21[%swap3A_338, %swap3A_339], %mul3A_337 {strides = array<i32>} : memref<40x128xf32, #tpu.memory_space<vmem>>, vector<16xf32>,
        %add3A_341 = arith.addf %scan3A_271, %add3A_306 : vector<16xf32>
        %add3A_342 = arith.addf %scan3A_275, %add3A_311 : vector<16xf32>
        %mul3A_343 = arith.mulf %add3A_306, %add3A_306 : vector<16xf32>
        %add3A_344 = arith.addf %scan3A_279, %mul3A_343 : vector<16xf32>
        %mul3A_345 = arith.mulf %add3A_311, %add3A_311 : vector<16xf32>
        %add3A_346 = arith.addf %scan3A_283, %mul3A_345 : vector<16xf32>
        %get3A_347 = arith.index_cast %scan3A_270 : i32 to index
        %get3A_348 = arith.constant 16 : index
        %get3A_349 = tpu.vector_load %arg20[%get3A_347, %get3A_348] {strides = array<i32>} : memref<40x64xf32, #tpu.memory_space<vmem>>, vector<16xf32>,
        %bitcast3A_350 = vector.bitcast %get3A_349 : vector<16xf32> to vector<32xbf16>
        %unpack3A_351 = tpu.unpack_subelements %bitcast3A_350, 0 {pack_format = #tpu.pack_format<interleaved>} : vector<32xbf16> -> vector<16xf32>
        %unpack3A_352 = tpu.unpack_subelements %bitcast3A_350, 1 {pack_format = #tpu.pack_format<interleaved>} : vector<32xbf16> -> vector<16xf32>
        %get3A_353 = arith.index_cast %scan3A_270 : i32 to index
        %get3A_354 = arith.constant 16 : index
        %get3A_355 = tpu.vector_load %arg13[%get3A_353, %get3A_354] {strides = array<i32>} : memref<40x128xf32, #tpu.memory_space<vmem>>, vector<16xf32>,
        %bitcast3A_356 = vector.bitcast %get3A_355 : vector<16xf32> to vector<32xbf16>
        %unpack3A_357 = tpu.unpack_subelements %bitcast3A_356, 0 {pack_format = #tpu.pack_format<interleaved>} : vector<32xbf16> -> vector<16xf32>
        %unpack3A_358 = tpu.unpack_subelements %bitcast3A_356, 1 {pack_format = #tpu.pack_format<interleaved>} : vector<32xbf16> -> vector<16xf32>
        %get3A_359 = arith.index_cast %scan3A_270 : i32 to index
        %get3A_360 = arith.constant 80 : index
        %get3A_361 = tpu.vector_load %arg13[%get3A_359, %get3A_360] {strides = array<i32>} : memref<40x128xf32, #tpu.memory_space<vmem>>, vector<16xf32>,
        %bitcast3A_362 = vector.bitcast %get3A_361 : vector<16xf32> to vector<32xbf16>
        %unpack3A_363 = tpu.unpack_subelements %bitcast3A_362, 0 {pack_format = #tpu.pack_format<interleaved>} : vector<32xbf16> -> vector<16xf32>
        %unpack3A_364 = tpu.unpack_subelements %bitcast3A_362, 1 {pack_format = #tpu.pack_format<interleaved>} : vector<32xbf16> -> vector<16xf32>
        %get3A_365 = arith.index_cast %scan3A_270 : i32 to index
        %get3A_366 = arith.constant 16 : index
        %get3A_367 = tpu.vector_load %arg12[%get3A_365, %get3A_366] {strides = array<i32>} : memref<40x128xf32, #tpu.memory_space<vmem>>, vector<16xf32>,
        %add3A_368 = arith.addf %get3A_367, %unpack3A_357 : vector<16xf32>
        %add3A_369 = arith.addf %add3A_368, %unpack3A_351 : vector<16xf32>
        %get3A_370 = arith.index_cast %scan3A_270 : i32 to index
        %get3A_371 = arith.constant 80 : index
        %get3A_372 = tpu.vector_load %arg12[%get3A_370, %get3A_371] {strides = array<i32>} : memref<40x128xf32, #tpu.memory_space<vmem>>, vector<16xf32>,
        %add3A_373 = arith.addf %get3A_372, %unpack3A_363 : vector<16xf32>
        %add3A_374 = arith.addf %add3A_373, %unpack3A_352 : vector<16xf32>
        %pack3A_375 = tpu.pack_subelements %add3A_369, %add3A_374 {pack_format = #tpu.pack_format<interleaved>, positions = array<i32: 0, 1>} : vector<16xf32>, vector<16xf32> -> vector<32xbf16>
        %bitcast3A_376 = vector.bitcast %pack3A_375 : vector<32xbf16> to vector<16xf32>
        %swap3A_377 = arith.index_cast %scan3A_270 : i32 to index
        %swap3A_378 = arith.constant 16 : index
        %swap3A_379 = tpu.vector_load %arg14[%swap3A_377, %swap3A_378] {strides = array<i32>} : memref<40x64xf32, #tpu.memory_space<vmem>>, vector<16xf32>,
        tpu.vector_store %arg14[%swap3A_377, %swap3A_378], %bitcast3A_376 {strides = array<i32>} : memref<40x64xf32, #tpu.memory_space<vmem>>, vector<16xf32>,
        %neg3A_380 = arith.constant 0.000000e+00 : f32
        %neg3A_381 = vector.broadcast %neg3A_380 : f32 to vector<16xf32>
        %neg3A_382 = arith.subf %neg3A_381, %add3A_369 : vector<16xf32>
        %exp3A_383 = math.exp %neg3A_382 : vector<16xf32>
        %add3A_384 = arith.constant 1.000000e+00 : f32
        %add3A_385 = vector.broadcast %add3A_384 : f32 to vector<16xf32>
        %add3A_386 = arith.addf %add3A_385, %exp3A_383 : vector<16xf32>
        %div3A_387 = arith.constant 1.000000e+00 : f32
        %div3A_388 = vector.broadcast %div3A_387 : f32 to vector<16xf32>
        %div3A_389 = arith.divf %div3A_388, %add3A_386 : vector<16xf32>
        %neg3A_390 = arith.constant 0.000000e+00 : f32
        %neg3A_391 = vector.broadcast %neg3A_390 : f32 to vector<16xf32>
        %neg3A_392 = arith.subf %neg3A_391, %add3A_374 : vector<16xf32>
        %exp3A_393 = math.exp %neg3A_392 : vector<16xf32>
        %add3A_394 = arith.constant 1.000000e+00 : f32
        %add3A_395 = vector.broadcast %add3A_394 : f32 to vector<16xf32>
        %add3A_396 = arith.addf %add3A_395, %exp3A_393 : vector<16xf32>
        %div3A_397 = arith.constant 1.000000e+00 : f32
        %div3A_398 = vector.broadcast %div3A_397 : f32 to vector<16xf32>
        %div3A_399 = arith.divf %div3A_398, %add3A_396 : vector<16xf32>
        %mul3A_400 = arith.mulf %div3A_389, %unpack3A_358 : vector<16xf32>
        %swap3A_401 = arith.index_cast %scan3A_270 : i32 to index
        %swap3A_402 = arith.constant 16 : index
        %swap3A_403 = tpu.vector_load %arg21[%swap3A_401, %swap3A_402] {strides = array<i32>} : memref<40x128xf32, #tpu.memory_space<vmem>>, vector<16xf32>,
        tpu.vector_store %arg21[%swap3A_401, %swap3A_402], %mul3A_400 {strides = array<i32>} : memref<40x128xf32, #tpu.memory_space<vmem>>, vector<16xf32>,
        %mul3A_404 = arith.mulf %div3A_399, %unpack3A_364 : vector<16xf32>
        %swap3A_405 = arith.index_cast %scan3A_270 : i32 to index
        %swap3A_406 = arith.constant 80 : index
        %swap3A_407 = tpu.vector_load %arg21[%swap3A_405, %swap3A_406] {strides = array<i32>} : memref<40x128xf32, #tpu.memory_space<vmem>>, vector<16xf32>,
        tpu.vector_store %arg21[%swap3A_405, %swap3A_406], %mul3A_404 {strides = array<i32>} : memref<40x128xf32, #tpu.memory_space<vmem>>, vector<16xf32>,
        %add3A_408 = arith.addf %scan3A_272, %add3A_369 : vector<16xf32>
        %add3A_409 = arith.addf %scan3A_276, %add3A_374 : vector<16xf32>
        %mul3A_410 = arith.mulf %add3A_369, %add3A_369 : vector<16xf32>
        %add3A_411 = arith.addf %scan3A_280, %mul3A_410 : vector<16xf32>
        %mul3A_412 = arith.mulf %add3A_374, %add3A_374 : vector<16xf32>
        %add3A_413 = arith.addf %scan3A_284, %mul3A_412 : vector<16xf32>
        %get3A_414 = arith.index_cast %scan3A_270 : i32 to index
        %get3A_415 = arith.constant 32 : index
        %get3A_416 = tpu.vector_load %arg20[%get3A_414, %get3A_415] {strides = array<i32>} : memref<40x64xf32, #tpu.memory_space<vmem>>, vector<16xf32>,
        %bitcast3A_417 = vector.bitcast %get3A_416 : vector<16xf32> to vector<32xbf16>
        %unpack3A_418 = tpu.unpack_subelements %bitcast3A_417, 0 {pack_format = #tpu.pack_format<interleaved>} : vector<32xbf16> -> vector<16xf32>
        %unpack3A_419 = tpu.unpack_subelements %bitcast3A_417, 1 {pack_format = #tpu.pack_format<interleaved>} : vector<32xbf16> -> vector<16xf32>
        %get3A_420 = arith.index_cast %scan3A_270 : i32 to index
        %get3A_421 = arith.constant 32 : index
        %get3A_422 = tpu.vector_load %arg13[%get3A_420, %get3A_421] {strides = array<i32>} : memref<40x128xf32, #tpu.memory_space<vmem>>, vector<16xf32>,
        %bitcast3A_423 = vector.bitcast %get3A_422 : vector<16xf32> to vector<32xbf16>
        %unpack3A_424 = tpu.unpack_subelements %bitcast3A_423, 0 {pack_format = #tpu.pack_format<interleaved>} : vector<32xbf16> -> vector<16xf32>
        %unpack3A_425 = tpu.unpack_subelements %bitcast3A_423, 1 {pack_format = #tpu.pack_format<interleaved>} : vector<32xbf16> -> vector<16xf32>
        %get3A_426 = arith.index_cast %scan3A_270 : i32 to index
        %get3A_427 = arith.constant 96 : index
        %get3A_428 = tpu.vector_load %arg13[%get3A_426, %get3A_427] {strides = array<i32>} : memref<40x128xf32, #tpu.memory_space<vmem>>, vector<16xf32>,
        %bitcast3A_429 = vector.bitcast %get3A_428 : vector<16xf32> to vector<32xbf16>
        %unpack3A_430 = tpu.unpack_subelements %bitcast3A_429, 0 {pack_format = #tpu.pack_format<interleaved>} : vector<32xbf16> -> vector<16xf32>
        %unpack3A_431 = tpu.unpack_subelements %bitcast3A_429, 1 {pack_format = #tpu.pack_format<interleaved>} : vector<32xbf16> -> vector<16xf32>
        %get3A_432 = arith.index_cast %scan3A_270 : i32 to index
        %get3A_433 = arith.constant 32 : index
        %get3A_434 = tpu.vector_load %arg12[%get3A_432, %get3A_433] {strides = array<i32>} : memref<40x128xf32, #tpu.memory_space<vmem>>, vector<16xf32>,
        %add3A_435 = arith.addf %get3A_434, %unpack3A_424 : vector<16xf32>
        %add3A_436 = arith.addf %add3A_435, %unpack3A_418 : vector<16xf32>
        %get3A_437 = arith.index_cast %scan3A_270 : i32 to index
        %get3A_438 = arith.constant 96 : index
        %get3A_439 = tpu.vector_load %arg12[%get3A_437, %get3A_438] {strides = array<i32>} : memref<40x128xf32, #tpu.memory_space<vmem>>, vector<16xf32>,
        %add3A_440 = arith.addf %get3A_439, %unpack3A_430 : vector<16xf32>
        %add3A_441 = arith.addf %add3A_440, %unpack3A_419 : vector<16xf32>
        %pack3A_442 = tpu.pack_subelements %add3A_436, %add3A_441 {pack_format = #tpu.pack_format<interleaved>, positions = array<i32: 0, 1>} : vector<16xf32>, vector<16xf32> -> vector<32xbf16>
        %bitcast3A_443 = vector.bitcast %pack3A_442 : vector<32xbf16> to vector<16xf32>
        %swap3A_444 = arith.index_cast %scan3A_270 : i32 to index
        %swap3A_445 = arith.constant 32 : index
        %swap3A_446 = tpu.vector_load %arg14[%swap3A_444, %swap3A_445] {strides = array<i32>} : memref<40x64xf32, #tpu.memory_space<vmem>>, vector<16xf32>,
        tpu.vector_store %arg14[%swap3A_444, %swap3A_445], %bitcast3A_443 {strides = array<i32>} : memref<40x64xf32, #tpu.memory_space<vmem>>, vector<16xf32>,
        %neg3A_447 = arith.constant 0.000000e+00 : f32
        %neg3A_448 = vector.broadcast %neg3A_447 : f32 to vector<16xf32>
        %neg3A_449 = arith.subf %neg3A_448, %add3A_436 : vector<16xf32>
        %exp3A_450 = math.exp %neg3A_449 : vector<16xf32>
        %add3A_451 = arith.constant 1.000000e+00 : f32
        %add3A_452 = vector.broadcast %add3A_451 : f32 to vector<16xf32>
        %add3A_453 = arith.addf %add3A_452, %exp3A_450 : vector<16xf32>
        %div3A_454 = arith.constant 1.000000e+00 : f32
        %div3A_455 = vector.broadcast %div3A_454 : f32 to vector<16xf32>
        %div3A_456 = arith.divf %div3A_455, %add3A_453 : vector<16xf32>
        %neg3A_457 = arith.constant 0.000000e+00 : f32
        %neg3A_458 = vector.broadcast %neg3A_457 : f32 to vector<16xf32>
        %neg3A_459 = arith.subf %neg3A_458, %add3A_441 : vector<16xf32>
        %exp3A_460 = math.exp %neg3A_459 : vector<16xf32>
        %add3A_461 = arith.constant 1.000000e+00 : f32
        %add3A_462 = vector.broadcast %add3A_461 : f32 to vector<16xf32>
        %add3A_463 = arith.addf %add3A_462, %exp3A_460 : vector<16xf32>
        %div3A_464 = arith.constant 1.000000e+00 : f32
        %div3A_465 = vector.broadcast %div3A_464 : f32 to vector<16xf32>
        %div3A_466 = arith.divf %div3A_465, %add3A_463 : vector<16xf32>
        %mul3A_467 = arith.mulf %div3A_456, %unpack3A_425 : vector<16xf32>
        %swap3A_468 = arith.index_cast %scan3A_270 : i32 to index
        %swap3A_469 = arith.constant 32 : index
        %swap3A_470 = tpu.vector_load %arg21[%swap3A_468, %swap3A_469] {strides = array<i32>} : memref<40x128xf32, #tpu.memory_space<vmem>>, vector<16xf32>,
        tpu.vector_store %arg21[%swap3A_468, %swap3A_469], %mul3A_467 {strides = array<i32>} : memref<40x128xf32, #tpu.memory_space<vmem>>, vector<16xf32>,
        %mul3A_471 = arith.mulf %div3A_466, %unpack3A_431 : vector<16xf32>
        %swap3A_472 = arith.index_cast %scan3A_270 : i32 to index
        %swap3A_473 = arith.constant 96 : index
        %swap3A_474 = tpu.vector_load %arg21[%swap3A_472, %swap3A_473] {strides = array<i32>} : memref<40x128xf32, #tpu.memory_space<vmem>>, vector<16xf32>,
        tpu.vector_store %arg21[%swap3A_472, %swap3A_473], %mul3A_471 {strides = array<i32>} : memref<40x128xf32, #tpu.memory_space<vmem>>, vector<16xf32>,
        %add3A_475 = arith.addf %scan3A_273, %add3A_436 : vector<16xf32>
        %add3A_476 = arith.addf %scan3A_277, %add3A_441 : vector<16xf32>
        %mul3A_477 = arith.mulf %add3A_436, %add3A_436 : vector<16xf32>
        %add3A_478 = arith.addf %scan3A_281, %mul3A_477 : vector<16xf32>
        %mul3A_479 = arith.mulf %add3A_441, %add3A_441 : vector<16xf32>
        %add3A_480 = arith.addf %scan3A_285, %mul3A_479 : vector<16xf32>
        %get3A_481 = arith.index_cast %scan3A_270 : i32 to index
        %get3A_482 = arith.constant 48 : index
        %get3A_483 = tpu.vector_load %arg20[%get3A_481, %get3A_482] {strides = array<i32>} : memref<40x64xf32, #tpu.memory_space<vmem>>, vector<16xf32>,
        %bitcast3A_484 = vector.bitcast %get3A_483 : vector<16xf32> to vector<32xbf16>
        %unpack3A_485 = tpu.unpack_subelements %bitcast3A_484, 0 {pack_format = #tpu.pack_format<interleaved>} : vector<32xbf16> -> vector<16xf32>
        %unpack3A_486 = tpu.unpack_subelements %bitcast3A_484, 1 {pack_format = #tpu.pack_format<interleaved>} : vector<32xbf16> -> vector<16xf32>
        %get3A_487 = arith.index_cast %scan3A_270 : i32 to index
        %get3A_488 = arith.constant 48 : index
        %get3A_489 = tpu.vector_load %arg13[%get3A_487, %get3A_488] {strides = array<i32>} : memref<40x128xf32, #tpu.memory_space<vmem>>, vector<16xf32>,
        %bitcast3A_490 = vector.bitcast %get3A_489 : vector<16xf32> to vector<32xbf16>
        %unpack3A_491 = tpu.unpack_subelements %bitcast3A_490, 0 {pack_format = #tpu.pack_format<interleaved>} : vector<32xbf16> -> vector<16xf32>
        %unpack3A_492 = tpu.unpack_subelements %bitcast3A_490, 1 {pack_format = #tpu.pack_format<interleaved>} : vector<32xbf16> -> vector<16xf32>
        %get3A_493 = arith.index_cast %scan3A_270 : i32 to index
        %get3A_494 = arith.constant 112 : index
        %get3A_495 = tpu.vector_load %arg13[%get3A_493, %get3A_494] {strides = array<i32>} : memref<40x128xf32, #tpu.memory_space<vmem>>, vector<16xf32>,
        %bitcast3A_496 = vector.bitcast %get3A_495 : vector<16xf32> to vector<32xbf16>
        %unpack3A_497 = tpu.unpack_subelements %bitcast3A_496, 0 {pack_format = #tpu.pack_format<interleaved>} : vector<32xbf16> -> vector<16xf32>
        %unpack3A_498 = tpu.unpack_subelements %bitcast3A_496, 1 {pack_format = #tpu.pack_format<interleaved>} : vector<32xbf16> -> vector<16xf32>
        %get3A_499 = arith.index_cast %scan3A_270 : i32 to index
        %get3A_500 = arith.constant 48 : index
        %get3A_501 = tpu.vector_load %arg12[%get3A_499, %get3A_500] {strides = array<i32>} : memref<40x128xf32, #tpu.memory_space<vmem>>, vector<16xf32>,
        %add3A_502 = arith.addf %get3A_501, %unpack3A_491 : vector<16xf32>
        %add3A_503 = arith.addf %add3A_502, %unpack3A_485 : vector<16xf32>
        %get3A_504 = arith.index_cast %scan3A_270 : i32 to index
        %get3A_505 = arith.constant 112 : index
        %get3A_506 = tpu.vector_load %arg12[%get3A_504, %get3A_505] {strides = array<i32>} : memref<40x128xf32, #tpu.memory_space<vmem>>, vector<16xf32>,
        %add3A_507 = arith.addf %get3A_506, %unpack3A_497 : vector<16xf32>
        %add3A_508 = arith.addf %add3A_507, %unpack3A_486 : vector<16xf32>
        %pack3A_509 = tpu.pack_subelements %add3A_503, %add3A_508 {pack_format = #tpu.pack_format<interleaved>, positions = array<i32: 0, 1>} : vector<16xf32>, vector<16xf32> -> vector<32xbf16>
        %bitcast3A_510 = vector.bitcast %pack3A_509 : vector<32xbf16> to vector<16xf32>
        %swap3A_511 = arith.index_cast %scan3A_270 : i32 to index
        %swap3A_512 = arith.constant 48 : index
        %swap3A_513 = tpu.vector_load %arg14[%swap3A_511, %swap3A_512] {strides = array<i32>} : memref<40x64xf32, #tpu.memory_space<vmem>>, vector<16xf32>,
        tpu.vector_store %arg14[%swap3A_511, %swap3A_512], %bitcast3A_510 {strides = array<i32>} : memref<40x64xf32, #tpu.memory_space<vmem>>, vector<16xf32>,
        %neg3A_514 = arith.constant 0.000000e+00 : f32
        %neg3A_515 = vector.broadcast %neg3A_514 : f32 to vector<16xf32>
        %neg3A_516 = arith.subf %neg3A_515, %add3A_503 : vector<16xf32>
        %exp3A_517 = math.exp %neg3A_516 : vector<16xf32>
        %add3A_518 = arith.constant 1.000000e+00 : f32
        %add3A_519 = vector.broadcast %add3A_518 : f32 to vector<16xf32>
        %add3A_520 = arith.addf %add3A_519, %exp3A_517 : vector<16xf32>
        %div3A_521 = arith.constant 1.000000e+00 : f32
        %div3A_522 = vector.broadcast %div3A_521 : f32 to vector<16xf32>
        %div3A_523 = arith.divf %div3A_522, %add3A_520 : vector<16xf32>
        %neg3A_524 = arith.constant 0.000000e+00 : f32
        %neg3A_525 = vector.broadcast %neg3A_524 : f32 to vector<16xf32>
        %neg3A_526 = arith.subf %neg3A_525, %add3A_508 : vector<16xf32>
        %exp3A_527 = math.exp %neg3A_526 : vector<16xf32>
        %add3A_528 = arith.constant 1.000000e+00 : f32
        %add3A_529 = vector.broadcast %add3A_528 : f32 to vector<16xf32>
        %add3A_530 = arith.addf %add3A_529, %exp3A_527 : vector<16xf32>
        %div3A_531 = arith.constant 1.000000e+00 : f32
        %div3A_532 = vector.broadcast %div3A_531 : f32 to vector<16xf32>
        %div3A_533 = arith.divf %div3A_532, %add3A_530 : vector<16xf32>
        %mul3A_534 = arith.mulf %div3A_523, %unpack3A_492 : vector<16xf32>
        %swap3A_535 = arith.index_cast %scan3A_270 : i32 to index
        %swap3A_536 = arith.constant 48 : index
        %swap3A_537 = tpu.vector_load %arg21[%swap3A_535, %swap3A_536] {strides = array<i32>} : memref<40x128xf32, #tpu.memory_space<vmem>>, vector<16xf32>,
        tpu.vector_store %arg21[%swap3A_535, %swap3A_536], %mul3A_534 {strides = array<i32>} : memref<40x128xf32, #tpu.memory_space<vmem>>, vector<16xf32>,
        %mul3A_538 = arith.mulf %div3A_533, %unpack3A_498 : vector<16xf32>
        %swap3A_539 = arith.index_cast %scan3A_270 : i32 to index
        %swap3A_540 = arith.constant 112 : index
        %swap3A_541 = tpu.vector_load %arg21[%swap3A_539, %swap3A_540] {strides = array<i32>} : memref<40x128xf32, #tpu.memory_space<vmem>>, vector<16xf32>,
        tpu.vector_store %arg21[%swap3A_539, %swap3A_540], %mul3A_538 {strides = array<i32>} : memref<40x128xf32, #tpu.memory_space<vmem>>, vector<16xf32>,
        %add3A_542 = arith.addf %scan3A_274, %add3A_503 : vector<16xf32>
        %add3A_543 = arith.addf %scan3A_278, %add3A_508 : vector<16xf32>
        %mul3A_544 = arith.mulf %add3A_503, %add3A_503 : vector<16xf32>
        %add3A_545 = arith.addf %scan3A_282, %mul3A_544 : vector<16xf32>
        %mul3A_546 = arith.mulf %add3A_508, %add3A_508 : vector<16xf32>
        %add3A_547 = arith.addf %scan3A_286, %mul3A_546 : vector<16xf32>
        scf.yield %add3A_341, %add3A_408, %add3A_475, %add3A_542, %add3A_342, %add3A_409, %add3A_476, %add3A_543, %add3A_344, %add3A_411, %add3A_478, %add3A_545, %add3A_346, %add3A_413, %add3A_480, %add3A_547 : vector<16xf32>, vector<16xf32>, vector<16xf32>, vector<16xf32>, vector<16xf32>, vector<16xf32>, vector<16xf32>, vector<16xf32>, vector<16xf32>, vector<16xf32>, vector<16xf32>, vector<16xf32>, vector<16xf32>, vector<16xf32>, vector<16xf32>, vector<16xf32>
      }
      %scan3A_207 = arith.constant 40 : i32
      %add3A_208 = arith.constant 1 : i32
      %add3A_209 = arith.addi %add3A_181, %add3A_208 : i32
      %lt3A_210 = arith.constant 250 : i32
      %lt3A_211 = arith.cmpi slt, %add3A_209, %lt3A_210 : i32
      %convert_element_type3A_212 = arith.extui %lt3A_211 : i1 to i32
      %cond3A_213 = arith.constant 0 : i32
      %cond3A_214 = arith.cmpi ne, %convert_element_type3A_212, %cond3A_213 : i32
      scf.if %cond3A_214 {
        %add3A_270 = arith.constant 1 : i32
        %add3A_271 = arith.addi %add3A_181, %add3A_270 : i32
        %mul3A_272 = arith.constant 40 : i32
        %mul3A_273 = arith.muli %add3A_271, %mul3A_272 : i32
        %add3A_274 = arith.addi %mul3A_23, %mul3A_273 : i32
        %dma_start3A_275 = arith.constant 0 : i32
        %dma_start3A_276 = tpu.memref_slice %arg6[%add3A_274, %dma_start3A_275] : memref<320000x64xf32, #tpu.memory_space<hbm>> -> memref<40x64xf32, #tpu.memory_space<hbm>>
        %dma_start3A_277 = arith.constant 0 : i32
        %dma_start3A_278 = tpu.memref_slice %arg6[%add3A_274, %dma_start3A_277] : memref<320000x64xf32, #tpu.memory_space<hbm>> -> memref<40x64xf32, #tpu.memory_space<hbm>>
        tpu.enqueue_dma source(%dma_start3A_278 : memref<40x64xf32, #tpu.memory_space<hbm>>) target(%arg20 : memref<40x64xf32, #tpu.memory_space<vmem>>) target_semaphore(%arg26 : memref<!tpu.dma_semaphore, #tpu.memory_space<semaphore_mem>>)
      } else {
      }
      %mul3A_215 = arith.constant 40 : i32
      %mul3A_216 = arith.muli %add3A_181, %mul3A_215 : i32
      %add3A_217 = arith.addi %mul3A_23, %mul3A_216 : i32
      %dma_start3A_218 = arith.constant 0 : i32
      %dma_start3A_219 = tpu.memref_slice %arg7[%add3A_217, %dma_start3A_218] : memref<320000x64xf32, #tpu.memory_space<hbm>> -> memref<40x64xf32, #tpu.memory_space<hbm>>
      %dma_start3A_220 = arith.constant 0 : i32
      %dma_start3A_221 = tpu.memref_slice %arg7[%add3A_217, %dma_start3A_220] : memref<320000x64xf32, #tpu.memory_space<hbm>> -> memref<40x64xf32, #tpu.memory_space<hbm>>
      tpu.enqueue_dma source(%arg14 : memref<40x64xf32, #tpu.memory_space<vmem>>) target(%dma_start3A_221 : memref<40x64xf32, #tpu.memory_space<hbm>>) target_semaphore(%arg27 : memref<!tpu.dma_semaphore, #tpu.memory_space<semaphore_mem>>)
      "tpu.region"() ({
        %run_scoped3A = tpu.sem_alloc : memref<!tpu.dma_semaphore, #tpu.memory_space<semaphore_mem>>
        %dma_start3A_270 = arith.constant 0 : i32
        %dma_start3A_271 = arith.constant 0 : i32
        %dma_start3A_272 = tpu.memref_slice %arg23[%dma_start3A_270, %dma_start3A_271] : memref<10000x128xf32, #tpu.memory_space<vmem_shared>> -> memref<10000x128xf32, #tpu.memory_space<vmem_shared>>
        tpu.enqueue_indirect_dma source(%arg21 : memref<40x128xf32, #tpu.memory_space<vmem>>) target(%dma_start3A_272 : memref<10000x128xf32, #tpu.memory_space<vmem_shared>>) offsets(%arg10 : memref<40xi32, #tpu.memory_space<vmem>>) semaphore(%run_scoped3A : memref<!tpu.dma_semaphore, #tpu.memory_space<semaphore_mem>>) {add = true}
        %dma_wait3A_273 = arith.constant 0 : i32
        %dma_wait3A_274 = arith.constant 0 : i32
        %dma_wait3A_275 = tpu.memref_slice %arg23[%dma_wait3A_273, %dma_wait3A_274] : memref<10000x128xf32, #tpu.memory_space<vmem_shared>> -> memref<10000x128xf32, #tpu.memory_space<vmem_shared>>
        tpu.wait_indirect_dma semaphore(%run_scoped3A : memref<!tpu.dma_semaphore, #tpu.memory_space<semaphore_mem>>) src(%arg21 : memref<40x128xf32, #tpu.memory_space<vmem>>) dst(%dma_wait3A_275 : memref<10000x128xf32, #tpu.memory_space<vmem_shared>>)
        tpu.yield
      }) : () -> ()
      %mul3A_222 = arith.constant 2 : i32
      %mul3A_223 = arith.muli %mul3A_222, %scan3A_161 : i32
      %add3A_224 = arith.constant 1 : i32
      %add3A_225 = arith.addi %mul3A_223, %add3A_224 : i32
      %add3A_226 = arith.constant 1 : i32
      %add3A_227 = arith.addi %add3A_225, %add3A_226 : i32
      %lt3A_228 = arith.constant 250 : i32
      %lt3A_229 = arith.cmpi slt, %add3A_227, %lt3A_228 : i32
      %convert_element_type3A_230 = arith.extui %lt3A_229 : i1 to i32
      %cond3A_231 = arith.constant 0 : i32
      %cond3A_232 = arith.cmpi ne, %convert_element_type3A_230, %cond3A_231 : i32
      scf.if %cond3A_232 {
        %add3A_270 = arith.constant 1 : i32
        %add3A_271 = arith.addi %add3A_225, %add3A_270 : i32
        %mul3A_272 = arith.constant 40 : i32
        %mul3A_273 = arith.muli %add3A_271, %mul3A_272 : i32
        %add3A_274 = arith.addi %mul3A_23, %mul3A_273 : i32
        "tpu.region"() ({
          %run_scoped3A = tpu.sem_alloc : memref<!tpu.dma_semaphore, #tpu.memory_space<semaphore_mem>>
          %dma_start3A_281 = tpu.memref_slice %arg2[%add3A_274] : memref<320000xi32, #tpu.memory_space<hbm>> -> memref<40xi32, #tpu.memory_space<hbm>>
          %dma_start3A_282 = tpu.memref_slice %arg2[%add3A_274] : memref<320000xi32, #tpu.memory_space<hbm>> -> memref<40xi32, #tpu.memory_space<hbm>>
          tpu.enqueue_dma source(%dma_start3A_282 : memref<40xi32, #tpu.memory_space<hbm>>) target(%arg10 : memref<40xi32, #tpu.memory_space<vmem>>) target_semaphore(%run_scoped3A : memref<!tpu.dma_semaphore, #tpu.memory_space<semaphore_mem>>)
          %dma_wait3A_283 = tpu.memref_slice %arg2[%add3A_274] : memref<320000xi32, #tpu.memory_space<hbm>> -> memref<40xi32, #tpu.memory_space<hbm>>
          %dma_wait3A_284 = tpu.memref_slice %arg2[%add3A_274] : memref<320000xi32, #tpu.memory_space<hbm>> -> memref<40xi32, #tpu.memory_space<hbm>>
          tpu.wait_dma2 semaphore(%run_scoped3A : memref<!tpu.dma_semaphore, #tpu.memory_space<semaphore_mem>>) src(%dma_wait3A_284 : memref<40xi32, #tpu.memory_space<hbm>>) dst(%arg10 : memref<40xi32, #tpu.memory_space<vmem>>)
          tpu.yield
        }) : () -> ()
        "tpu.region"() ({
          %run_scoped3A = tpu.sem_alloc : memref<!tpu.dma_semaphore, #tpu.memory_space<semaphore_mem>>
          %dma_start3A_281 = tpu.memref_slice %arg3[%add3A_274] : memref<320000xi32, #tpu.memory_space<hbm>> -> memref<40xi32, #tpu.memory_space<hbm>>
          %dma_start3A_282 = tpu.memref_slice %arg3[%add3A_274] : memref<320000xi32, #tpu.memory_space<hbm>> -> memref<40xi32, #tpu.memory_space<hbm>>
          tpu.enqueue_dma source(%dma_start3A_282 : memref<40xi32, #tpu.memory_space<hbm>>) target(%arg11 : memref<40xi32, #tpu.memory_space<vmem>>) target_semaphore(%run_scoped3A : memref<!tpu.dma_semaphore, #tpu.memory_space<semaphore_mem>>)
          %dma_wait3A_283 = tpu.memref_slice %arg3[%add3A_274] : memref<320000xi32, #tpu.memory_space<hbm>> -> memref<40xi32, #tpu.memory_space<hbm>>
          %dma_wait3A_284 = tpu.memref_slice %arg3[%add3A_274] : memref<320000xi32, #tpu.memory_space<hbm>> -> memref<40xi32, #tpu.memory_space<hbm>>
          tpu.wait_dma2 semaphore(%run_scoped3A : memref<!tpu.dma_semaphore, #tpu.memory_space<semaphore_mem>>) src(%dma_wait3A_284 : memref<40xi32, #tpu.memory_space<hbm>>) dst(%arg11 : memref<40xi32, #tpu.memory_space<vmem>>)
          tpu.yield
        }) : () -> ()
        %dma_start3A_275 = arith.constant 0 : i32
        %dma_start3A_276 = arith.constant 0 : i32
        %dma_start3A_277 = tpu.memref_slice %arg4[%dma_start3A_275, %dma_start3A_276] : memref<10000x128xf32, #tpu.memory_space<hbm>> -> memref<10000x128xf32, #tpu.memory_space<hbm>>
        tpu.enqueue_indirect_dma source(%dma_start3A_277 : memref<10000x128xf32, #tpu.memory_space<hbm>>) target(%arg12 : memref<40x128xf32, #tpu.memory_space<vmem>>) offsets(%arg10 : memref<40xi32, #tpu.memory_space<vmem>>) semaphore(%arg24 : memref<!tpu.dma_semaphore, #tpu.memory_space<semaphore_mem>>)
        %dma_start3A_278 = arith.constant 0 : i32
        %dma_start3A_279 = arith.constant 0 : i32
        %dma_start3A_280 = tpu.memref_slice %arg5[%dma_start3A_278, %dma_start3A_279] : memref<10000x128xf32, #tpu.memory_space<hbm>> -> memref<10000x128xf32, #tpu.memory_space<hbm>>
        tpu.enqueue_indirect_dma source(%dma_start3A_280 : memref<10000x128xf32, #tpu.memory_space<hbm>>) target(%arg13 : memref<40x128xf32, #tpu.memory_space<vmem>>) offsets(%arg11 : memref<40xi32, #tpu.memory_space<vmem>>) semaphore(%arg24 : memref<!tpu.dma_semaphore, #tpu.memory_space<semaphore_mem>>)
      } else {
      }
      %dma_wait3A_233 = arith.constant 0 : i32
      %dma_wait3A_234 = arith.constant 0 : i32
      %dma_wait3A_235 = tpu.memref_slice %arg4[%dma_wait3A_233, %dma_wait3A_234] : memref<10000x128xf32, #tpu.memory_space<hbm>> -> memref<10000x128xf32, #tpu.memory_space<hbm>>
      tpu.wait_indirect_dma semaphore(%arg25 : memref<!tpu.dma_semaphore, #tpu.memory_space<semaphore_mem>>) src(%dma_wait3A_235 : memref<10000x128xf32, #tpu.memory_space<hbm>>) dst(%arg17 : memref<40x128xf32, #tpu.memory_space<vmem>>)
      %dma_wait3A_236 = arith.constant 0 : i32
      %dma_wait3A_237 = arith.constant 0 : i32
      %dma_wait3A_238 = tpu.memref_slice %arg5[%dma_wait3A_236, %dma_wait3A_237] : memref<10000x128xf32, #tpu.memory_space<hbm>> -> memref<10000x128xf32, #tpu.memory_space<hbm>>
      tpu.wait_indirect_dma semaphore(%arg25 : memref<!tpu.dma_semaphore, #tpu.memory_space<semaphore_mem>>) src(%dma_wait3A_238 : memref<10000x128xf32, #tpu.memory_space<hbm>>) dst(%arg18 : memref<40x128xf32, #tpu.memory_space<vmem>>)
      %dma_wait3A_239 = arith.constant 0 : i32
      %dma_wait3A_240 = arith.constant 0 : i32
      %dma_wait3A_241 = tpu.memref_slice %arg6[%dma_wait3A_239, %dma_wait3A_240] : memref<320000x64xf32, #tpu.memory_space<hbm>> -> memref<40x64xf32, #tpu.memory_space<hbm>>
      %dma_wait3A_242 = arith.constant 0 : i32
      %dma_wait3A_243 = arith.constant 0 : i32
      %dma_wait3A_244 = tpu.memref_slice %arg6[%dma_wait3A_242, %dma_wait3A_243] : memref<320000x64xf32, #tpu.memory_space<hbm>> -> memref<40x64xf32, #tpu.memory_space<hbm>>
      tpu.wait_dma2 semaphore(%arg26 : memref<!tpu.dma_semaphore, #tpu.memory_space<semaphore_mem>>) src(%dma_wait3A_244 : memref<40x64xf32, #tpu.memory_space<hbm>>) dst(%arg20 : memref<40x64xf32, #tpu.memory_space<vmem>>)
      %ge3A_245 = arith.constant 2 : i32
      %ge3A_246 = arith.cmpi sge, %add3A_225, %ge3A_245 : i32
      %convert_element_type3A_247 = arith.extui %ge3A_246 : i1 to i32
      %cond3A_248 = arith.constant 0 : i32
      %cond3A_249 = arith.cmpi ne, %convert_element_type3A_247, %cond3A_248 : i32
      scf.if %cond3A_249 {
        %dma_wait3A_270 = arith.constant 0 : i32
        %dma_wait3A_271 = arith.constant 0 : i32
        %dma_wait3A_272 = tpu.memref_slice %arg7[%dma_wait3A_270, %dma_wait3A_271] : memref<320000x64xf32, #tpu.memory_space<hbm>> -> memref<40x64xf32, #tpu.memory_space<hbm>>
        %dma_wait3A_273 = arith.constant 0 : i32
        %dma_wait3A_274 = arith.constant 0 : i32
        %dma_wait3A_275 = tpu.memref_slice %arg7[%dma_wait3A_273, %dma_wait3A_274] : memref<320000x64xf32, #tpu.memory_space<hbm>> -> memref<40x64xf32, #tpu.memory_space<hbm>>
        tpu.wait_dma2 semaphore(%arg28 : memref<!tpu.dma_semaphore, #tpu.memory_space<semaphore_mem>>) src(%arg19 : memref<40x64xf32, #tpu.memory_space<vmem>>) dst(%dma_wait3A_275 : memref<40x64xf32, #tpu.memory_space<hbm>>)
      } else {
      }
      %scan3A_250 = arith.constant 0 : i32
      %scan3A_251 = arith.constant 40 : i32
      %scan3A_252 = arith.addi %scan3A_250, %scan3A_251 : i32
      %scan3A_253 = arith.constant 1 : i32
      %scan3A_254:16 = scf.for %scan3A_270 = %scan3A_250 to %scan3A_252 step %scan3A_253 iter_args(%scan3A_271 = %scan3A_206#0, %scan3A_272 = %scan3A_206#1, %scan3A_273 = %scan3A_206#2, %scan3A_274 = %scan3A_206#3, %scan3A_275 = %scan3A_206#4, %scan3A_276 = %scan3A_206#5, %scan3A_277 = %scan3A_206#6, %scan3A_278 = %scan3A_206#7, %scan3A_279 = %scan3A_206#8, %scan3A_280 = %scan3A_206#9, %scan3A_281 = %scan3A_206#10, %scan3A_282 = %scan3A_206#11, %scan3A_283 = %scan3A_206#12, %scan3A_284 = %scan3A_206#13, %scan3A_285 = %scan3A_206#14, %scan3A_286 = %scan3A_206#15) -> (vector<16xf32>, vector<16xf32>, vector<16xf32>, vector<16xf32>, vector<16xf32>, vector<16xf32>, vector<16xf32>, vector<16xf32>, vector<16xf32>, vector<16xf32>, vector<16xf32>, vector<16xf32>, vector<16xf32>, vector<16xf32>, vector<16xf32>, vector<16xf32>)  : i32 {
        %get3A = arith.index_cast %scan3A_270 : i32 to index
        %get3A_287 = arith.constant 0 : index
        %get3A_288 = tpu.vector_load %arg20[%get3A, %get3A_287] {strides = array<i32>} : memref<40x64xf32, #tpu.memory_space<vmem>>, vector<16xf32>,
        %bitcast3A = vector.bitcast %get3A_288 : vector<16xf32> to vector<32xbf16>
        %unpack3A = tpu.unpack_subelements %bitcast3A, 0 {pack_format = #tpu.pack_format<interleaved>} : vector<32xbf16> -> vector<16xf32>
        %unpack3A_289 = tpu.unpack_subelements %bitcast3A, 1 {pack_format = #tpu.pack_format<interleaved>} : vector<32xbf16> -> vector<16xf32>
        %get3A_290 = arith.index_cast %scan3A_270 : i32 to index
        %get3A_291 = arith.constant 0 : index
        %get3A_292 = tpu.vector_load %arg18[%get3A_290, %get3A_291] {strides = array<i32>} : memref<40x128xf32, #tpu.memory_space<vmem>>, vector<16xf32>,
        %bitcast3A_293 = vector.bitcast %get3A_292 : vector<16xf32> to vector<32xbf16>
        %unpack3A_294 = tpu.unpack_subelements %bitcast3A_293, 0 {pack_format = #tpu.pack_format<interleaved>} : vector<32xbf16> -> vector<16xf32>
        %unpack3A_295 = tpu.unpack_subelements %bitcast3A_293, 1 {pack_format = #tpu.pack_format<interleaved>} : vector<32xbf16> -> vector<16xf32>
        %get3A_296 = arith.index_cast %scan3A_270 : i32 to index
        %get3A_297 = arith.constant 64 : index
        %get3A_298 = tpu.vector_load %arg18[%get3A_296, %get3A_297] {strides = array<i32>} : memref<40x128xf32, #tpu.memory_space<vmem>>, vector<16xf32>,
        %bitcast3A_299 = vector.bitcast %get3A_298 : vector<16xf32> to vector<32xbf16>
        %unpack3A_300 = tpu.unpack_subelements %bitcast3A_299, 0 {pack_format = #tpu.pack_format<interleaved>} : vector<32xbf16> -> vector<16xf32>
        %unpack3A_301 = tpu.unpack_subelements %bitcast3A_299, 1 {pack_format = #tpu.pack_format<interleaved>} : vector<32xbf16> -> vector<16xf32>
        %get3A_302 = arith.index_cast %scan3A_270 : i32 to index
        %get3A_303 = arith.constant 0 : index
        %get3A_304 = tpu.vector_load %arg17[%get3A_302, %get3A_303] {strides = array<i32>} : memref<40x128xf32, #tpu.memory_space<vmem>>, vector<16xf32>,
        %add3A_305 = arith.addf %get3A_304, %unpack3A_294 : vector<16xf32>
        %add3A_306 = arith.addf %add3A_305, %unpack3A : vector<16xf32>
        %get3A_307 = arith.index_cast %scan3A_270 : i32 to index
        %get3A_308 = arith.constant 64 : index
        %get3A_309 = tpu.vector_load %arg17[%get3A_307, %get3A_308] {strides = array<i32>} : memref<40x128xf32, #tpu.memory_space<vmem>>, vector<16xf32>,
        %add3A_310 = arith.addf %get3A_309, %unpack3A_300 : vector<16xf32>
        %add3A_311 = arith.addf %add3A_310, %unpack3A_289 : vector<16xf32>
        %pack3A = tpu.pack_subelements %add3A_306, %add3A_311 {pack_format = #tpu.pack_format<interleaved>, positions = array<i32: 0, 1>} : vector<16xf32>, vector<16xf32> -> vector<32xbf16>
        %bitcast3A_312 = vector.bitcast %pack3A : vector<32xbf16> to vector<16xf32>
        %swap3A_313 = arith.index_cast %scan3A_270 : i32 to index
        %swap3A_314 = arith.constant 0 : index
        %swap3A_315 = tpu.vector_load %arg19[%swap3A_313, %swap3A_314] {strides = array<i32>} : memref<40x64xf32, #tpu.memory_space<vmem>>, vector<16xf32>,
        tpu.vector_store %arg19[%swap3A_313, %swap3A_314], %bitcast3A_312 {strides = array<i32>} : memref<40x64xf32, #tpu.memory_space<vmem>>, vector<16xf32>,
        %neg3A = arith.constant 0.000000e+00 : f32
        %neg3A_316 = vector.broadcast %neg3A : f32 to vector<16xf32>
        %neg3A_317 = arith.subf %neg3A_316, %add3A_306 : vector<16xf32>
        %exp3A = math.exp %neg3A_317 : vector<16xf32>
        %add3A_318 = arith.constant 1.000000e+00 : f32
        %add3A_319 = vector.broadcast %add3A_318 : f32 to vector<16xf32>
        %add3A_320 = arith.addf %add3A_319, %exp3A : vector<16xf32>
        %div3A = arith.constant 1.000000e+00 : f32
        %div3A_321 = vector.broadcast %div3A : f32 to vector<16xf32>
        %div3A_322 = arith.divf %div3A_321, %add3A_320 : vector<16xf32>
        %neg3A_323 = arith.constant 0.000000e+00 : f32
        %neg3A_324 = vector.broadcast %neg3A_323 : f32 to vector<16xf32>
        %neg3A_325 = arith.subf %neg3A_324, %add3A_311 : vector<16xf32>
        %exp3A_326 = math.exp %neg3A_325 : vector<16xf32>
        %add3A_327 = arith.constant 1.000000e+00 : f32
        %add3A_328 = vector.broadcast %add3A_327 : f32 to vector<16xf32>
        %add3A_329 = arith.addf %add3A_328, %exp3A_326 : vector<16xf32>
        %div3A_330 = arith.constant 1.000000e+00 : f32
        %div3A_331 = vector.broadcast %div3A_330 : f32 to vector<16xf32>
        %div3A_332 = arith.divf %div3A_331, %add3A_329 : vector<16xf32>
        %mul3A_333 = arith.mulf %div3A_322, %unpack3A_295 : vector<16xf32>
        %swap3A_334 = arith.index_cast %scan3A_270 : i32 to index
        %swap3A_335 = arith.constant 0 : index
        %swap3A_336 = tpu.vector_load %arg21[%swap3A_334, %swap3A_335] {strides = array<i32>} : memref<40x128xf32, #tpu.memory_space<vmem>>, vector<16xf32>,
        tpu.vector_store %arg21[%swap3A_334, %swap3A_335], %mul3A_333 {strides = array<i32>} : memref<40x128xf32, #tpu.memory_space<vmem>>, vector<16xf32>,
        %mul3A_337 = arith.mulf %div3A_332, %unpack3A_301 : vector<16xf32>
        %swap3A_338 = arith.index_cast %scan3A_270 : i32 to index
        %swap3A_339 = arith.constant 64 : index
        %swap3A_340 = tpu.vector_load %arg21[%swap3A_338, %swap3A_339] {strides = array<i32>} : memref<40x128xf32, #tpu.memory_space<vmem>>, vector<16xf32>,
        tpu.vector_store %arg21[%swap3A_338, %swap3A_339], %mul3A_337 {strides = array<i32>} : memref<40x128xf32, #tpu.memory_space<vmem>>, vector<16xf32>,
        %add3A_341 = arith.addf %scan3A_271, %add3A_306 : vector<16xf32>
        %add3A_342 = arith.addf %scan3A_275, %add3A_311 : vector<16xf32>
        %mul3A_343 = arith.mulf %add3A_306, %add3A_306 : vector<16xf32>
        %add3A_344 = arith.addf %scan3A_279, %mul3A_343 : vector<16xf32>
        %mul3A_345 = arith.mulf %add3A_311, %add3A_311 : vector<16xf32>
        %add3A_346 = arith.addf %scan3A_283, %mul3A_345 : vector<16xf32>
        %get3A_347 = arith.index_cast %scan3A_270 : i32 to index
        %get3A_348 = arith.constant 16 : index
        %get3A_349 = tpu.vector_load %arg20[%get3A_347, %get3A_348] {strides = array<i32>} : memref<40x64xf32, #tpu.memory_space<vmem>>, vector<16xf32>,
        %bitcast3A_350 = vector.bitcast %get3A_349 : vector<16xf32> to vector<32xbf16>
        %unpack3A_351 = tpu.unpack_subelements %bitcast3A_350, 0 {pack_format = #tpu.pack_format<interleaved>} : vector<32xbf16> -> vector<16xf32>
        %unpack3A_352 = tpu.unpack_subelements %bitcast3A_350, 1 {pack_format = #tpu.pack_format<interleaved>} : vector<32xbf16> -> vector<16xf32>
        %get3A_353 = arith.index_cast %scan3A_270 : i32 to index
        %get3A_354 = arith.constant 16 : index
        %get3A_355 = tpu.vector_load %arg18[%get3A_353, %get3A_354] {strides = array<i32>} : memref<40x128xf32, #tpu.memory_space<vmem>>, vector<16xf32>,
        %bitcast3A_356 = vector.bitcast %get3A_355 : vector<16xf32> to vector<32xbf16>
        %unpack3A_357 = tpu.unpack_subelements %bitcast3A_356, 0 {pack_format = #tpu.pack_format<interleaved>} : vector<32xbf16> -> vector<16xf32>
        %unpack3A_358 = tpu.unpack_subelements %bitcast3A_356, 1 {pack_format = #tpu.pack_format<interleaved>} : vector<32xbf16> -> vector<16xf32>
        %get3A_359 = arith.index_cast %scan3A_270 : i32 to index
        %get3A_360 = arith.constant 80 : index
        %get3A_361 = tpu.vector_load %arg18[%get3A_359, %get3A_360] {strides = array<i32>} : memref<40x128xf32, #tpu.memory_space<vmem>>, vector<16xf32>,
        %bitcast3A_362 = vector.bitcast %get3A_361 : vector<16xf32> to vector<32xbf16>
        %unpack3A_363 = tpu.unpack_subelements %bitcast3A_362, 0 {pack_format = #tpu.pack_format<interleaved>} : vector<32xbf16> -> vector<16xf32>
        %unpack3A_364 = tpu.unpack_subelements %bitcast3A_362, 1 {pack_format = #tpu.pack_format<interleaved>} : vector<32xbf16> -> vector<16xf32>
        %get3A_365 = arith.index_cast %scan3A_270 : i32 to index
        %get3A_366 = arith.constant 16 : index
        %get3A_367 = tpu.vector_load %arg17[%get3A_365, %get3A_366] {strides = array<i32>} : memref<40x128xf32, #tpu.memory_space<vmem>>, vector<16xf32>,
        %add3A_368 = arith.addf %get3A_367, %unpack3A_357 : vector<16xf32>
        %add3A_369 = arith.addf %add3A_368, %unpack3A_351 : vector<16xf32>
        %get3A_370 = arith.index_cast %scan3A_270 : i32 to index
        %get3A_371 = arith.constant 80 : index
        %get3A_372 = tpu.vector_load %arg17[%get3A_370, %get3A_371] {strides = array<i32>} : memref<40x128xf32, #tpu.memory_space<vmem>>, vector<16xf32>,
        %add3A_373 = arith.addf %get3A_372, %unpack3A_363 : vector<16xf32>
        %add3A_374 = arith.addf %add3A_373, %unpack3A_352 : vector<16xf32>
        %pack3A_375 = tpu.pack_subelements %add3A_369, %add3A_374 {pack_format = #tpu.pack_format<interleaved>, positions = array<i32: 0, 1>} : vector<16xf32>, vector<16xf32> -> vector<32xbf16>
        %bitcast3A_376 = vector.bitcast %pack3A_375 : vector<32xbf16> to vector<16xf32>
        %swap3A_377 = arith.index_cast %scan3A_270 : i32 to index
        %swap3A_378 = arith.constant 16 : index
        %swap3A_379 = tpu.vector_load %arg19[%swap3A_377, %swap3A_378] {strides = array<i32>} : memref<40x64xf32, #tpu.memory_space<vmem>>, vector<16xf32>,
        tpu.vector_store %arg19[%swap3A_377, %swap3A_378], %bitcast3A_376 {strides = array<i32>} : memref<40x64xf32, #tpu.memory_space<vmem>>, vector<16xf32>,
        %neg3A_380 = arith.constant 0.000000e+00 : f32
        %neg3A_381 = vector.broadcast %neg3A_380 : f32 to vector<16xf32>
        %neg3A_382 = arith.subf %neg3A_381, %add3A_369 : vector<16xf32>
        %exp3A_383 = math.exp %neg3A_382 : vector<16xf32>
        %add3A_384 = arith.constant 1.000000e+00 : f32
        %add3A_385 = vector.broadcast %add3A_384 : f32 to vector<16xf32>
        %add3A_386 = arith.addf %add3A_385, %exp3A_383 : vector<16xf32>
        %div3A_387 = arith.constant 1.000000e+00 : f32
        %div3A_388 = vector.broadcast %div3A_387 : f32 to vector<16xf32>
        %div3A_389 = arith.divf %div3A_388, %add3A_386 : vector<16xf32>
        %neg3A_390 = arith.constant 0.000000e+00 : f32
        %neg3A_391 = vector.broadcast %neg3A_390 : f32 to vector<16xf32>
        %neg3A_392 = arith.subf %neg3A_391, %add3A_374 : vector<16xf32>
        %exp3A_393 = math.exp %neg3A_392 : vector<16xf32>
        %add3A_394 = arith.constant 1.000000e+00 : f32
        %add3A_395 = vector.broadcast %add3A_394 : f32 to vector<16xf32>
        %add3A_396 = arith.addf %add3A_395, %exp3A_393 : vector<16xf32>
        %div3A_397 = arith.constant 1.000000e+00 : f32
        %div3A_398 = vector.broadcast %div3A_397 : f32 to vector<16xf32>
        %div3A_399 = arith.divf %div3A_398, %add3A_396 : vector<16xf32>
        %mul3A_400 = arith.mulf %div3A_389, %unpack3A_358 : vector<16xf32>
        %swap3A_401 = arith.index_cast %scan3A_270 : i32 to index
        %swap3A_402 = arith.constant 16 : index
        %swap3A_403 = tpu.vector_load %arg21[%swap3A_401, %swap3A_402] {strides = array<i32>} : memref<40x128xf32, #tpu.memory_space<vmem>>, vector<16xf32>,
        tpu.vector_store %arg21[%swap3A_401, %swap3A_402], %mul3A_400 {strides = array<i32>} : memref<40x128xf32, #tpu.memory_space<vmem>>, vector<16xf32>,
        %mul3A_404 = arith.mulf %div3A_399, %unpack3A_364 : vector<16xf32>
        %swap3A_405 = arith.index_cast %scan3A_270 : i32 to index
        %swap3A_406 = arith.constant 80 : index
        %swap3A_407 = tpu.vector_load %arg21[%swap3A_405, %swap3A_406] {strides = array<i32>} : memref<40x128xf32, #tpu.memory_space<vmem>>, vector<16xf32>,
        tpu.vector_store %arg21[%swap3A_405, %swap3A_406], %mul3A_404 {strides = array<i32>} : memref<40x128xf32, #tpu.memory_space<vmem>>, vector<16xf32>,
        %add3A_408 = arith.addf %scan3A_272, %add3A_369 : vector<16xf32>
        %add3A_409 = arith.addf %scan3A_276, %add3A_374 : vector<16xf32>
        %mul3A_410 = arith.mulf %add3A_369, %add3A_369 : vector<16xf32>
        %add3A_411 = arith.addf %scan3A_280, %mul3A_410 : vector<16xf32>
        %mul3A_412 = arith.mulf %add3A_374, %add3A_374 : vector<16xf32>
        %add3A_413 = arith.addf %scan3A_284, %mul3A_412 : vector<16xf32>
        %get3A_414 = arith.index_cast %scan3A_270 : i32 to index
        %get3A_415 = arith.constant 32 : index
        %get3A_416 = tpu.vector_load %arg20[%get3A_414, %get3A_415] {strides = array<i32>} : memref<40x64xf32, #tpu.memory_space<vmem>>, vector<16xf32>,
        %bitcast3A_417 = vector.bitcast %get3A_416 : vector<16xf32> to vector<32xbf16>
        %unpack3A_418 = tpu.unpack_subelements %bitcast3A_417, 0 {pack_format = #tpu.pack_format<interleaved>} : vector<32xbf16> -> vector<16xf32>
        %unpack3A_419 = tpu.unpack_subelements %bitcast3A_417, 1 {pack_format = #tpu.pack_format<interleaved>} : vector<32xbf16> -> vector<16xf32>
        %get3A_420 = arith.index_cast %scan3A_270 : i32 to index
        %get3A_421 = arith.constant 32 : index
        %get3A_422 = tpu.vector_load %arg18[%get3A_420, %get3A_421] {strides = array<i32>} : memref<40x128xf32, #tpu.memory_space<vmem>>, vector<16xf32>,
        %bitcast3A_423 = vector.bitcast %get3A_422 : vector<16xf32> to vector<32xbf16>
        %unpack3A_424 = tpu.unpack_subelements %bitcast3A_423, 0 {pack_format = #tpu.pack_format<interleaved>} : vector<32xbf16> -> vector<16xf32>
        %unpack3A_425 = tpu.unpack_subelements %bitcast3A_423, 1 {pack_format = #tpu.pack_format<interleaved>} : vector<32xbf16> -> vector<16xf32>
        %get3A_426 = arith.index_cast %scan3A_270 : i32 to index
        %get3A_427 = arith.constant 96 : index
        %get3A_428 = tpu.vector_load %arg18[%get3A_426, %get3A_427] {strides = array<i32>} : memref<40x128xf32, #tpu.memory_space<vmem>>, vector<16xf32>,
        %bitcast3A_429 = vector.bitcast %get3A_428 : vector<16xf32> to vector<32xbf16>
        %unpack3A_430 = tpu.unpack_subelements %bitcast3A_429, 0 {pack_format = #tpu.pack_format<interleaved>} : vector<32xbf16> -> vector<16xf32>
        %unpack3A_431 = tpu.unpack_subelements %bitcast3A_429, 1 {pack_format = #tpu.pack_format<interleaved>} : vector<32xbf16> -> vector<16xf32>
        %get3A_432 = arith.index_cast %scan3A_270 : i32 to index
        %get3A_433 = arith.constant 32 : index
        %get3A_434 = tpu.vector_load %arg17[%get3A_432, %get3A_433] {strides = array<i32>} : memref<40x128xf32, #tpu.memory_space<vmem>>, vector<16xf32>,
        %add3A_435 = arith.addf %get3A_434, %unpack3A_424 : vector<16xf32>
        %add3A_436 = arith.addf %add3A_435, %unpack3A_418 : vector<16xf32>
        %get3A_437 = arith.index_cast %scan3A_270 : i32 to index
        %get3A_438 = arith.constant 96 : index
        %get3A_439 = tpu.vector_load %arg17[%get3A_437, %get3A_438] {strides = array<i32>} : memref<40x128xf32, #tpu.memory_space<vmem>>, vector<16xf32>,
        %add3A_440 = arith.addf %get3A_439, %unpack3A_430 : vector<16xf32>
        %add3A_441 = arith.addf %add3A_440, %unpack3A_419 : vector<16xf32>
        %pack3A_442 = tpu.pack_subelements %add3A_436, %add3A_441 {pack_format = #tpu.pack_format<interleaved>, positions = array<i32: 0, 1>} : vector<16xf32>, vector<16xf32> -> vector<32xbf16>
        %bitcast3A_443 = vector.bitcast %pack3A_442 : vector<32xbf16> to vector<16xf32>
        %swap3A_444 = arith.index_cast %scan3A_270 : i32 to index
        %swap3A_445 = arith.constant 32 : index
        %swap3A_446 = tpu.vector_load %arg19[%swap3A_444, %swap3A_445] {strides = array<i32>} : memref<40x64xf32, #tpu.memory_space<vmem>>, vector<16xf32>,
        tpu.vector_store %arg19[%swap3A_444, %swap3A_445], %bitcast3A_443 {strides = array<i32>} : memref<40x64xf32, #tpu.memory_space<vmem>>, vector<16xf32>,
        %neg3A_447 = arith.constant 0.000000e+00 : f32
        %neg3A_448 = vector.broadcast %neg3A_447 : f32 to vector<16xf32>
        %neg3A_449 = arith.subf %neg3A_448, %add3A_436 : vector<16xf32>
        %exp3A_450 = math.exp %neg3A_449 : vector<16xf32>
        %add3A_451 = arith.constant 1.000000e+00 : f32
        %add3A_452 = vector.broadcast %add3A_451 : f32 to vector<16xf32>
        %add3A_453 = arith.addf %add3A_452, %exp3A_450 : vector<16xf32>
        %div3A_454 = arith.constant 1.000000e+00 : f32
        %div3A_455 = vector.broadcast %div3A_454 : f32 to vector<16xf32>
        %div3A_456 = arith.divf %div3A_455, %add3A_453 : vector<16xf32>
        %neg3A_457 = arith.constant 0.000000e+00 : f32
        %neg3A_458 = vector.broadcast %neg3A_457 : f32 to vector<16xf32>
        %neg3A_459 = arith.subf %neg3A_458, %add3A_441 : vector<16xf32>
        %exp3A_460 = math.exp %neg3A_459 : vector<16xf32>
        %add3A_461 = arith.constant 1.000000e+00 : f32
        %add3A_462 = vector.broadcast %add3A_461 : f32 to vector<16xf32>
        %add3A_463 = arith.addf %add3A_462, %exp3A_460 : vector<16xf32>
        %div3A_464 = arith.constant 1.000000e+00 : f32
        %div3A_465 = vector.broadcast %div3A_464 : f32 to vector<16xf32>
        %div3A_466 = arith.divf %div3A_465, %add3A_463 : vector<16xf32>
        %mul3A_467 = arith.mulf %div3A_456, %unpack3A_425 : vector<16xf32>
        %swap3A_468 = arith.index_cast %scan3A_270 : i32 to index
        %swap3A_469 = arith.constant 32 : index
        %swap3A_470 = tpu.vector_load %arg21[%swap3A_468, %swap3A_469] {strides = array<i32>} : memref<40x128xf32, #tpu.memory_space<vmem>>, vector<16xf32>,
        tpu.vector_store %arg21[%swap3A_468, %swap3A_469], %mul3A_467 {strides = array<i32>} : memref<40x128xf32, #tpu.memory_space<vmem>>, vector<16xf32>,
        %mul3A_471 = arith.mulf %div3A_466, %unpack3A_431 : vector<16xf32>
        %swap3A_472 = arith.index_cast %scan3A_270 : i32 to index
        %swap3A_473 = arith.constant 96 : index
        %swap3A_474 = tpu.vector_load %arg21[%swap3A_472, %swap3A_473] {strides = array<i32>} : memref<40x128xf32, #tpu.memory_space<vmem>>, vector<16xf32>,
        tpu.vector_store %arg21[%swap3A_472, %swap3A_473], %mul3A_471 {strides = array<i32>} : memref<40x128xf32, #tpu.memory_space<vmem>>, vector<16xf32>,
        %add3A_475 = arith.addf %scan3A_273, %add3A_436 : vector<16xf32>
        %add3A_476 = arith.addf %scan3A_277, %add3A_441 : vector<16xf32>
        %mul3A_477 = arith.mulf %add3A_436, %add3A_436 : vector<16xf32>
        %add3A_478 = arith.addf %scan3A_281, %mul3A_477 : vector<16xf32>
        %mul3A_479 = arith.mulf %add3A_441, %add3A_441 : vector<16xf32>
        %add3A_480 = arith.addf %scan3A_285, %mul3A_479 : vector<16xf32>
        %get3A_481 = arith.index_cast %scan3A_270 : i32 to index
        %get3A_482 = arith.constant 48 : index
        %get3A_483 = tpu.vector_load %arg20[%get3A_481, %get3A_482] {strides = array<i32>} : memref<40x64xf32, #tpu.memory_space<vmem>>, vector<16xf32>,
        %bitcast3A_484 = vector.bitcast %get3A_483 : vector<16xf32> to vector<32xbf16>
        %unpack3A_485 = tpu.unpack_subelements %bitcast3A_484, 0 {pack_format = #tpu.pack_format<interleaved>} : vector<32xbf16> -> vector<16xf32>
        %unpack3A_486 = tpu.unpack_subelements %bitcast3A_484, 1 {pack_format = #tpu.pack_format<interleaved>} : vector<32xbf16> -> vector<16xf32>
        %get3A_487 = arith.index_cast %scan3A_270 : i32 to index
        %get3A_488 = arith.constant 48 : index
        %get3A_489 = tpu.vector_load %arg18[%get3A_487, %get3A_488] {strides = array<i32>} : memref<40x128xf32, #tpu.memory_space<vmem>>, vector<16xf32>,
        %bitcast3A_490 = vector.bitcast %get3A_489 : vector<16xf32> to vector<32xbf16>
        %unpack3A_491 = tpu.unpack_subelements %bitcast3A_490, 0 {pack_format = #tpu.pack_format<interleaved>} : vector<32xbf16> -> vector<16xf32>
        %unpack3A_492 = tpu.unpack_subelements %bitcast3A_490, 1 {pack_format = #tpu.pack_format<interleaved>} : vector<32xbf16> -> vector<16xf32>
        %get3A_493 = arith.index_cast %scan3A_270 : i32 to index
        %get3A_494 = arith.constant 112 : index
        %get3A_495 = tpu.vector_load %arg18[%get3A_493, %get3A_494] {strides = array<i32>} : memref<40x128xf32, #tpu.memory_space<vmem>>, vector<16xf32>,
        %bitcast3A_496 = vector.bitcast %get3A_495 : vector<16xf32> to vector<32xbf16>
        %unpack3A_497 = tpu.unpack_subelements %bitcast3A_496, 0 {pack_format = #tpu.pack_format<interleaved>} : vector<32xbf16> -> vector<16xf32>
        %unpack3A_498 = tpu.unpack_subelements %bitcast3A_496, 1 {pack_format = #tpu.pack_format<interleaved>} : vector<32xbf16> -> vector<16xf32>
        %get3A_499 = arith.index_cast %scan3A_270 : i32 to index
        %get3A_500 = arith.constant 48 : index
        %get3A_501 = tpu.vector_load %arg17[%get3A_499, %get3A_500] {strides = array<i32>} : memref<40x128xf32, #tpu.memory_space<vmem>>, vector<16xf32>,
        %add3A_502 = arith.addf %get3A_501, %unpack3A_491 : vector<16xf32>
        %add3A_503 = arith.addf %add3A_502, %unpack3A_485 : vector<16xf32>
        %get3A_504 = arith.index_cast %scan3A_270 : i32 to index
        %get3A_505 = arith.constant 112 : index
        %get3A_506 = tpu.vector_load %arg17[%get3A_504, %get3A_505] {strides = array<i32>} : memref<40x128xf32, #tpu.memory_space<vmem>>, vector<16xf32>,
        %add3A_507 = arith.addf %get3A_506, %unpack3A_497 : vector<16xf32>
        %add3A_508 = arith.addf %add3A_507, %unpack3A_486 : vector<16xf32>
        %pack3A_509 = tpu.pack_subelements %add3A_503, %add3A_508 {pack_format = #tpu.pack_format<interleaved>, positions = array<i32: 0, 1>} : vector<16xf32>, vector<16xf32> -> vector<32xbf16>
        %bitcast3A_510 = vector.bitcast %pack3A_509 : vector<32xbf16> to vector<16xf32>
        %swap3A_511 = arith.index_cast %scan3A_270 : i32 to index
        %swap3A_512 = arith.constant 48 : index
        %swap3A_513 = tpu.vector_load %arg19[%swap3A_511, %swap3A_512] {strides = array<i32>} : memref<40x64xf32, #tpu.memory_space<vmem>>, vector<16xf32>,
        tpu.vector_store %arg19[%swap3A_511, %swap3A_512], %bitcast3A_510 {strides = array<i32>} : memref<40x64xf32, #tpu.memory_space<vmem>>, vector<16xf32>,
        %neg3A_514 = arith.constant 0.000000e+00 : f32
        %neg3A_515 = vector.broadcast %neg3A_514 : f32 to vector<16xf32>
        %neg3A_516 = arith.subf %neg3A_515, %add3A_503 : vector<16xf32>
        %exp3A_517 = math.exp %neg3A_516 : vector<16xf32>
        %add3A_518 = arith.constant 1.000000e+00 : f32
        %add3A_519 = vector.broadcast %add3A_518 : f32 to vector<16xf32>
        %add3A_520 = arith.addf %add3A_519, %exp3A_517 : vector<16xf32>
        %div3A_521 = arith.constant 1.000000e+00 : f32
        %div3A_522 = vector.broadcast %div3A_521 : f32 to vector<16xf32>
        %div3A_523 = arith.divf %div3A_522, %add3A_520 : vector<16xf32>
        %neg3A_524 = arith.constant 0.000000e+00 : f32
        %neg3A_525 = vector.broadcast %neg3A_524 : f32 to vector<16xf32>
        %neg3A_526 = arith.subf %neg3A_525, %add3A_508 : vector<16xf32>
        %exp3A_527 = math.exp %neg3A_526 : vector<16xf32>
        %add3A_528 = arith.constant 1.000000e+00 : f32
        %add3A_529 = vector.broadcast %add3A_528 : f32 to vector<16xf32>
        %add3A_530 = arith.addf %add3A_529, %exp3A_527 : vector<16xf32>
        %div3A_531 = arith.constant 1.000000e+00 : f32
        %div3A_532 = vector.broadcast %div3A_531 : f32 to vector<16xf32>
        %div3A_533 = arith.divf %div3A_532, %add3A_530 : vector<16xf32>
        %mul3A_534 = arith.mulf %div3A_523, %unpack3A_492 : vector<16xf32>
        %swap3A_535 = arith.index_cast %scan3A_270 : i32 to index
        %swap3A_536 = arith.constant 48 : index
        %swap3A_537 = tpu.vector_load %arg21[%swap3A_535, %swap3A_536] {strides = array<i32>} : memref<40x128xf32, #tpu.memory_space<vmem>>, vector<16xf32>,
        tpu.vector_store %arg21[%swap3A_535, %swap3A_536], %mul3A_534 {strides = array<i32>} : memref<40x128xf32, #tpu.memory_space<vmem>>, vector<16xf32>,
        %mul3A_538 = arith.mulf %div3A_533, %unpack3A_498 : vector<16xf32>
        %swap3A_539 = arith.index_cast %scan3A_270 : i32 to index
        %swap3A_540 = arith.constant 112 : index
        %swap3A_541 = tpu.vector_load %arg21[%swap3A_539, %swap3A_540] {strides = array<i32>} : memref<40x128xf32, #tpu.memory_space<vmem>>, vector<16xf32>,
        tpu.vector_store %arg21[%swap3A_539, %swap3A_540], %mul3A_538 {strides = array<i32>} : memref<40x128xf32, #tpu.memory_space<vmem>>, vector<16xf32>,
        %add3A_542 = arith.addf %scan3A_274, %add3A_503 : vector<16xf32>
        %add3A_543 = arith.addf %scan3A_278, %add3A_508 : vector<16xf32>
        %mul3A_544 = arith.mulf %add3A_503, %add3A_503 : vector<16xf32>
        %add3A_545 = arith.addf %scan3A_282, %mul3A_544 : vector<16xf32>
        %mul3A_546 = arith.mulf %add3A_508, %add3A_508 : vector<16xf32>
        %add3A_547 = arith.addf %scan3A_286, %mul3A_546 : vector<16xf32>
        scf.yield %add3A_341, %add3A_408, %add3A_475, %add3A_542, %add3A_342, %add3A_409, %add3A_476, %add3A_543, %add3A_344, %add3A_411, %add3A_478, %add3A_545, %add3A_346, %add3A_413, %add3A_480, %add3A_547 : vector<16xf32>, vector<16xf32>, vector<16xf32>, vector<16xf32>, vector<16xf32>, vector<16xf32>, vector<16xf32>, vector<16xf32>, vector<16xf32>, vector<16xf32>, vector<16xf32>, vector<16xf32>, vector<16xf32>, vector<16xf32>, vector<16xf32>, vector<16xf32>
      }
      %scan3A_255 = arith.constant 40 : i32
      %add3A_256 = arith.constant 1 : i32
      %add3A_257 = arith.addi %add3A_225, %add3A_256 : i32
      %lt3A_258 = arith.constant 250 : i32
      %lt3A_259 = arith.cmpi slt, %add3A_257, %lt3A_258 : i32
      %convert_element_type3A_260 = arith.extui %lt3A_259 : i1 to i32
      %cond3A_261 = arith.constant 0 : i32
      %cond3A_262 = arith.cmpi ne, %convert_element_type3A_260, %cond3A_261 : i32
      scf.if %cond3A_262 {
        %add3A_270 = arith.constant 1 : i32
        %add3A_271 = arith.addi %add3A_225, %add3A_270 : i32
        %mul3A_272 = arith.constant 40 : i32
        %mul3A_273 = arith.muli %add3A_271, %mul3A_272 : i32
        %add3A_274 = arith.addi %mul3A_23, %mul3A_273 : i32
        %dma_start3A_275 = arith.constant 0 : i32
        %dma_start3A_276 = tpu.memref_slice %arg6[%add3A_274, %dma_start3A_275] : memref<320000x64xf32, #tpu.memory_space<hbm>> -> memref<40x64xf32, #tpu.memory_space<hbm>>
        %dma_start3A_277 = arith.constant 0 : i32
        %dma_start3A_278 = tpu.memref_slice %arg6[%add3A_274, %dma_start3A_277] : memref<320000x64xf32, #tpu.memory_space<hbm>> -> memref<40x64xf32, #tpu.memory_space<hbm>>
        tpu.enqueue_dma source(%dma_start3A_278 : memref<40x64xf32, #tpu.memory_space<hbm>>) target(%arg20 : memref<40x64xf32, #tpu.memory_space<vmem>>) target_semaphore(%arg26 : memref<!tpu.dma_semaphore, #tpu.memory_space<semaphore_mem>>)
      } else {
      }
      %mul3A_263 = arith.constant 40 : i32
      %mul3A_264 = arith.muli %add3A_225, %mul3A_263 : i32
      %add3A_265 = arith.addi %mul3A_23, %mul3A_264 : i32
      %dma_start3A_266 = arith.constant 0 : i32
      %dma_start3A_267 = tpu.memref_slice %arg7[%add3A_265, %dma_start3A_266] : memref<320000x64xf32, #tpu.memory_space<hbm>> -> memref<40x64xf32, #tpu.memory_space<hbm>>
      %dma_start3A_268 = arith.constant 0 : i32
      %dma_start3A_269 = tpu.memref_slice %arg7[%add3A_265, %dma_start3A_268] : memref<320000x64xf32, #tpu.memory_space<hbm>> -> memref<40x64xf32, #tpu.memory_space<hbm>>
      tpu.enqueue_dma source(%arg19 : memref<40x64xf32, #tpu.memory_space<vmem>>) target(%dma_start3A_269 : memref<40x64xf32, #tpu.memory_space<hbm>>) target_semaphore(%arg28 : memref<!tpu.dma_semaphore, #tpu.memory_space<semaphore_mem>>)
      "tpu.region"() ({
        %run_scoped3A = tpu.sem_alloc : memref<!tpu.dma_semaphore, #tpu.memory_space<semaphore_mem>>
        %dma_start3A_270 = arith.constant 0 : i32
        %dma_start3A_271 = arith.constant 0 : i32
        %dma_start3A_272 = tpu.memref_slice %arg23[%dma_start3A_270, %dma_start3A_271] : memref<10000x128xf32, #tpu.memory_space<vmem_shared>> -> memref<10000x128xf32, #tpu.memory_space<vmem_shared>>
        tpu.enqueue_indirect_dma source(%arg21 : memref<40x128xf32, #tpu.memory_space<vmem>>) target(%dma_start3A_272 : memref<10000x128xf32, #tpu.memory_space<vmem_shared>>) offsets(%arg15 : memref<40xi32, #tpu.memory_space<vmem>>) semaphore(%run_scoped3A : memref<!tpu.dma_semaphore, #tpu.memory_space<semaphore_mem>>) {add = true}
        %dma_wait3A_273 = arith.constant 0 : i32
        %dma_wait3A_274 = arith.constant 0 : i32
        %dma_wait3A_275 = tpu.memref_slice %arg23[%dma_wait3A_273, %dma_wait3A_274] : memref<10000x128xf32, #tpu.memory_space<vmem_shared>> -> memref<10000x128xf32, #tpu.memory_space<vmem_shared>>
        tpu.wait_indirect_dma semaphore(%run_scoped3A : memref<!tpu.dma_semaphore, #tpu.memory_space<semaphore_mem>>) src(%arg21 : memref<40x128xf32, #tpu.memory_space<vmem>>) dst(%dma_wait3A_275 : memref<10000x128xf32, #tpu.memory_space<vmem_shared>>)
        tpu.yield
      }) : () -> ()
      scf.yield %scan3A_254#0, %scan3A_254#1, %scan3A_254#2, %scan3A_254#3, %scan3A_254#4, %scan3A_254#5, %scan3A_254#6, %scan3A_254#7, %scan3A_254#8, %scan3A_254#9, %scan3A_254#10, %scan3A_254#11, %scan3A_254#12, %scan3A_254#13, %scan3A_254#14, %scan3A_254#15 : vector<16xf32>, vector<16xf32>, vector<16xf32>, vector<16xf32>, vector<16xf32>, vector<16xf32>, vector<16xf32>, vector<16xf32>, vector<16xf32>, vector<16xf32>, vector<16xf32>, vector<16xf32>, vector<16xf32>, vector<16xf32>, vector<16xf32>, vector<16xf32>
    }
    %scan3A_73 = arith.constant 125 : i32
    %dma_wait3A = arith.constant 0 : i32
    %dma_wait3A_74 = arith.constant 0 : i32
    %dma_wait3A_75 = tpu.memref_slice %arg7[%dma_wait3A, %dma_wait3A_74] : memref<320000x64xf32, #tpu.memory_space<hbm>> -> memref<40x64xf32, #tpu.memory_space<hbm>>
    %dma_wait3A_76 = arith.constant 0 : i32
    %dma_wait3A_77 = arith.constant 0 : i32
    %dma_wait3A_78 = tpu.memref_slice %arg7[%dma_wait3A_76, %dma_wait3A_77] : memref<320000x64xf32, #tpu.memory_space<hbm>> -> memref<40x64xf32, #tpu.memory_space<hbm>>
    tpu.wait_dma2 semaphore(%arg27 : memref<!tpu.dma_semaphore, #tpu.memory_space<semaphore_mem>>) src(%arg14 : memref<40x64xf32, #tpu.memory_space<vmem>>) dst(%dma_wait3A_78 : memref<40x64xf32, #tpu.memory_space<hbm>>)
    %dma_wait3A_79 = arith.constant 0 : i32
    %dma_wait3A_80 = arith.constant 0 : i32
    %dma_wait3A_81 = tpu.memref_slice %arg7[%dma_wait3A_79, %dma_wait3A_80] : memref<320000x64xf32, #tpu.memory_space<hbm>> -> memref<40x64xf32, #tpu.memory_space<hbm>>
    %dma_wait3A_82 = arith.constant 0 : i32
    %dma_wait3A_83 = arith.constant 0 : i32
    %dma_wait3A_84 = tpu.memref_slice %arg7[%dma_wait3A_82, %dma_wait3A_83] : memref<320000x64xf32, #tpu.memory_space<hbm>> -> memref<40x64xf32, #tpu.memory_space<hbm>>
    tpu.wait_dma2 semaphore(%arg28 : memref<!tpu.dma_semaphore, #tpu.memory_space<semaphore_mem>>) src(%arg19 : memref<40x64xf32, #tpu.memory_space<vmem>>) dst(%dma_wait3A_84 : memref<40x64xf32, #tpu.memory_space<hbm>>)
    %swap3A = arith.constant 0 : i32
    %swap3A_85 = arith.index_cast %swap3A : i32 to index
    %swap3A_86 = arith.constant 0 : index
    %swap3A_87 = tpu.vector_load %arg22[%swap3A_85, %swap3A_86] {strides = array<i32>} : memref<2x128xf32, #tpu.memory_space<vmem>>, vector<16xf32>,
    tpu.vector_store %arg22[%swap3A_85, %swap3A_86], %scan3A_72#0 {strides = array<i32>} : memref<2x128xf32, #tpu.memory_space<vmem>>, vector<16xf32>,
    %swap3A_88 = arith.constant 0 : i32
    %swap3A_89 = arith.index_cast %swap3A_88 : i32 to index
    %swap3A_90 = arith.constant 64 : index
    %swap3A_91 = tpu.vector_load %arg22[%swap3A_89, %swap3A_90] {strides = array<i32>} : memref<2x128xf32, #tpu.memory_space<vmem>>, vector<16xf32>,
    tpu.vector_store %arg22[%swap3A_89, %swap3A_90], %scan3A_72#4 {strides = array<i32>} : memref<2x128xf32, #tpu.memory_space<vmem>>, vector<16xf32>,
    %swap3A_92 = arith.constant 1 : i32
    %swap3A_93 = arith.index_cast %swap3A_92 : i32 to index
    %swap3A_94 = arith.constant 0 : index
    %swap3A_95 = tpu.vector_load %arg22[%swap3A_93, %swap3A_94] {strides = array<i32>} : memref<2x128xf32, #tpu.memory_space<vmem>>, vector<16xf32>,
    tpu.vector_store %arg22[%swap3A_93, %swap3A_94], %scan3A_72#8 {strides = array<i32>} : memref<2x128xf32, #tpu.memory_space<vmem>>, vector<16xf32>,
    %swap3A_96 = arith.constant 1 : i32
    %swap3A_97 = arith.index_cast %swap3A_96 : i32 to index
    %swap3A_98 = arith.constant 64 : index
    %swap3A_99 = tpu.vector_load %arg22[%swap3A_97, %swap3A_98] {strides = array<i32>} : memref<2x128xf32, #tpu.memory_space<vmem>>, vector<16xf32>,
    tpu.vector_store %arg22[%swap3A_97, %swap3A_98], %scan3A_72#12 {strides = array<i32>} : memref<2x128xf32, #tpu.memory_space<vmem>>, vector<16xf32>,
    %swap3A_100 = arith.constant 0 : i32
    %swap3A_101 = arith.index_cast %swap3A_100 : i32 to index
    %swap3A_102 = arith.constant 16 : index
    %swap3A_103 = tpu.vector_load %arg22[%swap3A_101, %swap3A_102] {strides = array<i32>} : memref<2x128xf32, #tpu.memory_space<vmem>>, vector<16xf32>,
    tpu.vector_store %arg22[%swap3A_101, %swap3A_102], %scan3A_72#1 {strides = array<i32>} : memref<2x128xf32, #tpu.memory_space<vmem>>, vector<16xf32>,
    %swap3A_104 = arith.constant 0 : i32
    %swap3A_105 = arith.index_cast %swap3A_104 : i32 to index
    %swap3A_106 = arith.constant 80 : index
    %swap3A_107 = tpu.vector_load %arg22[%swap3A_105, %swap3A_106] {strides = array<i32>} : memref<2x128xf32, #tpu.memory_space<vmem>>, vector<16xf32>,
    tpu.vector_store %arg22[%swap3A_105, %swap3A_106], %scan3A_72#5 {strides = array<i32>} : memref<2x128xf32, #tpu.memory_space<vmem>>, vector<16xf32>,
    %swap3A_108 = arith.constant 1 : i32
    %swap3A_109 = arith.index_cast %swap3A_108 : i32 to index
    %swap3A_110 = arith.constant 16 : index
    %swap3A_111 = tpu.vector_load %arg22[%swap3A_109, %swap3A_110] {strides = array<i32>} : memref<2x128xf32, #tpu.memory_space<vmem>>, vector<16xf32>,
    tpu.vector_store %arg22[%swap3A_109, %swap3A_110], %scan3A_72#9 {strides = array<i32>} : memref<2x128xf32, #tpu.memory_space<vmem>>, vector<16xf32>,
    %swap3A_112 = arith.constant 1 : i32
    %swap3A_113 = arith.index_cast %swap3A_112 : i32 to index
    %swap3A_114 = arith.constant 80 : index
    %swap3A_115 = tpu.vector_load %arg22[%swap3A_113, %swap3A_114] {strides = array<i32>} : memref<2x128xf32, #tpu.memory_space<vmem>>, vector<16xf32>,
    tpu.vector_store %arg22[%swap3A_113, %swap3A_114], %scan3A_72#13 {strides = array<i32>} : memref<2x128xf32, #tpu.memory_space<vmem>>, vector<16xf32>,
    %swap3A_116 = arith.constant 0 : i32
    %swap3A_117 = arith.index_cast %swap3A_116 : i32 to index
    %swap3A_118 = arith.constant 32 : index
    %swap3A_119 = tpu.vector_load %arg22[%swap3A_117, %swap3A_118] {strides = array<i32>} : memref<2x128xf32, #tpu.memory_space<vmem>>, vector<16xf32>,
    tpu.vector_store %arg22[%swap3A_117, %swap3A_118], %scan3A_72#2 {strides = array<i32>} : memref<2x128xf32, #tpu.memory_space<vmem>>, vector<16xf32>,
    %swap3A_120 = arith.constant 0 : i32
    %swap3A_121 = arith.index_cast %swap3A_120 : i32 to index
    %swap3A_122 = arith.constant 96 : index
    %swap3A_123 = tpu.vector_load %arg22[%swap3A_121, %swap3A_122] {strides = array<i32>} : memref<2x128xf32, #tpu.memory_space<vmem>>, vector<16xf32>,
    tpu.vector_store %arg22[%swap3A_121, %swap3A_122], %scan3A_72#6 {strides = array<i32>} : memref<2x128xf32, #tpu.memory_space<vmem>>, vector<16xf32>,
    %swap3A_124 = arith.constant 1 : i32
    %swap3A_125 = arith.index_cast %swap3A_124 : i32 to index
    %swap3A_126 = arith.constant 32 : index
    %swap3A_127 = tpu.vector_load %arg22[%swap3A_125, %swap3A_126] {strides = array<i32>} : memref<2x128xf32, #tpu.memory_space<vmem>>, vector<16xf32>,
    tpu.vector_store %arg22[%swap3A_125, %swap3A_126], %scan3A_72#10 {strides = array<i32>} : memref<2x128xf32, #tpu.memory_space<vmem>>, vector<16xf32>,
    %swap3A_128 = arith.constant 1 : i32
    %swap3A_129 = arith.index_cast %swap3A_128 : i32 to index
    %swap3A_130 = arith.constant 96 : index
    %swap3A_131 = tpu.vector_load %arg22[%swap3A_129, %swap3A_130] {strides = array<i32>} : memref<2x128xf32, #tpu.memory_space<vmem>>, vector<16xf32>,
    tpu.vector_store %arg22[%swap3A_129, %swap3A_130], %scan3A_72#14 {strides = array<i32>} : memref<2x128xf32, #tpu.memory_space<vmem>>, vector<16xf32>,
    %swap3A_132 = arith.constant 0 : i32
    %swap3A_133 = arith.index_cast %swap3A_132 : i32 to index
    %swap3A_134 = arith.constant 48 : index
    %swap3A_135 = tpu.vector_load %arg22[%swap3A_133, %swap3A_134] {strides = array<i32>} : memref<2x128xf32, #tpu.memory_space<vmem>>, vector<16xf32>,
    tpu.vector_store %arg22[%swap3A_133, %swap3A_134], %scan3A_72#3 {strides = array<i32>} : memref<2x128xf32, #tpu.memory_space<vmem>>, vector<16xf32>,
    %swap3A_136 = arith.constant 0 : i32
    %swap3A_137 = arith.index_cast %swap3A_136 : i32 to index
    %swap3A_138 = arith.constant 112 : index
    %swap3A_139 = tpu.vector_load %arg22[%swap3A_137, %swap3A_138] {strides = array<i32>} : memref<2x128xf32, #tpu.memory_space<vmem>>, vector<16xf32>,
    tpu.vector_store %arg22[%swap3A_137, %swap3A_138], %scan3A_72#7 {strides = array<i32>} : memref<2x128xf32, #tpu.memory_space<vmem>>, vector<16xf32>,
    %swap3A_140 = arith.constant 1 : i32
    %swap3A_141 = arith.index_cast %swap3A_140 : i32 to index
    %swap3A_142 = arith.constant 48 : index
    %swap3A_143 = tpu.vector_load %arg22[%swap3A_141, %swap3A_142] {strides = array<i32>} : memref<2x128xf32, #tpu.memory_space<vmem>>, vector<16xf32>,
    tpu.vector_store %arg22[%swap3A_141, %swap3A_142], %scan3A_72#11 {strides = array<i32>} : memref<2x128xf32, #tpu.memory_space<vmem>>, vector<16xf32>,
    %swap3A_144 = arith.constant 1 : i32
    %swap3A_145 = arith.index_cast %swap3A_144 : i32 to index
    %swap3A_146 = arith.constant 112 : index
    %swap3A_147 = tpu.vector_load %arg22[%swap3A_145, %swap3A_146] {strides = array<i32>} : memref<2x128xf32, #tpu.memory_space<vmem>>, vector<16xf32>,
    tpu.vector_store %arg22[%swap3A_145, %swap3A_146], %scan3A_72#15 {strides = array<i32>} : memref<2x128xf32, #tpu.memory_space<vmem>>, vector<16xf32>,
    "tpu.region"() ({
      %run_scoped3A = tpu.sem_alloc : memref<!tpu.dma_semaphore, #tpu.memory_space<semaphore_mem>>
      %dma_start3A_161 = arith.constant 0 : i32
      %dma_start3A_162 = arith.constant 0 : i32
      %dma_start3A_163 = tpu.memref_slice %arg9[%add3A, %dma_start3A_161, %dma_start3A_162] : memref<32x2x128xf32, #tpu.memory_space<hbm>> -> memref<1x2x128xf32, #tpu.memory_space<hbm>>
      %dma_start3A_164 = tpu.memref_squeeze %dma_start3A_163 : memref<1x2x128xf32, #tpu.memory_space<hbm>> -> memref<2x128xf32, #tpu.memory_space<hbm>>
      %dma_start3A_165 = arith.constant 0 : i32
      %dma_start3A_166 = arith.constant 0 : i32
      %dma_start3A_167 = tpu.memref_slice %arg9[%add3A, %dma_start3A_165, %dma_start3A_166] : memref<32x2x128xf32, #tpu.memory_space<hbm>> -> memref<1x2x128xf32, #tpu.memory_space<hbm>>
      %dma_start3A_168 = tpu.memref_squeeze %dma_start3A_167 : memref<1x2x128xf32, #tpu.memory_space<hbm>> -> memref<2x128xf32, #tpu.memory_space<hbm>>
      tpu.enqueue_dma source(%arg22 : memref<2x128xf32, #tpu.memory_space<vmem>>) target(%dma_start3A_168 : memref<2x128xf32, #tpu.memory_space<hbm>>) target_semaphore(%run_scoped3A : memref<!tpu.dma_semaphore, #tpu.memory_space<semaphore_mem>>)
      %dma_wait3A_169 = arith.constant 0 : i32
      %dma_wait3A_170 = arith.constant 0 : i32
      %dma_wait3A_171 = tpu.memref_slice %arg9[%add3A, %dma_wait3A_169, %dma_wait3A_170] : memref<32x2x128xf32, #tpu.memory_space<hbm>> -> memref<1x2x128xf32, #tpu.memory_space<hbm>>
      %dma_wait3A_172 = tpu.memref_squeeze %dma_wait3A_171 : memref<1x2x128xf32, #tpu.memory_space<hbm>> -> memref<2x128xf32, #tpu.memory_space<hbm>>
      %dma_wait3A_173 = arith.constant 0 : i32
      %dma_wait3A_174 = arith.constant 0 : i32
      %dma_wait3A_175 = tpu.memref_slice %arg9[%add3A, %dma_wait3A_173, %dma_wait3A_174] : memref<32x2x128xf32, #tpu.memory_space<hbm>> -> memref<1x2x128xf32, #tpu.memory_space<hbm>>
      %dma_wait3A_176 = tpu.memref_squeeze %dma_wait3A_175 : memref<1x2x128xf32, #tpu.memory_space<hbm>> -> memref<2x128xf32, #tpu.memory_space<hbm>>
      tpu.wait_dma2 semaphore(%run_scoped3A : memref<!tpu.dma_semaphore, #tpu.memory_space<semaphore_mem>>) src(%arg22 : memref<2x128xf32, #tpu.memory_space<vmem>>) dst(%dma_wait3A_176 : memref<2x128xf32, #tpu.memory_space<hbm>>)
      tpu.yield
    }) : () -> ()
    %barrier3A_148 = arith.constant 0 : index
    tpu.barrier barrier_id(%barrier3A_148)
    %while3A_149 = arith.constant 0 : i32
    %while3A_150 = arith.constant 0 : i32
    %while3A_151 = arith.subi %select_n3A, %while3A_149 : i32
    %while3A_152 = arith.addi %while3A_149, %while3A_151 : i32
    %while3A_153 = arith.constant 1 : i32
    %while3A_154 = arith.divsi %while3A_151, %while3A_153 : i32
    %while3A_155 = arith.muli %while3A_154, %while3A_153 : i32
    %while3A_156 = arith.addi %while3A_149, %while3A_155 : i32
    %while3A_157 = arith.constant 1 : i32
    %while3A_158 = scf.for %while3A_161 = %while3A_149 to %while3A_156 step %while3A_157 iter_args(%while3A_162 = %while3A_150) -> (i32)  : i32 {
      %mul3A_163 = arith.constant 40 : i32
      %mul3A_164 = arith.muli %while3A_161, %mul3A_163 : i32
      %add3A_165 = arith.addi %mul3A_8, %mul3A_164 : i32
      %mul3A_166 = arith.constant 40 : i32
      %mul3A_167 = arith.muli %while3A_161, %mul3A_166 : i32
      %add3A_168 = arith.addi %mul3A_8, %mul3A_167 : i32
      "tpu.region"() ({
        %run_scoped3A = tpu.sem_alloc : memref<!tpu.dma_semaphore, #tpu.memory_space<semaphore_mem>>
        %dma_start3A_170 = arith.constant 0 : i32
        %dma_start3A_171 = tpu.memref_slice %arg8[%arg0, %add3A_168, %dma_start3A_170] : memref<2x10000x128xf32, #tpu.memory_space<hbm>> -> memref<1x40x128xf32, #tpu.memory_space<hbm>>
        %dma_start3A_172 = tpu.memref_squeeze %dma_start3A_171 : memref<1x40x128xf32, #tpu.memory_space<hbm>> -> memref<40x128xf32, #tpu.memory_space<hbm>>
        %dma_start3A_173 = arith.constant 0 : i32
        %dma_start3A_174 = tpu.memref_slice %arg23[%add3A_165, %dma_start3A_173] : memref<10000x128xf32, #tpu.memory_space<vmem_shared>> -> memref<40x128xf32, #tpu.memory_space<vmem_shared>>
        tpu.enqueue_dma source(%dma_start3A_174 : memref<40x128xf32, #tpu.memory_space<vmem_shared>>) target(%dma_start3A_172 : memref<40x128xf32, #tpu.memory_space<hbm>>) target_semaphore(%run_scoped3A : memref<!tpu.dma_semaphore, #tpu.memory_space<semaphore_mem>>)
        %dma_wait3A_175 = arith.constant 0 : i32
        %dma_wait3A_176 = tpu.memref_slice %arg8[%arg0, %add3A_168, %dma_wait3A_175] : memref<2x10000x128xf32, #tpu.memory_space<hbm>> -> memref<1x40x128xf32, #tpu.memory_space<hbm>>
        %dma_wait3A_177 = tpu.memref_squeeze %dma_wait3A_176 : memref<1x40x128xf32, #tpu.memory_space<hbm>> -> memref<40x128xf32, #tpu.memory_space<hbm>>
        %dma_wait3A_178 = arith.constant 0 : i32
        %dma_wait3A_179 = tpu.memref_slice %arg23[%add3A_165, %dma_wait3A_178] : memref<10000x128xf32, #tpu.memory_space<vmem_shared>> -> memref<40x128xf32, #tpu.memory_space<vmem_shared>>
        tpu.wait_dma2 semaphore(%run_scoped3A : memref<!tpu.dma_semaphore, #tpu.memory_space<semaphore_mem>>) src(%dma_wait3A_179 : memref<40x128xf32, #tpu.memory_space<vmem_shared>>) dst(%dma_wait3A_177 : memref<40x128xf32, #tpu.memory_space<hbm>>)
        tpu.yield
      }) : () -> ()
      %while3A_169 = arith.constant 0 : i32
      scf.yield %while3A_169 : i32
    }
    %while3A_159 = arith.constant 1 : i32
    %while3A_160 = scf.for %while3A_161 = %while3A_156 to %while3A_152 step %while3A_159 iter_args(%while3A_162 = %while3A_158) -> (i32)  : i32 {
      %mul3A_163 = arith.constant 40 : i32
      %mul3A_164 = arith.muli %while3A_161, %mul3A_163 : i32
      %add3A_165 = arith.addi %mul3A_8, %mul3A_164 : i32
      %mul3A_166 = arith.constant 40 : i32
      %mul3A_167 = arith.muli %while3A_161, %mul3A_166 : i32
      %add3A_168 = arith.addi %mul3A_8, %mul3A_167 : i32
      "tpu.region"() ({
        %run_scoped3A = tpu.sem_alloc : memref<!tpu.dma_semaphore, #tpu.memory_space<semaphore_mem>>
        %dma_start3A_170 = arith.constant 0 : i32
        %dma_start3A_171 = tpu.memref_slice %arg8[%arg0, %add3A_168, %dma_start3A_170] : memref<2x10000x128xf32, #tpu.memory_space<hbm>> -> memref<1x40x128xf32, #tpu.memory_space<hbm>>
        %dma_start3A_172 = tpu.memref_squeeze %dma_start3A_171 : memref<1x40x128xf32, #tpu.memory_space<hbm>> -> memref<40x128xf32, #tpu.memory_space<hbm>>
        %dma_start3A_173 = arith.constant 0 : i32
        %dma_start3A_174 = tpu.memref_slice %arg23[%add3A_165, %dma_start3A_173] : memref<10000x128xf32, #tpu.memory_space<vmem_shared>> -> memref<40x128xf32, #tpu.memory_space<vmem_shared>>
        tpu.enqueue_dma source(%dma_start3A_174 : memref<40x128xf32, #tpu.memory_space<vmem_shared>>) target(%dma_start3A_172 : memref<40x128xf32, #tpu.memory_space<hbm>>) target_semaphore(%run_scoped3A : memref<!tpu.dma_semaphore, #tpu.memory_space<semaphore_mem>>)
        %dma_wait3A_175 = arith.constant 0 : i32
        %dma_wait3A_176 = tpu.memref_slice %arg8[%arg0, %add3A_168, %dma_wait3A_175] : memref<2x10000x128xf32, #tpu.memory_space<hbm>> -> memref<1x40x128xf32, #tpu.memory_space<hbm>>
        %dma_wait3A_177 = tpu.memref_squeeze %dma_wait3A_176 : memref<1x40x128xf32, #tpu.memory_space<hbm>> -> memref<40x128xf32, #tpu.memory_space<hbm>>
        %dma_wait3A_178 = arith.constant 0 : i32
        %dma_wait3A_179 = tpu.memref_slice %arg23[%add3A_165, %dma_wait3A_178] : memref<10000x128xf32, #tpu.memory_space<vmem_shared>> -> memref<40x128xf32, #tpu.memory_space<vmem_shared>>
        tpu.wait_dma2 semaphore(%run_scoped3A : memref<!tpu.dma_semaphore, #tpu.memory_space<semaphore_mem>>) src(%dma_wait3A_179 : memref<40x128xf32, #tpu.memory_space<vmem_shared>>) dst(%dma_wait3A_177 : memref<40x128xf32, #tpu.memory_space<hbm>>)
        tpu.yield
      }) : () -> ()
      %while3A_169 = arith.constant 0 : i32
      scf.yield %while3A_169 : i32
    }
    return
  }
}

module attributes {stable_mosaic.version = 14 : i64} {
  func.func @_efin_body(%arg0: i32, %arg1: memref<4000x64xf32, #tpu.memory_space<vmem>>, %arg2: memref<4000x16xf32, #tpu.memory_space<vmem>>, %arg3: memref<16x128xf32, #tpu.memory_space<vmem>>, %arg4: memref<32x2x128xf32, #tpu.memory_space<vmem>>, %arg5: memref<1x128xf32, #tpu.memory_space<vmem>>, %arg6: memref<1x128xf32, #tpu.memory_space<vmem>>, %arg7: memref<10000x128xf32, #tpu.memory_space<vmem>>, %arg8: memref<10000x128xf32, #tpu.memory_space<vmem>>, %arg9: memref<2x10000x128xf32, #tpu.memory_space<vmem>>, %arg10: memref<1x128xf32, #tpu.memory_space<vmem>>, %arg11: memref<1x128xf32, #tpu.memory_space<vmem>>, %arg12: memref<4000x128xf32, #tpu.memory_space<vmem>>, %arg13: memref<10000x128xf32, #tpu.memory_space<vmem>>) attributes {dimension_semantics = [#tpu.dimension_semantics<arbitrary>], iteration_bounds = array<i64: 80>, scalar_prefetch = 0 : i64, scratch_operands = 0 : i64, tpu.core_type = #tpu.core_type<tc>, window_params = [{transform_indices = @transform_0, window_bounds = array<i64: 4000, 64>}, {transform_indices = @transform_1, window_bounds = array<i64: 4000, 16>}, {pipeline_mode = #tpu.pipeline_mode<synchronous>, transform_indices = @transform_2, window_bounds = array<i64: 16, 128>}, {pipeline_mode = #tpu.pipeline_mode<synchronous>, transform_indices = @transform_3, window_bounds = array<i64: 32, 2, 128>}, {pipeline_mode = #tpu.pipeline_mode<synchronous>, transform_indices = @transform_4, window_bounds = array<i64: 1, 128>}, {pipeline_mode = #tpu.pipeline_mode<synchronous>, transform_indices = @transform_5, window_bounds = array<i64: 1, 128>}, {pipeline_mode = #tpu.pipeline_mode<synchronous>, transform_indices = @transform_6, window_bounds = array<i64: 10000, 128>}, {pipeline_mode = #tpu.pipeline_mode<synchronous>, transform_indices = @transform_7, window_bounds = array<i64: 10000, 128>}, {pipeline_mode = #tpu.pipeline_mode<synchronous>, transform_indices = @transform_8, window_bounds = array<i64: 2, 10000, 128>}, {pipeline_mode = #tpu.pipeline_mode<synchronous>, transform_indices = @transform_9, window_bounds = array<i64: 1, 128>}, {pipeline_mode = #tpu.pipeline_mode<synchronous>, transform_indices = @transform_10, window_bounds = array<i64: 1, 128>}, {transform_indices = @transform_11, window_bounds = array<i64: 4000, 128>}, {pipeline_mode = #tpu.pipeline_mode<synchronous>, transform_indices = @transform_12, window_bounds = array<i64: 10000, 128>}]} {
    %eq3A = arith.constant 0 : i32
    %eq3A_0 = arith.cmpi eq, %arg0, %eq3A : i32
    %convert_element_type3A = arith.extui %eq3A_0 : i1 to i32
    %cond3A = arith.constant 0 : i32
    %cond3A_1 = arith.cmpi ne, %convert_element_type3A, %cond3A : i32
    scf.if %cond3A_1 {
      %get3A_82 = arith.constant 0 : index
      %get3A_83 = arith.constant 0 : index
      %get3A_84 = vector.load %arg8[%get3A_82, %get3A_83] : memref<10000x128xf32, #tpu.memory_space<vmem>>, vector<10000x128xf32>
      %get3A_85 = arith.constant 0 : index
      %get3A_86 = arith.constant 0 : index
      %get3A_87 = arith.constant 0 : index
      %get3A_88 = vector.load %arg9[%get3A_85, %get3A_86, %get3A_87] : memref<2x10000x128xf32, #tpu.memory_space<vmem>>, vector<1x10000x128xf32>
      %get3A_89 = vector.shape_cast %get3A_88 : vector<1x10000x128xf32> to vector<10000x128xf32>
      %add3A_90 = arith.addf %get3A_84, %get3A_89 : vector<10000x128xf32>
      %get3A_91 = arith.constant 1 : index
      %get3A_92 = arith.constant 0 : index
      %get3A_93 = arith.constant 0 : index
      %get3A_94 = vector.load %arg9[%get3A_91, %get3A_92, %get3A_93] : memref<2x10000x128xf32, #tpu.memory_space<vmem>>, vector<1x10000x128xf32>
      %get3A_95 = vector.shape_cast %get3A_94 : vector<1x10000x128xf32> to vector<10000x128xf32>
      %add3A_96 = arith.addf %add3A_90, %get3A_95 : vector<10000x128xf32>
      %reduce_sum3A_97 = arith.constant dense<0.000000e+00> : vector<128xf32>
      %reduce_sum3A_98 = vector.multi_reduction <add>, %add3A_96, %reduce_sum3A_97 [0] : vector<10000x128xf32> to vector<128xf32>
      %broadcast_in_dim3A_99 = vector.shape_cast %reduce_sum3A_98 : vector<128xf32> to vector<1x128xf32>
      %div3A = arith.constant 1.000000e+04 : f32
      %div3A_100 = vector.broadcast %div3A : f32 to vector<1x128xf32>
      %div3A_101 = arith.divf %broadcast_in_dim3A_99, %div3A_100 : vector<1x128xf32>
      %sub3A_102 = vector.broadcast %div3A_101 : vector<1x128xf32> to vector<10000x128xf32>
      %sub3A_103 = arith.subf %add3A_96, %sub3A_102 : vector<10000x128xf32>
      %mul3A_104 = arith.mulf %sub3A_103, %sub3A_103 : vector<10000x128xf32>
      %reduce_sum3A_105 = arith.constant dense<0.000000e+00> : vector<128xf32>
      %reduce_sum3A_106 = vector.multi_reduction <add>, %mul3A_104, %reduce_sum3A_105 [0] : vector<10000x128xf32> to vector<128xf32>
      %broadcast_in_dim3A_107 = vector.shape_cast %reduce_sum3A_106 : vector<128xf32> to vector<1x128xf32>
      %div3A_108 = arith.constant 1.000000e+04 : f32
      %div3A_109 = vector.broadcast %div3A_108 : f32 to vector<1x128xf32>
      %div3A_110 = arith.divf %broadcast_in_dim3A_107, %div3A_109 : vector<1x128xf32>
      %add3A_111 = arith.constant 9.99999974E-6 : f32
      %add3A_112 = vector.broadcast %add3A_111 : f32 to vector<1x128xf32>
      %add3A_113 = arith.addf %div3A_110, %add3A_112 : vector<1x128xf32>
      %rsqrt3A_114 = math.rsqrt %add3A_113 : vector<1x128xf32>
      %mul3A_115 = vector.broadcast %rsqrt3A_114 : vector<1x128xf32> to vector<10000x128xf32>
      %mul3A_116 = arith.mulf %sub3A_103, %mul3A_115 : vector<10000x128xf32>
      %get3A_117 = arith.constant 0 : index
      %get3A_118 = arith.constant 0 : index
      %get3A_119 = vector.load %arg10[%get3A_117, %get3A_118] : memref<1x128xf32, #tpu.memory_space<vmem>>, vector<1x128xf32>
      %mul3A_120 = vector.broadcast %get3A_119 : vector<1x128xf32> to vector<10000x128xf32>
      %mul3A_121 = arith.mulf %mul3A_116, %mul3A_120 : vector<10000x128xf32>
      %get3A_122 = arith.constant 0 : index
      %get3A_123 = arith.constant 0 : index
      %get3A_124 = vector.load %arg11[%get3A_122, %get3A_123] : memref<1x128xf32, #tpu.memory_space<vmem>>, vector<1x128xf32>
      %add3A_125 = vector.broadcast %get3A_124 : vector<1x128xf32> to vector<10000x128xf32>
      %add3A_126 = arith.addf %mul3A_121, %add3A_125 : vector<10000x128xf32>
      %get3A_127 = arith.constant 0 : index
      %get3A_128 = arith.constant 0 : index
      %get3A_129 = vector.load %arg7[%get3A_127, %get3A_128] : memref<10000x128xf32, #tpu.memory_space<vmem>>, vector<10000x128xf32>
      %max3A_130 = arith.constant 0.000000e+00 : f32
      %max3A_131 = vector.broadcast %max3A_130 : f32 to vector<10000x128xf32>
      %max3A_132 = arith.maximumf %add3A_126, %max3A_131 : vector<10000x128xf32>
      %add3A_133 = arith.addf %get3A_129, %max3A_132 : vector<10000x128xf32>
      %swap3A_134 = arith.constant 0 : index
      %swap3A_135 = arith.constant 0 : index
      %swap3A_136 = vector.load %arg13[%swap3A_134, %swap3A_135] : memref<10000x128xf32, #tpu.memory_space<vmem>>, vector<10000x128xf32>
      tpu.vector_store %arg13[%swap3A_134, %swap3A_135], %add3A_133 {strides = array<i32>} : memref<10000x128xf32, #tpu.memory_space<vmem>>, vector<10000x128xf32>,
    } else {
    }
    %get3A = arith.constant 0 : index
    %get3A_2 = arith.constant 0 : index
    %get3A_3 = arith.constant 0 : index
    %get3A_4 = vector.load %arg4[%get3A, %get3A_2, %get3A_3] : memref<32x2x128xf32, #tpu.memory_space<vmem>>, vector<32x1x128xf32>
    %get3A_5 = vector.shape_cast %get3A_4 : vector<32x1x128xf32> to vector<32x128xf32>
    %reduce_sum3A = arith.constant dense<0.000000e+00> : vector<128xf32>
    %reduce_sum3A_6 = vector.multi_reduction <add>, %get3A_5, %reduce_sum3A [0] : vector<32x128xf32> to vector<128xf32>
    %broadcast_in_dim3A = vector.shape_cast %reduce_sum3A_6 : vector<128xf32> to vector<1x128xf32>
    %get3A_7 = arith.constant 0 : index
    %get3A_8 = arith.constant 1 : index
    %get3A_9 = arith.constant 0 : index
    %get3A_10 = vector.load %arg4[%get3A_7, %get3A_8, %get3A_9] : memref<32x2x128xf32, #tpu.memory_space<vmem>>, vector<32x1x128xf32>
    %get3A_11 = vector.shape_cast %get3A_10 : vector<32x1x128xf32> to vector<32x128xf32>
    %reduce_sum3A_12 = arith.constant dense<0.000000e+00> : vector<128xf32>
    %reduce_sum3A_13 = vector.multi_reduction <add>, %get3A_11, %reduce_sum3A_12 [0] : vector<32x128xf32> to vector<128xf32>
    %broadcast_in_dim3A_14 = vector.shape_cast %reduce_sum3A_13 : vector<128xf32> to vector<1x128xf32>
    %mul3A = arith.constant 3.125000e-06 : f32
    %mul3A_15 = vector.broadcast %mul3A : f32 to vector<1x128xf32>
    %mul3A_16 = arith.mulf %broadcast_in_dim3A, %mul3A_15 : vector<1x128xf32>
    %mul3A_17 = arith.constant 3.125000e-06 : f32
    %mul3A_18 = vector.broadcast %mul3A_17 : f32 to vector<1x128xf32>
    %mul3A_19 = arith.mulf %broadcast_in_dim3A_14, %mul3A_18 : vector<1x128xf32>
    %mul3A_20 = arith.mulf %mul3A_16, %mul3A_16 : vector<1x128xf32>
    %sub3A = arith.subf %mul3A_19, %mul3A_20 : vector<1x128xf32>
    %add3A = arith.constant 9.99999974E-6 : f32
    %add3A_21 = vector.broadcast %add3A : f32 to vector<1x128xf32>
    %add3A_22 = arith.addf %sub3A, %add3A_21 : vector<1x128xf32>
    %rsqrt3A = math.rsqrt %add3A_22 : vector<1x128xf32>
    %get3A_23 = arith.constant 0 : index
    %get3A_24 = arith.constant 0 : index
    %get3A_25 = vector.load %arg5[%get3A_23, %get3A_24] : memref<1x128xf32, #tpu.memory_space<vmem>>, vector<1x128xf32>
    %mul3A_26 = arith.mulf %rsqrt3A, %get3A_25 : vector<1x128xf32>
    %get3A_27 = arith.constant 0 : index
    %get3A_28 = arith.constant 0 : index
    %get3A_29 = vector.load %arg1[%get3A_27, %get3A_28] : memref<4000x64xf32, #tpu.memory_space<vmem>>, vector<4000x64xf32>
    %bitcast_convert_type3A = tpu.bitcast %get3A_29 : vector<4000x64xf32> -> vector<4000x64xi32>
    %and3A = arith.constant 65535 : i32
    %and3A_30 = vector.broadcast %and3A : i32 to vector<4000x64xi32>
    %and3A_31 = arith.andi %bitcast_convert_type3A, %and3A_30 : vector<4000x64xi32>
    %convert_element_type3A_32 = arith.trunci %and3A_31 : vector<4000x64xi32> to vector<4000x64xi16>
    %bitcast_convert_type3A_33 = tpu.bitcast %convert_element_type3A_32 : vector<4000x64xi16> -> vector<4000x64xbf16>
    %convert_element_type3A_34 = arith.extf %bitcast_convert_type3A_33 : vector<4000x64xbf16> to vector<4000x64xf32>
    %shift_right_logical3A = arith.constant 16 : i32
    %shift_right_logical3A_35 = vector.broadcast %shift_right_logical3A : i32 to vector<4000x64xi32>
    %shift_right_logical3A_36 = arith.shrui %bitcast_convert_type3A, %shift_right_logical3A_35 : vector<4000x64xi32>
    %convert_element_type3A_37 = arith.trunci %shift_right_logical3A_36 : vector<4000x64xi32> to vector<4000x64xi16>
    %bitcast_convert_type3A_38 = tpu.bitcast %convert_element_type3A_37 : vector<4000x64xi16> -> vector<4000x64xbf16>
    %convert_element_type3A_39 = arith.extf %bitcast_convert_type3A_38 : vector<4000x64xbf16> to vector<4000x64xf32>
    %get3A_40 = arith.constant 0 : index
    %get3A_41 = arith.constant 0 : index
    %get3A_42 = vector.load %arg2[%get3A_40, %get3A_41] : memref<4000x16xf32, #tpu.memory_space<vmem>>, vector<4000x16xf32>
    %get3A_43 = arith.constant 0 : index
    %get3A_44 = arith.constant 0 : index
    %get3A_45 = vector.load %arg3[%get3A_43, %get3A_44] : memref<16x128xf32, #tpu.memory_space<vmem>>, vector<16x128xf32>
    %dot_general3A = arith.constant dense<0.000000e+00> : vector<4000x128xf32>
    %dot_general3A_46 = tpu.matmul %get3A_42, %get3A_45, %dot_general3A {dimension_numbers = #tpu.dot_dimension_numbers<[1], [0], [0], [1], [0, 0, 1, 1], [], []>, transpose_lhs_hint = false} : vector<4000x16xf32>, vector<16x128xf32>, vector<4000x128xf32> -> vector<4000x128xf32>
    %slice3A = vector.extract_strided_slice %mul3A_16 {offsets = [0, 0], sizes = [1, 64], strides = [1, 1]} : vector<1x128xf32> to vector<1x64xf32>
    %sub3A_47 = vector.broadcast %slice3A : vector<1x64xf32> to vector<4000x64xf32>
    %sub3A_48 = arith.subf %convert_element_type3A_34, %sub3A_47 : vector<4000x64xf32>
    %slice3A_49 = vector.extract_strided_slice %mul3A_26 {offsets = [0, 0], sizes = [1, 64], strides = [1, 1]} : vector<1x128xf32> to vector<1x64xf32>
    %mul3A_50 = vector.broadcast %slice3A_49 : vector<1x64xf32> to vector<4000x64xf32>
    %mul3A_51 = arith.mulf %sub3A_48, %mul3A_50 : vector<4000x64xf32>
    %get3A_52 = arith.constant 0 : index
    %get3A_53 = arith.constant 0 : index
    %get3A_54 = vector.load %arg6[%get3A_52, %get3A_53] : memref<1x128xf32, #tpu.memory_space<vmem>>, vector<1x64xf32>
    %add3A_55 = vector.broadcast %get3A_54 : vector<1x64xf32> to vector<4000x64xf32>
    %add3A_56 = arith.addf %mul3A_51, %add3A_55 : vector<4000x64xf32>
    %slice3A_57 = vector.extract_strided_slice %mul3A_16 {offsets = [0, 64], sizes = [1, 64], strides = [1, 1]} : vector<1x128xf32> to vector<1x64xf32>
    %sub3A_58 = vector.broadcast %slice3A_57 : vector<1x64xf32> to vector<4000x64xf32>
    %sub3A_59 = arith.subf %convert_element_type3A_39, %sub3A_58 : vector<4000x64xf32>
    %slice3A_60 = vector.extract_strided_slice %mul3A_26 {offsets = [0, 64], sizes = [1, 64], strides = [1, 1]} : vector<1x128xf32> to vector<1x64xf32>
    %mul3A_61 = vector.broadcast %slice3A_60 : vector<1x64xf32> to vector<4000x64xf32>
    %mul3A_62 = arith.mulf %sub3A_59, %mul3A_61 : vector<4000x64xf32>
    %get3A_63 = arith.constant 0 : index
    %get3A_64 = arith.constant 64 : index
    %get3A_65 = vector.load %arg6[%get3A_63, %get3A_64] : memref<1x128xf32, #tpu.memory_space<vmem>>, vector<1x64xf32>
    %add3A_66 = vector.broadcast %get3A_65 : vector<1x64xf32> to vector<4000x64xf32>
    %add3A_67 = arith.addf %mul3A_62, %add3A_66 : vector<4000x64xf32>
    %slice3A_68 = vector.extract_strided_slice %dot_general3A_46 {offsets = [0, 0], sizes = [4000, 64], strides = [1, 1]} : vector<4000x128xf32> to vector<4000x64xf32>
    %max3A = arith.constant 0.000000e+00 : f32
    %max3A_69 = vector.broadcast %max3A : f32 to vector<4000x64xf32>
    %max3A_70 = arith.maximumf %add3A_56, %max3A_69 : vector<4000x64xf32>
    %add3A_71 = arith.addf %slice3A_68, %max3A_70 : vector<4000x64xf32>
    %swap3A = arith.constant 0 : index
    %swap3A_72 = arith.constant 0 : index
    %swap3A_73 = vector.load %arg12[%swap3A, %swap3A_72] : memref<4000x128xf32, #tpu.memory_space<vmem>>, vector<4000x64xf32>
    tpu.vector_store %arg12[%swap3A, %swap3A_72], %add3A_71 {strides = array<i32>} : memref<4000x128xf32, #tpu.memory_space<vmem>>, vector<4000x64xf32>,
    %slice3A_74 = vector.extract_strided_slice %dot_general3A_46 {offsets = [0, 64], sizes = [4000, 64], strides = [1, 1]} : vector<4000x128xf32> to vector<4000x64xf32>
    %max3A_75 = arith.constant 0.000000e+00 : f32
    %max3A_76 = vector.broadcast %max3A_75 : f32 to vector<4000x64xf32>
    %max3A_77 = arith.maximumf %add3A_67, %max3A_76 : vector<4000x64xf32>
    %add3A_78 = arith.addf %slice3A_74, %max3A_77 : vector<4000x64xf32>
    %swap3A_79 = arith.constant 0 : index
    %swap3A_80 = arith.constant 64 : index
    %swap3A_81 = vector.load %arg12[%swap3A_79, %swap3A_80] : memref<4000x128xf32, #tpu.memory_space<vmem>>, vector<4000x64xf32>
    tpu.vector_store %arg12[%swap3A_79, %swap3A_80], %add3A_78 {strides = array<i32>} : memref<4000x128xf32, #tpu.memory_space<vmem>>, vector<4000x64xf32>,
    return
  }
  func.func @transform_0(%arg0: i32) -> (i32, i32) {
    %c0_i32 = arith.constant 0 : i32
    %c0_i32_0 = arith.constant 0 : i32
    return %arg0, %c0_i32 : i32, i32
  }
  func.func @transform_1(%arg0: i32) -> (i32, i32) {
    %c0_i32 = arith.constant 0 : i32
    %c0_i32_0 = arith.constant 0 : i32
    return %arg0, %c0_i32 : i32, i32
  }
  func.func @transform_2(%arg0: i32) -> (i32, i32) {
    %c0_i32 = arith.constant 0 : i32
    %c0_i32_0 = arith.constant 0 : i32
    %c0_i32_1 = arith.constant 0 : i32
    return %c0_i32, %c0_i32_0 : i32, i32
  }
  func.func @transform_3(%arg0: i32) -> (i32, i32, i32) {
    %c0_i32 = arith.constant 0 : i32
    %c0_i32_0 = arith.constant 0 : i32
    %c0_i32_1 = arith.constant 0 : i32
    %c0_i32_2 = arith.constant 0 : i32
    return %c0_i32, %c0_i32_0, %c0_i32_1 : i32, i32, i32
  }
  func.func @transform_4(%arg0: i32) -> (i32, i32) {
    %c0_i32 = arith.constant 0 : i32
    %c0_i32_0 = arith.constant 0 : i32
    %c0_i32_1 = arith.constant 0 : i32
    return %c0_i32, %c0_i32_0 : i32, i32
  }
  func.func @transform_5(%arg0: i32) -> (i32, i32) {
    %c0_i32 = arith.constant 0 : i32
    %c0_i32_0 = arith.constant 0 : i32
    %c0_i32_1 = arith.constant 0 : i32
    return %c0_i32, %c0_i32_0 : i32, i32
  }
  func.func @transform_6(%arg0: i32) -> (i32, i32) {
    %c0_i32 = arith.constant 0 : i32
    %c0_i32_0 = arith.constant 0 : i32
    %c0_i32_1 = arith.constant 0 : i32
    return %c0_i32, %c0_i32_0 : i32, i32
  }
  func.func @transform_7(%arg0: i32) -> (i32, i32) {
    %c0_i32 = arith.constant 0 : i32
    %c0_i32_0 = arith.constant 0 : i32
    %c0_i32_1 = arith.constant 0 : i32
    return %c0_i32, %c0_i32_0 : i32, i32
  }
  func.func @transform_8(%arg0: i32) -> (i32, i32, i32) {
    %c0_i32 = arith.constant 0 : i32
    %c0_i32_0 = arith.constant 0 : i32
    %c0_i32_1 = arith.constant 0 : i32
    %c0_i32_2 = arith.constant 0 : i32
    return %c0_i32, %c0_i32_0, %c0_i32_1 : i32, i32, i32
  }
  func.func @transform_9(%arg0: i32) -> (i32, i32) {
    %c0_i32 = arith.constant 0 : i32
    %c0_i32_0 = arith.constant 0 : i32
    %c0_i32_1 = arith.constant 0 : i32
    return %c0_i32, %c0_i32_0 : i32, i32
  }
  func.func @transform_10(%arg0: i32) -> (i32, i32) {
    %c0_i32 = arith.constant 0 : i32
    %c0_i32_0 = arith.constant 0 : i32
    %c0_i32_1 = arith.constant 0 : i32
    return %c0_i32, %c0_i32_0 : i32, i32
  }
  func.func @transform_11(%arg0: i32) -> (i32, i32) {
    %c0_i32 = arith.constant 0 : i32
    %c0_i32_0 = arith.constant 0 : i32
    return %arg0, %c0_i32 : i32, i32
  }
  func.func @transform_12(%arg0: i32) -> (i32, i32) {
    %c0_i32 = arith.constant 0 : i32
    %c0_i32_0 = arith.constant 0 : i32
    %c0_i32_1 = arith.constant 0 : i32
    return %c0_i32, %c0_i32_0 : i32, i32
  }
}

module attributes {stable_mosaic.version = 14 : i64} {
  func.func @_ce_body(%arg0: i32, %arg1: memref<4000x16xf32, #tpu.memory_space<vmem>>, %arg2: memref<16x128xf32, #tpu.memory_space<vmem>>, %arg3: memref<1x128xf32, #tpu.memory_space<vmem>>, %arg4: memref<2000x128xf32, #tpu.memory_space<vmem>>, %arg5: memref<128x128xf32, #tpu.memory_space<vmem>>, %arg6: memref<1x128xf32, #tpu.memory_space<vmem>>, %arg7: memref<128x128xf32, #tpu.memory_space<vmem>>, %arg8: memref<1x128xf32, #tpu.memory_space<vmem>>, %arg9: memref<128x128xf32, #tpu.memory_space<vmem>>, %arg10: memref<1x128xf32, #tpu.memory_space<vmem>>, %arg11: memref<128x128xf32, #tpu.memory_space<vmem>>, %arg12: memref<1x128xf32, #tpu.memory_space<vmem>>, %arg13: memref<4000x64xf32, #tpu.memory_space<vmem>>, %arg14: memref<2000x128xf32, #tpu.memory_space<vmem>>, %arg15: memref<2000x128xf32, #tpu.memory_space<vmem>>, %arg16: memref<2000x128xf32, #tpu.memory_space<vmem>>) attributes {dimension_semantics = [#tpu.dimension_semantics<arbitrary>], iteration_bounds = array<i64: 80>, scalar_prefetch = 0 : i64, scratch_operands = 0 : i64, tpu.core_type = #tpu.core_type<tc>, window_params = [{transform_indices = @transform_0, window_bounds = array<i64: 4000, 16>}, {pipeline_mode = #tpu.pipeline_mode<synchronous>, transform_indices = @transform_1, window_bounds = array<i64: 16, 128>}, {pipeline_mode = #tpu.pipeline_mode<synchronous>, transform_indices = @transform_2, window_bounds = array<i64: 1, 128>}, {transform_indices = @transform_3, window_bounds = array<i64: 2000, 128>}, {pipeline_mode = #tpu.pipeline_mode<synchronous>, transform_indices = @transform_4, window_bounds = array<i64: 128, 128>}, {pipeline_mode = #tpu.pipeline_mode<synchronous>, transform_indices = @transform_5, window_bounds = array<i64: 1, 128>}, {pipeline_mode = #tpu.pipeline_mode<synchronous>, transform_indices = @transform_6, window_bounds = array<i64: 128, 128>}, {pipeline_mode = #tpu.pipeline_mode<synchronous>, transform_indices = @transform_7, window_bounds = array<i64: 1, 128>}, {pipeline_mode = #tpu.pipeline_mode<synchronous>, transform_indices = @transform_8, window_bounds = array<i64: 128, 128>}, {pipeline_mode = #tpu.pipeline_mode<synchronous>, transform_indices = @transform_9, window_bounds = array<i64: 1, 128>}, {pipeline_mode = #tpu.pipeline_mode<synchronous>, transform_indices = @transform_10, window_bounds = array<i64: 128, 128>}, {pipeline_mode = #tpu.pipeline_mode<synchronous>, transform_indices = @transform_11, window_bounds = array<i64: 1, 128>}, {transform_indices = @transform_12, window_bounds = array<i64: 4000, 64>}, {transform_indices = @transform_13, window_bounds = array<i64: 2000, 128>}, {transform_indices = @transform_14, window_bounds = array<i64: 2000, 128>}, {transform_indices = @transform_15, window_bounds = array<i64: 2000, 128>}]} {
    %get3A = arith.constant 0 : index
    %get3A_0 = arith.constant 0 : index
    %get3A_1 = vector.load %arg1[%get3A, %get3A_0] : memref<4000x16xf32, #tpu.memory_space<vmem>>, vector<4000x16xf32>
    %get3A_2 = arith.constant 0 : index
    %get3A_3 = arith.constant 0 : index
    %get3A_4 = vector.load %arg2[%get3A_2, %get3A_3] : memref<16x128xf32, #tpu.memory_space<vmem>>, vector<16x128xf32>
    %dot_general3A = arith.constant dense<0.000000e+00> : vector<4000x128xf32>
    %dot_general3A_5 = tpu.matmul %get3A_1, %get3A_4, %dot_general3A {dimension_numbers = #tpu.dot_dimension_numbers<[1], [0], [0], [1], [0, 0, 1, 1], [], []>, transpose_lhs_hint = false} : vector<4000x16xf32>, vector<16x128xf32>, vector<4000x128xf32> -> vector<4000x128xf32>
    %get3A_6 = arith.constant 0 : index
    %get3A_7 = arith.constant 0 : index
    %get3A_8 = vector.load %arg3[%get3A_6, %get3A_7] : memref<1x128xf32, #tpu.memory_space<vmem>>, vector<1x128xf32>
    %add3A = vector.broadcast %get3A_8 : vector<1x128xf32> to vector<4000x128xf32>
    %add3A_9 = arith.addf %dot_general3A_5, %add3A : vector<4000x128xf32>
    %slice3A = vector.extract_strided_slice %add3A_9 {offsets = [0, 0], sizes = [4000, 64], strides = [1, 1]} : vector<4000x128xf32> to vector<4000x64xf32>
    %slice3A_10 = vector.extract_strided_slice %add3A_9 {offsets = [0, 64], sizes = [4000, 64], strides = [1, 1]} : vector<4000x128xf32> to vector<4000x64xf32>
    %convert_element_type3A = arith.truncf %slice3A : vector<4000x64xf32> to vector<4000x64xbf16>
    %bitcast_convert_type3A = tpu.bitcast %convert_element_type3A : vector<4000x64xbf16> -> vector<4000x64xi16>
    %convert_element_type3A_11 = arith.extui %bitcast_convert_type3A : vector<4000x64xi16> to vector<4000x64xi32>
    %convert_element_type3A_12 = arith.truncf %slice3A_10 : vector<4000x64xf32> to vector<4000x64xbf16>
    %bitcast_convert_type3A_13 = tpu.bitcast %convert_element_type3A_12 : vector<4000x64xbf16> -> vector<4000x64xi16>
    %convert_element_type3A_14 = arith.extui %bitcast_convert_type3A_13 : vector<4000x64xi16> to vector<4000x64xi32>
    %shift_left3A = arith.constant 16 : i32
    %shift_left3A_15 = vector.broadcast %shift_left3A : i32 to vector<4000x64xi32>
    %shift_left3A_16 = arith.shli %convert_element_type3A_14, %shift_left3A_15 : vector<4000x64xi32>
    %or3A = arith.ori %convert_element_type3A_11, %shift_left3A_16 : vector<4000x64xi32>
    %bitcast_convert_type3A_17 = tpu.bitcast %or3A : vector<4000x64xi32> -> vector<4000x64xf32>
    %swap3A = arith.constant 0 : index
    %swap3A_18 = arith.constant 0 : index
    %swap3A_19 = vector.load %arg13[%swap3A, %swap3A_18] : memref<4000x64xf32, #tpu.memory_space<vmem>>, vector<4000x64xf32>
    tpu.vector_store %arg13[%swap3A, %swap3A_18], %bitcast_convert_type3A_17 {strides = array<i32>} : memref<4000x64xf32, #tpu.memory_space<vmem>>, vector<4000x64xf32>,
    %lt3A = arith.constant 5 : i32
    %lt3A_20 = arith.cmpi slt, %arg0, %lt3A : i32
    %convert_element_type3A_21 = arith.extui %lt3A_20 : i1 to i32
    %cond3A = arith.constant 0 : i32
    %cond3A_22 = arith.cmpi ne, %convert_element_type3A_21, %cond3A : i32
    scf.if %cond3A_22 {
      %get3A_23 = arith.constant 0 : index
      %get3A_24 = arith.constant 0 : index
      %get3A_25 = vector.load %arg4[%get3A_23, %get3A_24] : memref<2000x128xf32, #tpu.memory_space<vmem>>, vector<2000x128xf32>
      %get3A_26 = arith.constant 0 : index
      %get3A_27 = arith.constant 0 : index
      %get3A_28 = vector.load %arg5[%get3A_26, %get3A_27] : memref<128x128xf32, #tpu.memory_space<vmem>>, vector<128x128xf32>
      %dot_general3A_29 = arith.constant dense<0.000000e+00> : vector<2000x128xf32>
      %dot_general3A_30 = tpu.matmul %get3A_25, %get3A_28, %dot_general3A_29 {dimension_numbers = #tpu.dot_dimension_numbers<[1], [0], [0], [1], [0, 0, 1, 1], [], []>, precision = #tpu.contract_precision<fp32>, transpose_lhs_hint = false} : vector<2000x128xf32>, vector<128x128xf32>, vector<2000x128xf32> -> vector<2000x128xf32>
      %get3A_31 = arith.constant 0 : index
      %get3A_32 = arith.constant 0 : index
      %get3A_33 = vector.load %arg6[%get3A_31, %get3A_32] : memref<1x128xf32, #tpu.memory_space<vmem>>, vector<1x128xf32>
      %add3A_34 = vector.broadcast %get3A_33 : vector<1x128xf32> to vector<2000x128xf32>
      %add3A_35 = arith.addf %dot_general3A_30, %add3A_34 : vector<2000x128xf32>
      %swap3A_36 = arith.constant 0 : index
      %swap3A_37 = arith.constant 0 : index
      %swap3A_38 = vector.load %arg14[%swap3A_36, %swap3A_37] : memref<2000x128xf32, #tpu.memory_space<vmem>>, vector<2000x128xf32>
      tpu.vector_store %arg14[%swap3A_36, %swap3A_37], %add3A_35 {strides = array<i32>} : memref<2000x128xf32, #tpu.memory_space<vmem>>, vector<2000x128xf32>,
      %get3A_39 = arith.constant 0 : index
      %get3A_40 = arith.constant 0 : index
      %get3A_41 = vector.load %arg9[%get3A_39, %get3A_40] : memref<128x128xf32, #tpu.memory_space<vmem>>, vector<128x128xf32>
      %dot_general3A_42 = arith.constant dense<0.000000e+00> : vector<2000x128xf32>
      %dot_general3A_43 = tpu.matmul %get3A_25, %get3A_41, %dot_general3A_42 {dimension_numbers = #tpu.dot_dimension_numbers<[1], [0], [0], [1], [0, 0, 1, 1], [], []>, precision = #tpu.contract_precision<fp32>, transpose_lhs_hint = false} : vector<2000x128xf32>, vector<128x128xf32>, vector<2000x128xf32> -> vector<2000x128xf32>
      %get3A_44 = arith.constant 0 : index
      %get3A_45 = arith.constant 0 : index
      %get3A_46 = vector.load %arg10[%get3A_44, %get3A_45] : memref<1x128xf32, #tpu.memory_space<vmem>>, vector<1x128xf32>
      %add3A_47 = vector.broadcast %get3A_46 : vector<1x128xf32> to vector<2000x128xf32>
      %add3A_48 = arith.addf %dot_general3A_43, %add3A_47 : vector<2000x128xf32>
      %swap3A_49 = arith.constant 0 : index
      %swap3A_50 = arith.constant 0 : index
      %swap3A_51 = vector.load %arg15[%swap3A_49, %swap3A_50] : memref<2000x128xf32, #tpu.memory_space<vmem>>, vector<2000x128xf32>
      tpu.vector_store %arg15[%swap3A_49, %swap3A_50], %add3A_48 {strides = array<i32>} : memref<2000x128xf32, #tpu.memory_space<vmem>>, vector<2000x128xf32>,
      %get3A_52 = arith.constant 0 : index
      %get3A_53 = arith.constant 0 : index
      %get3A_54 = vector.load %arg11[%get3A_52, %get3A_53] : memref<128x128xf32, #tpu.memory_space<vmem>>, vector<128x128xf32>
      %dot_general3A_55 = arith.constant dense<0.000000e+00> : vector<2000x128xf32>
      %dot_general3A_56 = tpu.matmul %get3A_25, %get3A_54, %dot_general3A_55 {dimension_numbers = #tpu.dot_dimension_numbers<[1], [0], [0], [1], [0, 0, 1, 1], [], []>, precision = #tpu.contract_precision<fp32>, transpose_lhs_hint = false} : vector<2000x128xf32>, vector<128x128xf32>, vector<2000x128xf32> -> vector<2000x128xf32>
      %get3A_57 = arith.constant 0 : index
      %get3A_58 = arith.constant 0 : index
      %get3A_59 = vector.load %arg12[%get3A_57, %get3A_58] : memref<1x128xf32, #tpu.memory_space<vmem>>, vector<1x128xf32>
      %add3A_60 = vector.broadcast %get3A_59 : vector<1x128xf32> to vector<2000x128xf32>
      %add3A_61 = arith.addf %dot_general3A_56, %add3A_60 : vector<2000x128xf32>
      %get3A_62 = arith.constant 0 : index
      %get3A_63 = arith.constant 0 : index
      %get3A_64 = vector.load %arg7[%get3A_62, %get3A_63] : memref<128x128xf32, #tpu.memory_space<vmem>>, vector<128x128xf32>
      %dot_general3A_65 = arith.constant dense<0.000000e+00> : vector<2000x128xf32>
      %dot_general3A_66 = tpu.matmul %get3A_25, %get3A_64, %dot_general3A_65 {dimension_numbers = #tpu.dot_dimension_numbers<[1], [0], [0], [1], [0, 0, 1, 1], [], []>, precision = #tpu.contract_precision<fp32>, transpose_lhs_hint = false} : vector<2000x128xf32>, vector<128x128xf32>, vector<2000x128xf32> -> vector<2000x128xf32>
      %get3A_67 = arith.constant 0 : index
      %get3A_68 = arith.constant 0 : index
      %get3A_69 = vector.load %arg8[%get3A_67, %get3A_68] : memref<1x128xf32, #tpu.memory_space<vmem>>, vector<1x128xf32>
      %add3A_70 = vector.broadcast %get3A_69 : vector<1x128xf32> to vector<2000x128xf32>
      %add3A_71 = arith.addf %dot_general3A_66, %add3A_70 : vector<2000x128xf32>
      %convert_element_type3A_72 = arith.truncf %add3A_61 : vector<2000x128xf32> to vector<2000x128xbf16>
      %bitcast_convert_type3A_73 = tpu.bitcast %convert_element_type3A_72 : vector<2000x128xbf16> -> vector<2000x128xi16>
      %convert_element_type3A_74 = arith.extui %bitcast_convert_type3A_73 : vector<2000x128xi16> to vector<2000x128xi32>
      %convert_element_type3A_75 = arith.truncf %add3A_71 : vector<2000x128xf32> to vector<2000x128xbf16>
      %bitcast_convert_type3A_76 = tpu.bitcast %convert_element_type3A_75 : vector<2000x128xbf16> -> vector<2000x128xi16>
      %convert_element_type3A_77 = arith.extui %bitcast_convert_type3A_76 : vector<2000x128xi16> to vector<2000x128xi32>
      %shift_left3A_78 = arith.constant 16 : i32
      %shift_left3A_79 = vector.broadcast %shift_left3A_78 : i32 to vector<2000x128xi32>
      %shift_left3A_80 = arith.shli %convert_element_type3A_77, %shift_left3A_79 : vector<2000x128xi32>
      %or3A_81 = arith.ori %convert_element_type3A_74, %shift_left3A_80 : vector<2000x128xi32>
      %bitcast_convert_type3A_82 = tpu.bitcast %or3A_81 : vector<2000x128xi32> -> vector<2000x128xf32>
      %swap3A_83 = arith.constant 0 : index
      %swap3A_84 = arith.constant 0 : index
      %swap3A_85 = vector.load %arg16[%swap3A_83, %swap3A_84] : memref<2000x128xf32, #tpu.memory_space<vmem>>, vector<2000x128xf32>
      tpu.vector_store %arg16[%swap3A_83, %swap3A_84], %bitcast_convert_type3A_82 {strides = array<i32>} : memref<2000x128xf32, #tpu.memory_space<vmem>>, vector<2000x128xf32>,
    } else {
    }
    return
  }
  func.func @transform_0(%arg0: i32) -> (i32, i32) {
    %c0_i32 = arith.constant 0 : i32
    %c0_i32_0 = arith.constant 0 : i32
    return %arg0, %c0_i32 : i32, i32
  }
  func.func @transform_1(%arg0: i32) -> (i32, i32) {
    %c0_i32 = arith.constant 0 : i32
    %c0_i32_0 = arith.constant 0 : i32
    %c0_i32_1 = arith.constant 0 : i32
    return %c0_i32, %c0_i32_0 : i32, i32
  }
  func.func @transform_2(%arg0: i32) -> (i32, i32) {
    %c0_i32 = arith.constant 0 : i32
    %c0_i32_0 = arith.constant 0 : i32
    %c0_i32_1 = arith.constant 0 : i32
    return %c0_i32, %c0_i32_0 : i32, i32
  }
  func.func @transform_3(%arg0: i32) -> (i32, i32) {
    %min3A = arith.constant 4 : i32
    %min3A_0 = arith.minsi %arg0, %min3A : i32
    %c0_i32 = arith.constant 0 : i32
    %c0_i32_1 = arith.constant 0 : i32
    return %min3A_0, %c0_i32 : i32, i32
  }
  func.func @transform_4(%arg0: i32) -> (i32, i32) {
    %c0_i32 = arith.constant 0 : i32
    %c0_i32_0 = arith.constant 0 : i32
    %c0_i32_1 = arith.constant 0 : i32
    return %c0_i32, %c0_i32_0 : i32, i32
  }
  func.func @transform_5(%arg0: i32) -> (i32, i32) {
    %c0_i32 = arith.constant 0 : i32
    %c0_i32_0 = arith.constant 0 : i32
    %c0_i32_1 = arith.constant 0 : i32
    return %c0_i32, %c0_i32_0 : i32, i32
  }
  func.func @transform_6(%arg0: i32) -> (i32, i32) {
    %c0_i32 = arith.constant 0 : i32
    %c0_i32_0 = arith.constant 0 : i32
    %c0_i32_1 = arith.constant 0 : i32
    return %c0_i32, %c0_i32_0 : i32, i32
  }
  func.func @transform_7(%arg0: i32) -> (i32, i32) {
    %c0_i32 = arith.constant 0 : i32
    %c0_i32_0 = arith.constant 0 : i32
    %c0_i32_1 = arith.constant 0 : i32
    return %c0_i32, %c0_i32_0 : i32, i32
  }
  func.func @transform_8(%arg0: i32) -> (i32, i32) {
    %c0_i32 = arith.constant 0 : i32
    %c0_i32_0 = arith.constant 0 : i32
    %c0_i32_1 = arith.constant 0 : i32
    return %c0_i32, %c0_i32_0 : i32, i32
  }
  func.func @transform_9(%arg0: i32) -> (i32, i32) {
    %c0_i32 = arith.constant 0 : i32
    %c0_i32_0 = arith.constant 0 : i32
    %c0_i32_1 = arith.constant 0 : i32
    return %c0_i32, %c0_i32_0 : i32, i32
  }
  func.func @transform_10(%arg0: i32) -> (i32, i32) {
    %c0_i32 = arith.constant 0 : i32
    %c0_i32_0 = arith.constant 0 : i32
    %c0_i32_1 = arith.constant 0 : i32
    return %c0_i32, %c0_i32_0 : i32, i32
  }
  func.func @transform_11(%arg0: i32) -> (i32, i32) {
    %c0_i32 = arith.constant 0 : i32
    %c0_i32_0 = arith.constant 0 : i32
    %c0_i32_1 = arith.constant 0 : i32
    return %c0_i32, %c0_i32_0 : i32, i32
  }
  func.func @transform_12(%arg0: i32) -> (i32, i32) {
    %c0_i32 = arith.constant 0 : i32
    %c0_i32_0 = arith.constant 0 : i32
    return %arg0, %c0_i32 : i32, i32
  }
  func.func @transform_13(%arg0: i32) -> (i32, i32) {
    %min3A = arith.constant 4 : i32
    %min3A_0 = arith.minsi %arg0, %min3A : i32
    %c0_i32 = arith.constant 0 : i32
    %c0_i32_1 = arith.constant 0 : i32
    return %min3A_0, %c0_i32 : i32, i32
  }
  func.func @transform_14(%arg0: i32) -> (i32, i32) {
    %min3A = arith.constant 4 : i32
    %min3A_0 = arith.minsi %arg0, %min3A : i32
    %c0_i32 = arith.constant 0 : i32
    %c0_i32_1 = arith.constant 0 : i32
    return %min3A_0, %c0_i32 : i32, i32
  }
  func.func @transform_15(%arg0: i32) -> (i32, i32) {
    %min3A = arith.constant 4 : i32
    %min3A_0 = arith.minsi %arg0, %min3A : i32
    %c0_i32 = arith.constant 0 : i32
    %c0_i32_1 = arith.constant 0 : i32
    return %min3A_0, %c0_i32 : i32, i32
  }
}

</mosaic_0001>

<sc_bundles>
// kernel: kernel.5.cloned.1.call-start
scs
__scs_entry_jumppad:
0x0: {  	(pc) =	sbr.rel $0x88, $3  }
0x1: {  	(tag) =	ssettag $0x0;
	lr =	simm.s32 $0x1  }
0x2: {  	[smem:$0x3F8F] =	sst lr;
	_ =	strace $0xD0000000  }
0x3: {  	_ = 	snop  }
0x4: {  	_ = 	snop  }
0x5: {  	_ = 	snop  }
0x6: {  	_ = 	snop  }
0x7: {  	_ = 	snop  }
__scs_overlays_trampoline_lowered:
0x8: {  	[smem:$0x3F9E] =	sst s0  }
0x9: {  	[smem:$0x3F9F] =	sst s1  }
0xa: {  	[smem:$0x3FA0] =	sst s2  }
0xb: {  	[smem:$0x3FA1] =	sst s3  }
0xc: {  	[smem:$0x3FA2] =	sst s4  }
0xd: {  	[smem:$0x3FA3] =	sst s5  }
0xe: {  	[smem:$0x3FA4] =	sst s6  }
0xf: {  	[smem:$0x3FA5] =	sst s7  }
0x10: {  	[smem:$0x3FA6] =	sst s8  }
0x11: {  	[smem:$0x3FA7] =	sst s9;
	s0 =	simm.s32 @!p0 $0x0  }
0x12: {  	s1 =	sld [smem:$0x3F8D];
	s0 =	simm.s32 @p0 $0x1  }
0x13: {  	[smem:$0x3FA8] =	sst s0;
	s0 =	simm.s32 @!p1 $0x0  }
0x14: {  	s2 =	sld [smem:$0x3F8C];
	s0 =	simm.s32 @p1 $0x1  }
0x15: {  	[smem:$0x3FA9] =	sst s0;
	s0 =	simm.s32 @!p2 $0x0  }
0x16: {  	s3 =	sld [smem:$0x3FDB];
	s0 =	simm.s32 @p2 $0x1  }
0x17: {  	s4 =	simm.s32 $0x1BF5;
	[smem:$0x3FAB] =	sst s0  }
0x18: {  	s0 =	sld [smem:$0x3F8E];
	_ =	swait.ge [sflag:s4], $0x0  }
0x19: {  	s7 =	sld [smem:$0x3F8F]  }
0x1a: {  	s8 =	sadd.s32 $0xFFFFE003, lr  }
0x1b: {  	s9 =	sadd.s32 $0xFFFFFEF7, lr;
	s5 =	simm.s32 $0xFFFFFFFF;
	p2 =	slt.u32 s8, $0xFFFFF086  }
0x1c: {  	p1 =	slt.u32 s9, $0xF7A;
	s5 =	simm.s32 @!p2 $0x0  }
0x1d: {  	s5 =	simm.s32 @p1 $0x1;
	p0 =	seq.s32 s7, s2  }
0x1e: {  	s7 =	smul.u32 @!p0 $0xF7A, s2;
	p2 =	seq.s32 @!p0 s5, $0x0  }
0x1f: {  	s9 =	smul.u32 $0xF7A, s1;
	s8 =	simm.s32 @!p0 $0x1BF5;
	p2 =	por !p2, p0  }
0x20: {  	[sflag:s8] =	ssyncset.s32 @!p0 $0xFFFFF086;
	s6 =	sadd.s32 @!p0 s3, s7;
	s7 =	simm.s32 @!p0 $0x108  }
0x21: {  	s3 =	sadd.s32 s3, s9;
	s6 =	sadd.s32 @!p0 $0x88, s6;
	s7 =	simm.s32 @p2 $0x1082  }
0x22: {  	[simem:s7], [sflag:s8] =	dma.local @!p0 [hbm:s6], $0xF7A  }
0x23: {  	s9 =	sor.u32 $0xD0000000, s2;
	s6 =	simm.s32 $0x108;
	_ =	swait.ge @!p0 [sflag:s8], $0x0  }
0x24: {  	s3 =	sadd.s32 $0x88, s3;
	s6 =	simm.s32 @!p1 $0x1082;
	[sflag:s4] =	ssyncset.s32 $0xFFFFF086  }
0x25: {  	[simem:s6], [sflag:s4] =	dma.local [hbm:s3], $0xF7A  }
0x26: {  	[smem:$0x3F8F] =	sst s1;
	(tag) =	ssettag s2;
	_ =	strace s9  }
0x27: {  	s1 =	sld [smem:$0x3F9F]  }
0x28: {  	s2 =	sld [smem:$0x3FA0]  }
0x29: {  	s4 =	sld [smem:$0x3FA2]  }
0x2a: {  	p0 =	seq.s32 s5, $0x0;
	s5 =	sld [smem:$0x3FA3]  }
0x2b: {  	s6 =	sld [smem:$0x3FA4]  }
0x2c: {  	s7 =	sld [smem:$0x3FA5]  }
0x2d: {  	s3 =	simm.s32 $0x108;
	s8 =	sld [smem:$0x3FA6]  }
0x2e: {  	s3 =	simm.s32 @!p0 $0x1082;
	s9 =	sld [smem:$0x3FA7]  }
0x2f: {  	lr =	sadd.s32 s0, s3;
	s0 =	sld [smem:$0x3F9E]  }
0x30: {  	s3 =	sld [smem:$0x3FA1]  }
0x31: {  	[smem:$0x3FAA] =	sst s10  }
0x32: {  	s10 =	sld [smem:$0x3FA8];
	_ =	sdelay $0x3  }
0x33: {  	p0 =	seq.s32 s10, $0x1;
	s10 =	sld [smem:$0x3FAA];
	_ =	sdelay $0x3  }
0x34: {  	[smem:$0x3FAA] =	sst s10  }
0x35: {  	s10 =	sld [smem:$0x3FA9];
	_ =	sdelay $0x3  }
0x36: {  	p1 =	seq.s32 s10, $0x1;
	s10 =	sld [smem:$0x3FAA];
	_ =	sdelay $0x3  }
0x37: {  	[smem:$0x3FAA] =	sst s10  }
0x38: {  	s10 =	sld [smem:$0x3FAB]  }
0x39: {  	_ = 	snop;
	(pc) =	sbr.ind lr, $3  }
0x3a: {  	_ = 	snop  }
0x3b: {  	_ = 	snop  }
0x3c: {  	p2 =	seq.s32 s10, $0x1;
	s10 =	sld [smem:$0x3FAA]  }
0x3d: {  	_ =	shalt  }
0x3e: {  	_ =	shalt  }
0x3f: {  	_ =	shalt  }
0x40: {  	_ =	shalt  }
0x41: {  	_ =	shalt  }
0x42: {  	_ =	shalt  }
0x43: {  	_ =	shalt  }
0x44: {  	_ =	shalt  }
0x45: {  	_ =	shalt  }
0x46: {  	_ =	shalt  }
0x47: {  	_ =	shalt  }
0x48: {  	_ =	shalt  }
0x49: {  	_ =	shalt  }
0x4a: {  	_ =	shalt  }
0x4b: {  	_ =	shalt  }
0x4c: {  	_ =	shalt  }
0x4d: {  	_ =	shalt  }
0x4e: {  	_ =	shalt  }
0x4f: {  	_ =	shalt  }
0x50: {  	_ =	shalt  }
0x51: {  	_ =	shalt  }
0x52: {  	_ =	shalt  }
0x53: {  	_ =	shalt  }
0x54: {  	_ =	shalt  }
0x55: {  	_ =	shalt  }
0x56: {  	_ =	shalt  }
0x57: {  	_ =	shalt  }
0x58: {  	_ =	shalt  }
0x59: {  	_ =	shalt  }
0x5a: {  	_ =	shalt  }
0x5b: {  	_ =	shalt  }
0x5c: {  	_ =	shalt  }
0x5d: {  	_ =	shalt  }
0x5e: {  	_ =	shalt  }
0x5f: {  	_ =	shalt  }
0x60: {  	_ =	shalt  }
0x61: {  	_ =	shalt  }
0x62: {  	_ =	shalt  }
0x63: {  	_ =	shalt  }
0x64: {  	_ =	shalt  }
0x65: {  	_ =	shalt  }
0x66: {  	_ =	shalt  }
0x67: {  	_ =	shalt  }
0x68: {  	_ =	shalt  }
0x69: {  	_ =	shalt  }
0x6a: {  	_ =	shalt  }
0x6b: {  	_ =	shalt  }
0x6c: {  	_ =	shalt  }
0x6d: {  	_ =	shalt  }
0x6e: {  	_ =	shalt  }
0x6f: {  	_ =	shalt  }
0x70: {  	_ =	shalt  }
0x71: {  	_ =	shalt  }
0x72: {  	_ =	shalt  }
0x73: {  	_ =	shalt  }
0x74: {  	_ =	shalt  }
0x75: {  	_ =	shalt  }
0x76: {  	_ =	shalt  }
0x77: {  	_ =	shalt  }
0x78: {  	_ =	shalt  }
0x79: {  	_ =	shalt  }
0x7a: {  	_ =	shalt  }
0x7b: {  	_ =	shalt  }
0x7c: {  	_ =	shalt  }
0x7d: {  	_ =	shalt  }
0x7e: {  	_ =	shalt  }
0x7f: {  	_ =	shalt  }
0x80: {  	_ =	shalt  }
0x81: {  	_ =	shalt  }
0x82: {  	_ =	shalt  }
0x83: {  	_ =	shalt  }
0x84: {  	_ =	shalt  }
0x85: {  	_ =	shalt  }
0x86: {  	_ =	shalt  }
0x87: {  	_ =	shalt  }
.Lfunc_end0:
.L_simem_size_0:
called_computation_lowered:
.L_overlay_start_0:
0x88: {  	s2 =	sld [smem:$0x3FD9]  }
0x89: {  	s3 =	sld [smem:$0x3FFE];
	_ =	sdelay $0x1  }
0x8a: {  	s1 =	srdreg.scid  }
0x8b: {  	s0 =	sand.u32 $0x1, s1  }
0x8c: {  	s14 =	sshll.u32 s0, $0xA;
	s2 =	sadd.s32 s3, s2  }
0x8d: {  	s2 =	sadd.s32 s2, s14  }
0x8e: {  	[smem:$0x3FB6] =	sst s2  }
0x8f: {  	_ = 	snop  }
0x90: {  	s2 =	sld [smem:$0x3FD0];
	_ =	sdelay $0x2  }
0x91: {  	s15 =	simm.s32 $0xA;
	s4 =	simm.s32 $0x10  }
0x92: {  	[smem:s4], [sflag:s15] =	dma.local [hbm:s2], $0x1  }
0x93: {  	_ =	swait.eq [sflag:s15], $0x1  }
0x94: {  	[sflag:s15] =	ssyncset.done $0x0  }
0x95: {  	s16 =	sld [smem:$0x10];
	[sflag:s15] =	ssyncadd.s32 $0xFFFFFFFF  }
0x96: {  	s17 =	sld [smem:$0x11];
	(tm) =	ssettm $0x1  }
0x97: {  	s18 =	sld [smem:$0x3FFB];
	_ =	sdelay $0x3  }
0x98: {  	_ =	strace s18  }
0x99: {  	s4 =	sld [smem:$0x3FFC];
	_ =	sdelay $0x3  }
0x9a: {  	_ =	strace s4  }
0x9b: {  	s4 =	sld [smem:$0x3FFD];
	_ =	sdelay $0x3  }
0x9c: {  	_ =	strace s4  }
0x9d: {  	_ =	strace $0x8FFFFFFF  }
0x9e: {  	s19 =	sld [smem:$0x3FDB];
	_ =	sdelay $0x1  }
0x9f: {  	s5 =	simm.s32 $_scs_section_size  }
0xa0: {  	s6 =	simm.s32 $_size__tile_overlayer_lowered;
	s7 =	simm.s32 $_tile_overlayer_lowered  }
0xa1: {  	s22 =	simm.s32 $0x1BFF;
	s21 =	sshll.u32 s7, $0x1;
	s4 =	sadd.s32 s5, s19  }
0xa2: {  	s8 =	simm.s32 $0x0;
	s20 =	sshll.u32 s6, $0x1;
	s6 =	sadd.s32 s21, s4  }
0xa3: {  	[timem:s8], [sflag:s22] =	dma.local [hbm:s6], s20  }
0xa4: {  	_ =	swait.ge [sflag:s22], s20  }
0xa5: {  	s5 =	ssub.s32 $0x0, s20;
	[sflag:s22] =	ssyncset.done $0x0  }
0xa6: {  	[sflag:s22] =	ssyncadd.s32 s5;
	_ =	sdelay $0x1  }
0xa7: {  	s23 =	simm.s32 $0x1B8B  }
0xa8: {  	_ =	swait.ge [sflag:s23], $0x1  }
0xa9: {  	[sflag:s23] =	ssyncset.done $0x0  }
0xaa: {  	s25 =	simm.s32 $0x1B8E;
	s24 =	sld [smem:$0x3FFE];
	[sflag:s23] =	ssyncadd.s32 $0xFFFFFFFF  }
0xab: {  	s26 =	simm.s32 $execute0_lowered;
	[smem:$0x3FD2] =	sst s25  }
0xac: {  	s6 =	sshll.u32 s26, $0x1;
	_ =	strace $0x80000046;
	[dreg:$0x1] =	wrdreg $0xFFFFFFFF  }
0xad: {  	s28 =	simm.s32 $_size_execute0_lowered;
	s4 =	sadd.s32 s4, s6;
	[dreg:$0x0] =	wrdreg $0x0  }
0xae: {  	s6 =	sshll.u32 s28, $0x1;
	[dreg:$0x2] =	wrdreg s4  }
0xaf: {  	[dreg:$0x3] =	wrdreg s6  }
0xb0: {  	[dreg:$0x4] =	wrdreg $0xC0  }
0xb1: {  	_ =	task [dreg:s8], $0x5FFFF  }
0xb2: {  	[dreg:$0x1] =	wrdreg $0xFFFFFFFF  }
0xb3: {  	[dreg:$0x0] =	wrdreg $0x60  }
0xb4: {  	[dreg:$0x2] =	wrdreg s24  }
0xb5: {  	[dreg:$0x3] =	wrdreg s16  }
0xb6: {  	[dreg:$0x4] =	wrdreg s17  }
0xb7: {  	[dreg:$0x5] =	wrdreg $0xA3000  }
0xb8: {  	[dreg:$0x6] =	wrdreg $0x9  }
0xb9: {  	_ =	task.clear_ibuf [dreg:s8], $0x7FFFF;
	_ =	strace $0x90000046  }
0xba: {  	s29 =	simm.s32 $0x9;
	_ =	strace $0x80000048  }
0xbb: {  	_ =	swait.ge [sflag:s29], $0x1  }
0xbc: {  	[sflag:s29] =	ssyncadd.s32 $0xFFFFFFFF  }
0xbd: {  	_ =	strace $0x90000048  }
0xbe: {  	_ =	sfence  }
0xbf: {  	s30 =	sld [smem:$0x0];
	_ =	sdelay $0x2  }
0xc0: {  	s31 =	sshll.u32 s1, $0xD;
	s1 =	sshrl.u32 s1, $0x2  }
0xc1: {  	s3 =	sand.u32 $0x4000, s31;
	s1 =	sadd.s32 s1, s30  }
0xc2: {  	s0 =	sor.u32 s3, s0;
	s1 =	sshll.u32 s1, $0x11  }
0xc3: {  	s0 =	sor.u32 s1, s0  }
0xc4: {  	s0 =	sadd.s32 $0x8F2B, s0  }
0xc5: {  	[sflag:s0] =	ssyncadd.remote.s32 $0x1  }
0xc6: {  	_ =	sfence.sel $0xFFFF  }
0xc7: {  	[dreg:$0x0] =	wrdreg $0xFFFFFFFF;
	(pc) =	sbr.abs _section_cstart, $3  }
0xc8: {  	[dreg:$0x1] =	wrdreg $0xFFFFFFFF  }
0xc9: {  	_ =	task.clear_ibuf [dreg:s8], $0x2FFFF;
	_ =	strace $0x9FFFFFFF  }
0xca: {  	(tm) =	ssettm $0x7FFFFFFF  }
0xcb: {  	_ =	shalt  }
tec
execute0_lowered:
.L_overlay_start_1:
0x0: {  	(tag) =	ssettag $0x1  }
0x1: {  	s0 =	rddreg [dreg:$0x0]  }
0x2: {  	s1 =	rddreg [dreg:$0x1]  }
0x3: {  	s2 =	rddreg [dreg:$0x2]  }
0x4: {  	s3 =	rddreg [dreg:$0x3]  }
0x5: {  	s4 =	simm.s32 $0x0;
	s6 =	srdreg.scid;
	s20 =	simm.s32 $0xA  }
0x6: {  	s28 =	simm.s32 $0x7A00;
	s29 =	simm.s32 $0x3D00;
	s30 =	simm.s32 $0x3D80  }
0x7: {  	[smem:$0x7FF] =	sst s4;
	s5 =	sadd.s32 $0xC800, s0;
	s7 =	sadd.s32 $0x2A00, s0  }
0x8: {  	s17 =	stileid.u32;
	s8 =	sadd.s32 $0x4F8600, s0;
	s9 =	sadd.s32 $0x56DE00, s0  }
0x9: {  	s6 =	sand.u32 $0x1, s6;
	s10 =	sadd.s32 $0x51F800, s0;
	s22 =	smul.u32 $0x50000, s17  }
0xa: {  	p0 =	seq.s32 s17, $0xF;
	s24 =	smul.u32 $0x14000, s17;
	_ =	strace $0x80000047  }
0xb: {  	s11 =	sshll.u32 s6, $0x4;
	s13 =	ssub.s32 $0x2, s6;
	s20 =	simm.s32 @!p0 $0x10  }
0xc: {  	s6 =	smul.u32 $0x138800, s6;
	s12 =	sor.u32 s17, s11;
	s15 =	sshrl.u32 s13, $0x1  }
0xd: {  	s23 =	sshrl.u32 s22, $0x2;
	s22 =	simm.s32 $0x6;
	[dreg:$0x5] =	wrdreg s20  }
0xe: {  	s14 =	sshll.u32 s12, $0x5;
	s11 =	smul.u32 $0x2710, s12;
	s13 =	ssub.s32 s13, s15  }
0xf: {  	s12 =	smul.u32 $0x27100, s12;
	s31 =	sadd.s32 s23, s3;
	s26 =	sadd.s32 s24, s6  }
0x10: {  	s24 =	simm.s32 $0x28;
	s6 =	simm.s32 $0x2900;
	s23 =	simm.s32 $0x2  }
0x11: {  	s0 =	sadd.s32 s14, s0;
	s25 =	smax.u32 s13, $0x1;
	[dreg:$0xc] =	wrdreg s26  }
0x12: {  	s26 =	simm.s32 $0x3;
	s13 =	simm.s32 $0x6600;
	[dreg:$0xb] =	wrdreg s31  }
0x13: {  	s19 =	sshrl.u32 s11, $0x3;
	s12 =	sadd.s32 s2, s12;
	[dreg:$0xa] =	wrdreg s25  }
0x14: {  	s16 =	sadd.s32 $0x28, s11;
	s0 =	sadd.s32 $0x56DA00, s0;
	[dreg:$0x8] =	wrdreg s12  }
0x15: {  	s25 =	simm.s32 $0x1;
	s21 =	sadd.s32 s5, s19;
	[dreg:$0x9] =	wrdreg s0  }
0x16: {  	s14 =	sadd.s32 s7, s19;
	s0 =	simm.s32 $0x5200;
	[dreg:$0x6] =	wrdreg s21  }
0x17: {  	v0 =	vimm.f32 $0.0e+00;
	[dreg:$0x7] =	wrdreg s14;
	s21 =	simm.s32 $0x8E00;
	s14 =	simm.s32 $0x0  }
.LBB2_1:
0x18: {  	[dreg:$0xd] =	wrdreg s14;
	s12 =	simm.s32 $0x0;
	s14 =	simm.s32 $0x200  }
.LBB2_2:
0x19: {  	p0 =	sne.s32 s14, $0x4E00;
	[tilespmem:s12+$0x8E70] =	vst v0  }
0x1a: {  	[tilespmem:s12+$0x8E00] =	vst v0  }
0x1b: {  	[tilespmem:s12+$0x8E10] =	vst v0  }
.Ltmp0:
0x1c: {  	[tilespmem:s12+$0x8E20] =	vst v0;
	(pc) =	sbr.rel @p0 .LBB2_2-.Ltmp0, $4  }
0x1d: {  	[tilespmem:s12+$0x8E30] =	vst v0  }
0x1e: {  	[tilespmem:s12+$0x8E40] =	vst v0  }
0x1f: {  	[tilespmem:s12+$0x8E50] =	vst v0  }
0x20: {  	[tilespmem:s12+$0x8E60] =	vst v0;
	s12 =	sshra.s32 s14, $0x2;
	s14 =	sadd.s32 $0x200, s14  }
0x21: {  	[tilespmem:s12+$0x8E70] =	vst v0  }
0x22: {  	[tilespmem:s12+$0x8E00] =	vst v0  }
0x23: {  	[tilespmem:s12+$0x8E10] =	vst v0  }
0x24: {  	[tilespmem:s12+$0x8E20] =	vst v0  }
0x25: {  	[tilespmem:s12+$0x8E30] =	vst v0  }
0x26: {  	[tilespmem:s12+$0x8E40] =	vst v0;
	p0 =	sne.s32 s20, $0x1  }
.Ltmp1:
0x27: {  	[tilespmem:s12+$0x8E50] =	vst v0;
	(pc) =	sbr.rel @!p0 .LBB2_5-.Ltmp1, $4  }
0x28: {  	[tilespmem:s12+$0x8E60] =	vst v0  }
0x29: {  	[spmem:s31] =	stream.linear.scatter [tilespmem:s21], [sflag:$0x6], $0x1400, $0x38;
	[tilespmem:$0x1DB80] =	vst v63  }
0x2a: {  	_ =	swait.ge [sflag:s22], $0x1400  }
0x2b: {  	s12 =	sadd.s32 $0xFFFFFFFF, s20;
	s14 =	smov.u32 s31;
	[sflag:s22] =	ssyncset.done $0x0  }
.LBB2_4:
0x2c: {  	p1 =	sne.s32 s12, $0x1;
	[sflag:s22] =	ssyncadd.s32 $0xFFFFEC00;
	s14 =	sadd.s32 $0x1400, s14  }
.Ltmp2:
0x2d: {  	s12 =	sadd.s32 $0xFFFFFFFF, s12;
	(pc) =	sbr.rel @p1 .LBB2_4-.Ltmp2, $4  }
0x2e: {  	_ = 	snop  }
0x2f: {  	[spmem:s14] =	stream.linear.scatter [tilespmem:s21], [sflag:$0x6], $0x1400, $0x38;
	[tilespmem:$0x1DB80] =	vst v63  }
0x30: {  	_ =	swait.ge [sflag:s22], $0x1400  }
0x31: {  	[sflag:s22] =	ssyncset.done $0x0  }
.LBB2_5:
0x32: {  	[sflag:s22] =	ssyncadd.s32 $0xFFFFEC00  }
0x33: {  	[bflag:$0x0] =	sbarrier.arrive $0xFFFF  }
0x34: {  	s18 =	simm.s32 $0x0;
	s12 =	rddreg [dreg:$0x6]  }
0x35: {  	[tilespmem:s18], [sflag:$0x6] =	stream.linear.gather [hbm4b:s12+s18], $0x28, $0x38;
	[tilespmem:$0x1DB80] =	vst v63  }
0x36: {  	_ =	swait.ge [sflag:s22], $0x28  }
0x37: {  	[sflag:s22] =	ssyncset.done $0x0  }
0x38: {  	s14 =	simm.s32 $0x80;
	s17 =	rddreg [dreg:$0x7];
	[sflag:s22] =	ssyncadd.s32 $0xFFFFFFD8  }
0x39: {  	[tilespmem:s14], [sflag:$0x6] =	stream.linear.gather [hbm4b:s17+s18], $0x28, $0x38;
	[tilespmem:$0x1DB80] =	vst v63  }
0x3a: {  	_ =	swait.ge [sflag:s22], $0x28  }
0x3b: {  	[sflag:s22] =	ssyncset.done $0x0  }
0x3c: {  	s19 =	simm.s32 $0x100;
	v6 =	vimm.f32 $0.0e+00;
	[sflag:s22] =	ssyncadd.s32 $0xFFFFFFD8  }
0x3d: {  	v9 =	vimm.f32 $0.0e+00;
	v2 =	vimm.f32 $0.0e+00;
	v11 =	vimm.f32 $0.0e+00;
	[tilespmem:s19], [sflag:$0x1] =	stream.indirect.gather [hbm4b:s1+s24], $0x80, s18, s24, $0xb8;
	[tilespmem:$0x1DB80] =	vst v63  }
0x3e: {  	s20 =	simm.s32 $0x1500;
	v10 =	vimm.f32 $0.0e+00;
	v1 =	vimm.f32 $0.0e+00;
	v4 =	vimm.f32 $0.0e+00  }
0x3f: {  	v16 =	vimm.f32 $0.0e+00;
	v8 =	vimm.f32 $0.0e+00;
	v18 =	vimm.f32 $0.0e+00;
	[tilespmem:s20], [sflag:$0x1] =	stream.indirect.gather [hbm4b:s8+s24], $0x80, s14, s24, $0xb8;
	[tilespmem:$0x1DB80] =	vst v63  }
0x40: {  	v20 =	vimm.f32 $0.0e+00;
	v15 =	vimm.f32 $0.0e+00;
	v14 =	vimm.f32 $0.0e+00;
	s31 =	rddreg [dreg:$0x8]  }
0x41: {  	v5 =	vimm.f32 $0.0e+00;
	v7 =	vimm.f32 $0.0e+00;
	v19 =	vimm.f32 $0.0e+00;
	[tilespmem:s28], [sflag:$0x3] =	stream.linear.gather [hbm4b:s31+s18], $0x1400, $0x38;
	[tilespmem:$0x1DB80] =	vst v63  }
.LBB2_6:
0x42: {  	s15 =	smul.u32 $0x50, s18;
	_ =	sdelay $0x1  }
0x43: {  	s14 =	sadd.s32 s15, s16  }
0x44: {  	s12 =	sshrl.u32 s14, $0x3  }
0x45: {  	s17 =	sadd.s32 s5, s12  }
0x46: {  	[tilespmem:s29], [sflag:$0x6] =	stream.linear.gather [hbm4b:s17+s4], $0x28, $0x38;
	[tilespmem:$0x1DB80] =	vst v63  }
0x47: {  	_ =	swait.ge [sflag:s22], $0x28  }
0x48: {  	[sflag:s22] =	ssyncset.done $0x0  }
0x49: {  	s12 =	sadd.s32 s7, s12;
	[sflag:s22] =	ssyncadd.s32 $0xFFFFFFD8  }
0x4a: {  	[tilespmem:s30], [sflag:$0x6] =	stream.linear.gather [hbm4b:s12+s4], $0x28, $0x38;
	[tilespmem:$0x1DB80] =	vst v63  }
0x4b: {  	_ =	swait.ge [sflag:s22], $0x28  }
0x4c: {  	[sflag:s22] =	ssyncset.done $0x0  }
0x4d: {  	s31 =	simm.s32 $0x3E00;
	[sflag:s22] =	ssyncadd.s32 $0xFFFFFFD8  }
0x4e: {  	[tilespmem:s31], [sflag:$0x2] =	stream.indirect.gather [hbm4b:s1+s24], $0x80, s29, s24, $0xb8;
	[tilespmem:$0x1DB80] =	vst v63  }
0x4f: {  	_ = 	snop  }
0x50: {  	[tilespmem:s0], [sflag:$0x2] =	stream.indirect.gather [hbm4b:s8+s24], $0x80, s30, s24, $0xb8;
	[tilespmem:$0x1DB80] =	vst v63  }
0x51: {  	_ =	swait.ge [sflag:s25], $0x1400  }
0x52: {  	[sflag:s25] =	ssyncset.done $0x0  }
0x53: {  	[sflag:s25] =	ssyncadd.s32 $0xFFFFEC00  }
0x54: {  	_ =	swait.ge [sflag:s25], $0x1400  }
0x55: {  	[sflag:s25] =	ssyncset.done $0x0  }
0x56: {  	[sflag:s25] =	ssyncadd.s32 $0xFFFFEC00  }
0x57: {  	_ =	swait.ge [sflag:s26], $0x1400  }
0x58: {  	p2 =	seq.s32 s18, $0x0;
	[sflag:s26] =	ssyncset.done $0x0  }
0x59: {  	s12 =	simm.s32 @!p2 $0x4;
	[sflag:s26] =	ssyncadd.s32 $0xFFFFEC00  }
0x5a: {  	_ =	swait.ge @!p2 [sflag:s12], $0x1400  }
0x5b: {  	[sflag:s12] =	ssyncset.done @!p2 $0x0  }
0x5c: {  	s20 =	simm.s32 $0x0;
	[sflag:s12] =	ssyncadd.s32 @!p2 $0xFFFFEC00  }
0x5d: {  	v3 =	vld [tilespmem:s20+$0x7A20]  }
0x5e: {  	v12 =	vld [tilespmem:s20+$0x150]  }
0x5f: {  	v13 =	vld [tilespmem:s20+$0x110]  }
0x60: {  	v25 =	vld [tilespmem:s20+$0x7A00]  }
0x61: {  	v28 =	vld [tilespmem:s20+$0x100]  }
0x62: {  	v29 =	vld [tilespmem:s20+$0x7A10]  }
0x63: {  	v30 =	vld [tilespmem:s20+$0x1510]  }
0x64: {  	v22 =	vld [tilespmem:s20+$0x1500]  }
0x65: {  	v21 =	vld [tilespmem:s20+$0x1550]  }
0x66: {  	v31 =	vld [tilespmem:s20+$0x1520]  }
0x67: {  	v32 =	vld [tilespmem:s20+$0x1560]  }
0x68: {  	v24 =	vld [tilespmem:s20+$0x1540]  }
0x69: {  	v33 =	vld [tilespmem:s20+$0x1570]  }
0x6a: {  	v39 =	vld [tilespmem:s20+$0x7A30]  }
0x6b: {  	v23 =	vld [tilespmem:s20+$0x120];
	v34 =	vunpack.i.l.bf16.f32 v30;
	v35 =	vunpack.i.u.bf16.f32 v25  }
0x6c: {  	v26 =	vld [tilespmem:s20+$0x160];
	v25 =	vunpack.i.l.bf16.f32 v25;
	v37 =	vunpack.i.l.bf16.f32 v22;
	v38 =	vunpack.i.u.bf16.f32 v29  }
0x6d: {  	v36 =	vld [tilespmem:s20+$0x140];
	v46 =	vunpack.i.l.bf16.f32 v21;
	v40 =	vunpack.i.u.bf16.f32 v3;
	v3 =	vunpack.i.l.bf16.f32 v3  }
0x6e: {  	v47 =	vunpack.i.l.bf16.f32 v31;
	v41 =	vunpack.i.l.bf16.f32 v32;
	v42 =	vunpack.i.l.bf16.f32 v24  }
0x6f: {  	v48 =	vunpack.i.l.bf16.f32 v33;
	v49 =	vunpack.i.u.bf16.f32 v39;
	v28 =	vadd.f32 v28, v37  }
0x70: {  	v50 =	vunpack.i.l.bf16.f32 v39;
	v13 =	vadd.f32 v13, v34;
	v12 =	vadd.f32 v12, v46  }
0x71: {  	v17 =	vld [tilespmem:s20+$0x1530];
	v29 =	vunpack.i.l.bf16.f32 v29;
	v26 =	vadd.f32 v26, v41;
	v25 =	vadd.f32 v28, v25  }
0x72: {  	v45 =	vld [tilespmem:s20+$0x130];
	v30 =	vunpack.i.u.bf16.f32 v30;
	v23 =	vadd.f32 v23, v47;
	v36 =	vadd.f32 v36, v42  }
0x73: {  	v27 =	vld [tilespmem:s20+$0x170];
	v31 =	vunpack.i.u.bf16.f32 v31;
	v26 =	vadd.f32 v26, v40;
	v51 =	vsub.f32 $0.0e+00, v25  }
0x74: {  	v32 =	vunpack.i.u.bf16.f32 v32;
	v35 =	vadd.f32 v36, v35;
	v13 =	vadd.f32 v13, v29  }
0x75: {  	v12 =	vadd.f32 v12, v38;
	v54 =	vsub.f32 $0.0e+00, v26;
	v53 =	vmul.f32 $1.442695020e+00, v51  }
0x76: {  	v28 =	vunpack.i.l.bf16.f32 v17;
	v23 =	vadd.f32 v23, v3;
	v52 =	vsub.f32 $0.0e+00, v35  }
0x77: {  	v28 =	vadd.f32 v45, v28;
	v3 =	vmul.f32 $1.442695020e+00, v54;
	(erf) = vpow2.f32 v53  }
0x78: {  	v27 =	vadd.f32 v27, v48;
	v56 =	vsub.f32 $0.0e+00, v13;
	v29 =	vmul.f32 $1.442695020e+00, v52  }
0x79: {  	v57 =	vmul.f32 v12, v12;
	v28 =	vadd.f32 v28, v50;
	(erf) = vpow2.f32 v3  }
0x7a: {  	v58 =	vsub.f32 $0.0e+00, v23;
	v3 =	vsub.f32 $0.0e+00, v12;
	(erf) = vpow2.f32 v29  }
0x7b: {  	v27 =	vadd.f32 v27, v49;
	v60 =	vmul.f32 $1.442695020e+00, v56;
	v59 =	vsub.f32 $0.0e+00, v28  }
0x7c: {  	v37 =	vmul.f32 $1.442695020e+00, v58;
	v34 =	vadd.f32 v57, v2;
	v61 =	vmul.f32 $1.442695020e+00, v3  }
0x7d: {  	v2 =	vadd.f32 v12, v20;
	v38 =	vmul.f32 $1.442695020e+00, v59;
	(erf) = vpow2.f32 v60  }
0x7e: {  	v29 =	vpack.i.f32.bf16 v12, v13;
	v12 =	vmul.f32 v27, v27;
	(erf) = vpow2.f32 v61  }
0x7f: {  	s12 =	simm.s32 $0x80;
	v17 =	vunpack.i.u.bf16.f32 v17;
	v62 =	vmul.f32 v13, v13;
	[tilespmem:s20+$0x2910] =	vst v29;
	(erf) = vpow2.f32 v37  }
0x80: {  	v5 =	vadd.f32 v23, v5;
	v7 =	vadd.f32 v13, v7;
	v42 =	vld [tilespmem:s12+$0x7A20];
	v20 =	vpop (erf);
	(erf) = vpow2.f32 v38  }
0x81: {  	v8 =	vadd.f32 v27, v8;
	v44 =	vpack.i.f32.bf16 v35, v25;
	v40 =	vld [tilespmem:s12+$0x150];
	v20 =	vadd.f32 $1.000000000e+00, v20  }
0x82: {  	v4 =	vadd.f32 v62, v4;
	v55 =	vmul.f32 v28, v28;
	v63 =	vld [tilespmem:s12+$0x110];
	v6 =	vadd.f32 v12, v6;
	v12 =	vpop (erf)  }
0x83: {  	v52 =	vpack.i.f32.bf16 v27, v28;
	v36 =	vld [tilespmem:s12+$0x120];
	v13 =	vadd.f32 $1.000000000e+00, v12;
	v12 =	vpop (erf);
	(erf) = vrcp.f32 v20  }
0x84: {  	v54 =	vmul.f32 v35, v35;
	v29 =	vsub.f32 $0.0e+00, v27;
	v53 =	vld [tilespmem:s12+$0x7A00];
	[tilespmem:s20+$0x2930] =	vst v52;
	v20 =	vadd.f32 $1.000000000e+00, v12  }
0x85: {  	v27 =	vld [tilespmem:s12+$0x160];
	v12 =	vadd.f32 v55, v10;
	v10 =	vadd.f32 v26, v18;
	(erf) = vrcp.f32 v13  }
0x86: {  	v3 =	vmul.f32 v23, v23;
	v45 =	vld [tilespmem:s12+$0x100];
	v18 =	vpop (erf);
	v13 =	vadd.f32 v54, v11;
	v11 =	vadd.f32 v28, v14  }
0x87: {  	v37 =	vld [tilespmem:s12+$0x170];
	[tilespmem:s20+$0x2900] =	vst v44;
	v14 =	vadd.f32 v35, v15;
	v28 =	vmul.f32 v25, v25;
	v15 =	vadd.f32 v25, v19;
	v56 =	vpop (erf)  }
0x88: {  	v39 =	vld [tilespmem:s12+$0x7A10];
	(erf) = vrcp.f32 v20;
	v20 =	vpack.i.f32.bf16 v26, v23;
	v19 =	vadd.f32 $1.000000000e+00, v56;
	v23 =	vpop (erf)  }
0x89: {  	v43 =	vmul.f32 v26, v26;
	v57 =	vld [tilespmem:s12+$0x7A30];
	v55 =	vadd.f32 $1.000000000e+00, v18;
	v26 =	vadd.f32 $1.000000000e+00, v23;
	v23 =	vpop (erf)  }
0x8a: {  	v18 =	vld [tilespmem:s12+$0x1510];
	v16 =	vadd.f32 v28, v16;
	(erf) = vrcp.f32 v19;
	v28 =	vadd.f32 $1.000000000e+00, v23  }
0x8b: {  	v9 =	vadd.f32 v43, v9;
	v58 =	vunpack.i.u.bf16.f32 v24;
	v25 =	vld [tilespmem:s12+$0x1500];
	(erf) = vrcp.f32 v26  }
0x8c: {  	v52 =	vunpack.i.u.bf16.f32 v21;
	v29 =	vmul.f32 $1.442695020e+00, v29;
	v19 =	vld [tilespmem:s12+$0x1520];
	v24 =	vpop (erf);
	(erf) = vrcp.f32 v55  }
0x8d: {  	v44 =	vunpack.i.u.bf16.f32 v33;
	v23 =	vld [tilespmem:s12+$0x1550];
	v26 =	vunpack.i.u.bf16.f32 v22;
	(erf) = vrcp.f32 v28  }
0x8e: {  	v47 =	vunpack.i.u.bf16.f32 v53;
	v22 =	vld [tilespmem:s12+$0x1560];
	v46 =	vmul.f32 v24, v26;
	v28 =	vpop (erf);
	(erf) = vpow2.f32 v29  }
0x8f: {  	v38 =	vunpack.i.l.bf16.f32 v53;
	v48 =	vunpack.i.u.bf16.f32 v39;
	v51 =	vunpack.i.u.bf16.f32 v57;
	v24 =	vld [tilespmem:s12+$0x1540]  }
0x90: {  	v57 =	vunpack.i.l.bf16.f32 v57;
	v59 =	vunpack.i.l.bf16.f32 v18;
	v26 =	vld [tilespmem:s12+$0x1530];
	v29 =	vunpack.i.l.bf16.f32 v25;
	[tilespmem:s20+$0x8E00] =	vst v46  }
0x91: {  	v35 =	vadd.f32 v63, v59;
	v63 =	vunpack.i.l.bf16.f32 v19;
	v29 =	vadd.f32 v45, v29;
	v61 =	vld [tilespmem:s12+$0x140]  }
0x92: {  	v60 =	vpop (erf);
	v45 =	vmul.f32 v28, v32;
	v62 =	vunpack.i.l.bf16.f32 v23;
	v46 =	vunpack.i.u.bf16.f32 v42;
	v28 =	vld [tilespmem:s12+$0x1570]  }
0x93: {  	v42 =	vunpack.i.l.bf16.f32 v42;
	v49 =	vunpack.i.l.bf16.f32 v22;
	v40 =	vadd.f32 v40, v62;
	v50 =	vld [tilespmem:s12+$0x130];
	v55 =	vpop (erf)  }
0x94: {  	v53 =	vadd.f32 v36, v63;
	v41 =	vmul.f32 v60, v58;
	v21 =	vadd.f32 v29, v38;
	v56 =	vpop (erf)  }
0x95: {  	v59 =	vadd.f32 v27, v49;
	v29 =	vunpack.i.l.bf16.f32 v24;
	v36 =	vadd.f32 v40, v48;
	v58 =	vpop (erf)  }
0x96: {  	v38 =	vmul.f32 v55, v52;
	v49 =	vsub.f32 $0.0e+00, v21;
	v52 =	vmul.f32 v56, v31;
	v60 =	vpop (erf)  }
0x97: {  	v29 =	vadd.f32 v61, v29;
	v43 =	vmul.f32 v58, v30;
	v30 =	vunpack.i.l.bf16.f32 v26;
	v31 =	vpop (erf)  }
0x98: {  	v61 =	vunpack.i.l.bf16.f32 v28;
	v30 =	vadd.f32 v50, v30;
	v31 =	vadd.f32 $1.000000000e+00, v31  }
0x99: {  	v56 =	vmul.f32 v36, v36;
	v63 =	vadd.f32 v37, v61;
	v27 =	vadd.f32 v29, v47  }
0x9a: {  	v29 =	vadd.f32 v30, v57;
	v30 =	vadd.f32 v59, v46;
	(erf) = vrcp.f32 v31  }
0x9b: {  	v62 =	vmul.f32 v60, v17;
	v17 =	vunpack.i.l.bf16.f32 v39;
	v60 =	vsub.f32 $0.0e+00, v36  }
0x9c: {  	v54 =	vmul.f32 $1.442695020e+00, v49;
	v33 =	vadd.f32 v35, v17;
	v17 =	vsub.f32 $0.0e+00, v30  }
0x9d: {  	v35 =	vadd.f32 v53, v42;
	v50 =	vsub.f32 $0.0e+00, v27;
	v42 =	vmul.f32 $1.442695020e+00, v60  }
0x9e: {  	[tilespmem:s20+$0x8E60] =	vst v45;
	v32 =	vadd.f32 v63, v51;
	(erf) = vpow2.f32 v54;
	v17 =	vmul.f32 $1.442695020e+00, v17  }
0x9f: {  	[tilespmem:s20+$0x8E40] =	vst v41;
	v55 =	vsub.f32 $0.0e+00, v33;
	v57 =	vsub.f32 $0.0e+00, v35;
	v37 =	vmul.f32 $1.442695020e+00, v50  }
0xa0: {  	[tilespmem:s20+$0x8E50] =	vst v38;
	v31 =	vmul.f32 v29, v29;
	v58 =	vsub.f32 $0.0e+00, v29;
	(erf) = vpow2.f32 v17  }
0xa1: {  	[tilespmem:s20+$0x8E20] =	vst v52;
	v61 =	vsub.f32 $0.0e+00, v32;
	v59 =	vmul.f32 $1.442695020e+00, v55;
	(erf) = vpow2.f32 v37  }
0xa2: {  	[tilespmem:s20+$0x8E30] =	vst v62;
	v62 =	vpack.i.f32.bf16 v36, v33;
	v40 =	vmul.f32 $1.442695020e+00, v57;
	v41 =	vmul.f32 $1.442695020e+00, v58  }
0xa3: {  	[tilespmem:s20+$0x8E10] =	vst v43;
	v17 =	vadd.f32 v56, v34;
	v34 =	vmul.f32 v35, v35;
	v37 =	vmul.f32 $1.442695020e+00, v61;
	v63 =	vpop (erf)  }
0xa4: {  	s19 =	sshll.u32 s18, $0x1;
	s17 =	simm.s32 $0x400;
	[tilespmem:s12+$0x2910] =	vst v62;
	v39 =	vpack.i.f32.bf16 v30, v35;
	(erf) = vpow2.f32 v59;
	v38 =	vmul.f32 v63, v44  }
.LBB2_7:
0xa5: {  	s31 =	sshra.s32 s17, $0x2;
	p1 =	sne.s32 s17, $0x4E00;
	s17 =	sadd.s32 $0x200, s17;
	v43 =	vmul.f32 v33, v33;
	(erf) = vpow2.f32 v42;
	[tilespmem:s20+$0x2920] =	vst v20;
	v1 =	vadd.f32 v3, v1;
	v3 =	vmovc v34  }
0xa6: {  	v2 =	vadd.f32 v36, v2;
	v36 =	vmul.f32 v32, v32;
	v20 =	vmovc v39;
	v34 =	vld [tilespmem:s31+$0x7A20];
	(erf) = vpow2.f32 v40;
	[tilespmem:s20+$0x8E70] =	vst v38;
	s20 =	smov.u32 s12;
	s12 =	smov.u32 s31  }
0xa7: {  	v5 =	vadd.f32 v35, v5;
	v39 =	vld [tilespmem:s12+$0x150];
	v4 =	vadd.f32 v43, v4;
	v35 =	vpop (erf);
	(erf) = vpow2.f32 v41  }
0xa8: {  	v38 =	vmul.f32 v30, v30;
	v6 =	vadd.f32 v36, v6;
	v40 =	vld [tilespmem:s12+$0x110];
	v35 =	vadd.f32 $1.000000000e+00, v35  }
0xa9: {  	v7 =	vadd.f32 v33, v7;
	v42 =	vpack.i.f32.bf16 v32, v29;
	v8 =	vadd.f32 v32, v8;
	v36 =	vld [tilespmem:s12+$0x120];
	v32 =	vpop (erf)  }
0xaa: {  	v9 =	vadd.f32 v38, v9;
	v41 =	vld [tilespmem:s12+$0x7A00];
	v32 =	vadd.f32 $1.000000000e+00, v32;
	[tilespmem:s20+$0x2930] =	vst v42;
	(erf) = vrcp.f32 v35;
	v33 =	vpop (erf)  }
0xab: {  	v12 =	vadd.f32 v31, v12;
	v38 =	vmul.f32 v27, v27;
	v35 =	vld [tilespmem:s12+$0x160];
	v43 =	vadd.f32 $1.000000000e+00, v33  }
0xac: {  	v10 =	vadd.f32 v30, v10;
	v42 =	vpack.i.f32.bf16 v27, v21;
	v31 =	vld [tilespmem:s12+$0x170];
	(erf) = vrcp.f32 v32  }
0xad: {  	v11 =	vadd.f32 v29, v11;
	v13 =	vadd.f32 v38, v13;
	v30 =	vld [tilespmem:s12+$0x100];
	[tilespmem:s20+$0x2900] =	vst v42;
	(erf) = vrcp.f32 v43;
	v29 =	vpop (erf)  }
0xae: {  	v14 =	vadd.f32 v27, v14;
	v27 =	vmul.f32 v21, v21;
	v32 =	vld [tilespmem:s12+$0x7A10];
	v29 =	vadd.f32 $1.000000000e+00, v29;
	v33 =	vpop (erf)  }
0xaf: {  	v15 =	vadd.f32 v21, v15;
	v42 =	vld [tilespmem:s12+$0x1510];
	v21 =	vadd.f32 $1.000000000e+00, v33;
	v33 =	vpop (erf)  }
0xb0: {  	v38 =	vunpack.i.u.bf16.f32 v28;
	v16 =	vadd.f32 v27, v16;
	v43 =	vld [tilespmem:s12+$0x7A30];
	v27 =	vadd.f32 $1.000000000e+00, v33;
	v28 =	vpop (erf)  }
0xb1: {  	v44 =	vunpack.i.u.bf16.f32 v18;
	v33 =	vld [tilespmem:s12+$0x1500];
	v47 =	vadd.f32 $1.000000000e+00, v28;
	(erf) = vrcp.f32 v21  }
0xb2: {  	v46 =	vunpack.i.u.bf16.f32 v19;
	v21 =	vunpack.i.u.bf16.f32 v22;
	v45 =	vld [tilespmem:s12+$0x1550];
	(erf) = vrcp.f32 v27  }
0xb3: {  	v25 =	vunpack.i.u.bf16.f32 v25;
	v27 =	vunpack.i.u.bf16.f32 v24;
	v19 =	vld [tilespmem:s12+$0x1520];
	v24 =	vpop (erf);
	(erf) = vrcp.f32 v29  }
0xb4: {  	v28 =	vunpack.i.l.bf16.f32 v42;
	v22 =	vld [tilespmem:s12+$0x1560];
	v49 =	vmul.f32 v24, v25;
	(erf) = vrcp.f32 v47;
	v18 =	vmovc v42  }
0xb5: {  	v29 =	vunpack.i.u.bf16.f32 v41;
	v41 =	vunpack.i.l.bf16.f32 v41;
	v24 =	vld [tilespmem:s12+$0x1540];
	v42 =	vpop (erf);
	(erf) = vpow2.f32 v37  }
0xb6: {  	v47 =	vunpack.i.u.bf16.f32 v32;
	v40 =	vadd.f32 v40, v28;
	v37 =	vunpack.i.l.bf16.f32 v33;
	v48 =	vld [tilespmem:s12+$0x1530];
	[tilespmem:s20+$0x8E00] =	vst v49;
	v25 =	vpop (erf)  }
0xb7: {  	v21 =	vmul.f32 v42, v21;
	v30 =	vadd.f32 v30, v37;
	v28 =	vld [tilespmem:s12+$0x1570];
	v52 =	vmul.f32 v25, v27;
	v25 =	vmovc v33  }
0xb8: {  	v42 =	vunpack.i.u.bf16.f32 v34;
	v34 =	vunpack.i.l.bf16.f32 v34;
	v37 =	vunpack.i.l.bf16.f32 v45;
	v33 =	vld [tilespmem:s12+$0x140]  }
0xb9: {  	v37 =	vadd.f32 v39, v37;
	v39 =	vunpack.i.l.bf16.f32 v19;
	v49 =	vunpack.i.l.bf16.f32 v22;
	v50 =	vld [tilespmem:s12+$0x130];
	[tilespmem:s20+$0x8E40] =	vst v52  }
0xba: {  	v23 =	vunpack.i.u.bf16.f32 v23;
	v26 =	vunpack.i.u.bf16.f32 v26;
	v51 =	vunpack.i.u.bf16.f32 v43;
	[tilespmem:s20+$0x8E60] =	vst v21;
	v27 =	vpop (erf)  }
0xbb: {  	v39 =	vadd.f32 v36, v39;
	v36 =	vunpack.i.l.bf16.f32 v43;
	v53 =	vunpack.i.l.bf16.f32 v24;
	v43 =	vpop (erf)  }
0xbc: {  	v21 =	vadd.f32 v30, v41;
	v30 =	vunpack.i.l.bf16.f32 v48;
	v54 =	vmul.f32 v27, v23;
	v27 =	vpop (erf)  }
0xbd: {  	v41 =	vunpack.i.l.bf16.f32 v28;
	v33 =	vadd.f32 v33, v53;
	v44 =	vmul.f32 v27, v44;
	v52 =	vpop (erf)  }
0xbe: {  	v35 =	vadd.f32 v35, v49;
	v43 =	vmul.f32 v43, v46;
	v30 =	vadd.f32 v50, v30;
	[tilespmem:s20+$0x8E50] =	vst v54;
	v23 =	vpop (erf)  }
0xbf: {  	v27 =	vadd.f32 v33, v29;
	[tilespmem:s20+$0x8E10] =	vst v44;
	v33 =	vadd.f32 $1.000000000e+00, v23;
	v44 =	vmul.f32 v52, v26;
	v23 =	vmovc v45  }
0xc0: {  	v31 =	vadd.f32 v31, v41;
	v45 =	vunpack.i.l.bf16.f32 v32;
	v26 =	vmovc v48;
	v29 =	vadd.f32 v30, v36;
	[tilespmem:s20+$0x8E20] =	vst v43  }
0xc1: {  	v36 =	vsub.f32 $0.0e+00, v21;
	v30 =	vadd.f32 v35, v42;
	[tilespmem:s20+$0x8E30] =	vst v44;
	(erf) = vrcp.f32 v33  }
0xc2: {  	v32 =	vadd.f32 v31, v51;
	v35 =	vsub.f32 $0.0e+00, v27;
	v31 =	vmul.f32 v29, v29  }
0xc3: {  	v33 =	vadd.f32 v40, v45;
	v41 =	vmul.f32 $1.442695020e+00, v36;
	v40 =	vsub.f32 $0.0e+00, v30  }
0xc4: {  	v36 =	vadd.f32 v37, v47;
	v42 =	vmul.f32 $1.442695020e+00, v35;
	v35 =	vadd.f32 v39, v34  }
0xc5: {  	v34 =	vsub.f32 $0.0e+00, v33;
	v37 =	vmul.f32 $1.442695020e+00, v40;
	(erf) = vpow2.f32 v41  }
0xc6: {  	v39 =	vmul.f32 v36, v36;
	v40 =	vsub.f32 $0.0e+00, v35;
	v41 =	vsub.f32 $0.0e+00, v29  }
.Ltmp3:
0xc7: {  	v43 =	vmul.f32 $1.442695020e+00, v34;
	v34 =	vsub.f32 $0.0e+00, v36;
	(erf) = vpow2.f32 v37;
	(pc) =	sbr.rel @p1 .LBB2_7-.Ltmp3, $4  }
0xc8: {  	v40 =	vmul.f32 $1.442695020e+00, v40;
	v37 =	vsub.f32 $0.0e+00, v32;
	(erf) = vpow2.f32 v42  }
0xc9: {  	v17 =	vadd.f32 v39, v17;
	v41 =	vmul.f32 $1.442695020e+00, v41;
	v42 =	vmul.f32 $1.442695020e+00, v34  }
0xca: {  	v39 =	vpack.i.f32.bf16 v36, v33;
	v34 =	vmul.f32 v35, v35;
	v37 =	vmul.f32 $1.442695020e+00, v37;
	v44 =	vpop (erf)  }
0xcb: {  	[tilespmem:s12+$0x2910] =	vst v39;
	v39 =	vpack.i.f32.bf16 v30, v35;
	(erf) = vpow2.f32 v43;
	v38 =	vmul.f32 v44, v38  }
0xcc: {  	(erf) = vpow2.f32 v42  }
0xcd: {  	(erf) = vpow2.f32 v40;
	_ =	sdelay $0x1  }
0xce: {  	(erf) = vpow2.f32 v41;
	_ =	sdelay $0x1  }
0xcf: {  	v58 =	vpop (erf)  }
0xd0: {  	v59 =	vpop (erf)  }
0xd1: {  	v40 =	vadd.f32 $1.000000000e+00, v58;
	v60 =	vpop (erf)  }
0xd2: {  	v41 =	vadd.f32 $1.000000000e+00, v59;
	v43 =	vpop (erf)  }
0xd3: {  	(erf) = vrcp.f32 v40;
	v61 =	vadd.f32 $1.000000000e+00, v60;
	v62 =	vpop (erf)  }
0xd4: {  	(erf) = vrcp.f32 v41;
	v63 =	vadd.f32 $1.000000000e+00, v62;
	v45 =	vpop (erf)  }
0xd5: {  	(erf) = vrcp.f32 v61;
	v46 =	vadd.f32 $1.000000000e+00, v45  }
0xd6: {  	v47 =	vadd.f32 $1.000000000e+00, v43;
	v48 =	vpop (erf);
	(erf) = vrcp.f32 v63  }
0xd7: {  	v49 =	vadd.f32 $1.000000000e+00, v48;
	(erf) = vrcp.f32 v46  }
0xd8: {  	(erf) = vrcp.f32 v47  }
0xd9: {  	(erf) = vrcp.f32 v49  }
0xda: {  	(erf) = vpow2.f32 v37;
	_ =	sdelay $0x1  }
0xdb: {  	v50 =	vpop (erf)  }
0xdc: {  	v51 =	vpop (erf)  }
0xdd: {  	v52 =	vpop (erf)  }
0xde: {  	v53 =	vpop (erf)  }
0xdf: {  	v54 =	vpop (erf)  }
0xe0: {  	v44 =	vpop (erf)  }
0xe1: {  	v45 =	vpop (erf)  }
0xe2: {  	v46 =	vpop (erf)  }
0xe3: {  	v46 =	vadd.f32 $1.000000000e+00, v46;
	_ =	sdelay $0x1  }
0xe4: {  	[tilespmem:s20+$0x2920] =	vst v20;
	(erf) = vrcp.f32 v46  }
0xe5: {  	v20 =	vpack.i.f32.bf16 v32, v29;
	[tilespmem:s20+$0x8E70] =	vst v38  }
0xe6: {  	v25 =	vunpack.i.u.bf16.f32 v25;
	[tilespmem:s12+$0x2930] =	vst v20;
	v20 =	vpack.i.f32.bf16 v27, v21  }
0xe7: {  	[tilespmem:s12+$0x2900] =	vst v20;
	v20 =	vunpack.i.u.bf16.f32 v22;
	v25 =	vmul.f32 v50, v25  }
0xe8: {  	v24 =	vunpack.i.u.bf16.f32 v24;
	v19 =	vunpack.i.u.bf16.f32 v19;
	[tilespmem:s12+$0x2920] =	vst v39;
	v20 =	vmul.f32 v51, v20  }
0xe9: {  	v18 =	vunpack.i.u.bf16.f32 v18;
	[tilespmem:s12+$0x8E00] =	vst v25;
	v22 =	vmul.f32 v52, v24;
	v19 =	vmul.f32 v54, v19  }
0xea: {  	[tilespmem:s12+$0x8E60] =	vst v20;
	v18 =	vmul.f32 v44, v18  }
0xeb: {  	v20 =	vunpack.i.u.bf16.f32 v26;
	[tilespmem:s12+$0x8E40] =	vst v22  }
0xec: {  	v23 =	vunpack.i.u.bf16.f32 v23;
	[tilespmem:s12+$0x8E10] =	vst v18;
	v18 =	vmul.f32 v45, v20  }
0xed: {  	v22 =	vmul.f32 v53, v23;
	[tilespmem:s12+$0x8E20] =	vst v19;
	v20 =	vunpack.i.u.bf16.f32 v28;
	v19 =	vpop (erf)  }
0xee: {  	[tilespmem:s12+$0x8E30] =	vst v18;
	v18 =	vmul.f32 v19, v20  }
0xef: {  	s14 =	sshll.u32 s14, $0x4;
	s31 =	sadd.s32 s11, s15;
	[tilespmem:s12+$0x8E50] =	vst v22  }
0xf0: {  	s20 =	sadd.s32 s2, s14;
	[tilespmem:s12+$0x8E70] =	vst v18;
	s12 =	sshll.u32 s31, $0x4  }
0xf1: {  	[tilespmem:s28], [sflag:$0x3] =	stream.linear.gather [hbm4b:s20+s4], $0x1400, $0x38;
	[tilespmem:$0x1DB80] =	vst v63  }
0xf2: {  	s12 =	sadd.s32 s9, s12  }
0xf3: {  	[hbm4b:s12+s4] =	stream.linear.scatter [tilespmem:s6], [sflag:$0x4], $0x1400, $0x38;
	[tilespmem:$0x1DB80] =	vst v63  }
0xf4: {  	p1 =	seq.s32 s18, $0x7C;
	s12 =	sadd.s32 $0x2, s19  }
0xf5: {  	s12 =	smul.u32 @!p1 $0x28, s12  }
0xf6: {  	[spmem:s3] =	stream.indirect.scatter.add.f32 [tilespmem:s21], [sflag:$0x6], $0x80, s4, s24, $0xb8;
	[tilespmem:$0x1DB80] =	vst v63  }
0xf7: {  	_ =	swait.ge [sflag:s22], $0x1400;
	s15 =	sadd.s32 @!p1 s11, s12  }
0xf8: {  	[sflag:s22] =	ssyncset.done $0x0;
	s12 =	sshrl.u32 @!p1 s15, $0x3  }
0xf9: {  	s19 =	simm.s32 @!p1 $0x0;
	[sflag:s22] =	ssyncadd.s32 $0xFFFFEC00;
	s17 =	sadd.s32 @!p1 s5, s12  }
0xfa: {  	[tilespmem:s19], [sflag:$0x6] =	stream.linear.gather @!p1 [hbm4b:s17+s19], $0x28, $0x38;
	[tilespmem:$0x1DB80] =	vst v63  }
0xfb: {  	s17 =	simm.s32 @!p1 $0x6  }
0xfc: {  	_ =	swait.ge @!p1 [sflag:s17], $0x28  }
0xfd: {  	[sflag:s17] =	ssyncset.done @!p1 $0x0  }
0xfe: {  	s20 =	simm.s32 @!p1 $0x80;
	s12 =	sadd.s32 @!p1 s7, s12;
	[sflag:s17] =	ssyncadd.s32 @!p1 $0xFFFFFFD8  }
0xff: {  	[tilespmem:s20], [sflag:$0x6] =	stream.linear.gather @!p1 [hbm4b:s12+s19], $0x28, $0x38;
	[tilespmem:$0x1DB80] =	vst v63  }
0x100: {  	_ =	swait.ge @!p1 [sflag:s17], $0x28  }
0x101: {  	[sflag:s17] =	ssyncset.done @!p1 $0x0  }
0x102: {  	s12 =	simm.s32 @!p1 $0x28;
	[sflag:s17] =	ssyncadd.s32 @!p1 $0xFFFFFFD8;
	s17 =	simm.s32 @!p1 $0x100  }
0x103: {  	[tilespmem:s17], [sflag:$0x1] =	stream.indirect.gather @!p1 [hbm4b:s1+s12], $0x80, s19, s12, $0xb8;
	[tilespmem:$0x1DB80] =	vst v63  }
0x104: {  	s17 =	simm.s32 @!p1 $0x1500  }
0x105: {  	[tilespmem:s17], [sflag:$0x1] =	stream.indirect.gather @!p1 [hbm4b:s8+s12], $0x80, s20, s12, $0xb8;
	[tilespmem:$0x1DB80] =	vst v63  }
0x106: {  	_ =	swait.ge [sflag:s23], $0x1400  }
0x107: {  	[sflag:s23] =	ssyncset.done $0x0  }
0x108: {  	[sflag:s23] =	ssyncadd.s32 $0xFFFFEC00  }
0x109: {  	_ =	swait.ge [sflag:s23], $0x1400  }
0x10a: {  	[sflag:s23] =	ssyncset.done $0x0  }
0x10b: {  	[sflag:s23] =	ssyncadd.s32 $0xFFFFEC00  }
0x10c: {  	_ =	swait.ge [sflag:s26], $0x1400  }
0x10d: {  	[sflag:s26] =	ssyncset.done $0x0  }
0x10e: {  	s12 =	simm.s32 @!p2 $0x5;
	[sflag:s26] =	ssyncadd.s32 $0xFFFFEC00  }
0x10f: {  	_ =	swait.ge @!p2 [sflag:s12], $0x1400  }
0x110: {  	[sflag:s12] =	ssyncset.done @!p2 $0x0  }
0x111: {  	s20 =	simm.s32 $0x0;
	[sflag:s12] =	ssyncadd.s32 @!p2 $0xFFFFEC00  }
0x112: {  	v18 =	vld [tilespmem:s20+$0x7A20]  }
0x113: {  	v20 =	vld [tilespmem:s20+$0x3E50]  }
0x114: {  	v22 =	vld [tilespmem:s20+$0x3E10]  }
0x115: {  	v24 =	vld [tilespmem:s20+$0x3E20]  }
0x116: {  	v55 =	vld [tilespmem:s20+$0x7A00]  }
0x117: {  	v56 =	vld [tilespmem:s20+$0x3E60]  }
0x118: {  	v23 =	vmul.f32 v33, v33;
	v58 =	vld [tilespmem:s20+$0x3E00]  }
0x119: {  	v19 =	vld [tilespmem:s20+$0x5210]  }
0x11a: {  	v1 =	vadd.f32 v3, v1;
	v3 =	vmul.f32 v32, v32;
	v60 =	vadd.f32 v23, v4;
	v23 =	vld [tilespmem:s20+$0x5200]  }
0x11b: {  	v36 =	vadd.f32 v36, v2;
	v12 =	vadd.f32 v31, v12;
	v2 =	vld [tilespmem:s20+$0x5250]  }
0x11c: {  	v31 =	vadd.f32 v30, v10;
	v62 =	vadd.f32 v3, v6;
	v3 =	vmul.f32 v27, v27;
	v25 =	vld [tilespmem:s20+$0x5220]  }
0x11d: {  	v29 =	vadd.f32 v29, v11;
	v61 =	vadd.f32 v35, v5;
	v26 =	vld [tilespmem:s20+$0x5260]  }
0x11e: {  	v13 =	vadd.f32 v3, v13;
	v3 =	vmul.f32 v21, v21;
	v4 =	vmul.f32 v30, v30;
	v30 =	vld [tilespmem:s20+$0x5240]  }
0x11f: {  	v27 =	vadd.f32 v27, v14;
	v63 =	vadd.f32 v33, v7;
	v28 =	vld [tilespmem:s20+$0x5230]  }
0x120: {  	v21 =	vadd.f32 v21, v15;
	v49 =	vadd.f32 v3, v16;
	v6 =	vld [tilespmem:s20+$0x3E40]  }
0x121: {  	v48 =	vadd.f32 v4, v9;
	v50 =	vld [tilespmem:s20+$0x5270];
	v3 =	vunpack.i.l.bf16.f32 v19;
	v5 =	vunpack.i.l.bf16.f32 v55  }
0x122: {  	v10 =	vld [tilespmem:s20+$0x3E30];
	v7 =	vunpack.i.l.bf16.f32 v23;
	v14 =	vunpack.i.l.bf16.f32 v2;
	v15 =	vunpack.i.u.bf16.f32 v18  }
0x123: {  	v11 =	vld [tilespmem:s20+$0x7A30];
	v16 =	vunpack.i.l.bf16.f32 v18;
	v18 =	vunpack.i.l.bf16.f32 v25;
	v3 =	vadd.f32 v22, v3  }
0x124: {  	v57 =	vld [tilespmem:s20+$0x3E70];
	v7 =	vadd.f32 v58, v7;
	v14 =	vadd.f32 v20, v14;
	v22 =	vunpack.i.l.bf16.f32 v30  }
0x125: {  	v59 =	vld [tilespmem:s20+$0x7A10];
	v20 =	vunpack.i.l.bf16.f32 v26;
	v18 =	vadd.f32 v24, v18;
	v6 =	vadd.f32 v6, v22  }
0x126: {  	v20 =	vadd.f32 v56, v20;
	v24 =	vadd.f32 v7, v5;
	v5 =	vunpack.i.l.bf16.f32 v28  }
0x127: {  	v4 =	vunpack.i.u.bf16.f32 v55;
	v7 =	vunpack.i.l.bf16.f32 v50;
	v5 =	vadd.f32 v10, v5  }
0x128: {  	v10 =	vunpack.i.u.bf16.f32 v11;
	v22 =	vadd.f32 v6, v4;
	v20 =	vadd.f32 v20, v15  }
0x129: {  	v4 =	vadd.f32 v57, v7;
	v6 =	vunpack.i.l.bf16.f32 v11;
	v7 =	vsub.f32 $0.0e+00, v24  }
0x12a: {  	v11 =	vunpack.i.l.bf16.f32 v59;
	v15 =	vadd.f32 v5, v6;
	v6 =	vsub.f32 $0.0e+00, v20  }
0x12b: {  	v5 =	vsub.f32 $0.0e+00, v22;
	v10 =	vadd.f32 v4, v10;
	v4 =	vmul.f32 $1.442695020e+00, v7  }
0x12c: {  	v11 =	vadd.f32 v3, v11;
	v3 =	vmul.f32 $1.442695020e+00, v6  }
0x12d: {  	v8 =	vadd.f32 v32, v8;
	(erf) = vpow2.f32 v4;
	v4 =	vmul.f32 $1.442695020e+00, v5  }
0x12e: {  	v9 =	vunpack.i.u.bf16.f32 v59;
	v16 =	vadd.f32 v18, v16;
	(erf) = vpow2.f32 v3  }
0x12f: {  	v1 =	vadd.f32 v34, v1;
	v7 =	vadd.f32 v14, v9;
	(erf) = vpow2.f32 v4  }
0x130: {  	v44 =	vunpack.i.u.bf16.f32 v50;
	v9 =	vsub.f32 $0.0e+00, v16;
	v5 =	vsub.f32 $0.0e+00, v11  }
0x131: {  	v46 =	vunpack.i.u.bf16.f32 v25;
	v59 =	vunpack.i.u.bf16.f32 v19;
	v3 =	vsub.f32 $0.0e+00, v7  }
0x132: {  	v9 =	vmul.f32 $1.442695020e+00, v9;
	v4 =	vpack.i.f32.bf16 v7, v11;
	v5 =	vmul.f32 $1.442695020e+00, v5  }
0x133: {  	v14 =	vsub.f32 $0.0e+00, v15;
	v6 =	vmul.f32 v7, v7;
	[tilespmem:s20+$0x6610] =	vst v4;
	v4 =	vmul.f32 $1.442695020e+00, v3  }
0x134: {  	v18 =	vsub.f32 $0.0e+00, v10;
	v8 =	vadd.f32 v10, v8;
	(erf) = vpow2.f32 v5  }
0x135: {  	s12 =	simm.s32 $0x80;
	v14 =	vmul.f32 $1.442695020e+00, v14;
	v35 =	vadd.f32 v6, v17;
	(erf) = vpow2.f32 v4  }
0x136: {  	v34 =	vld [tilespmem:s12+$0x7A20];
	v4 =	vadd.f32 v7, v36;
	v7 =	vmul.f32 v10, v10;
	(erf) = vpow2.f32 v9;
	v9 =	vpop (erf)  }
0x137: {  	v38 =	vld [tilespmem:s12+$0x3E50];
	(erf) = vpow2.f32 v14;
	v14 =	vpack.i.f32.bf16 v10, v15;
	v17 =	vadd.f32 $1.000000000e+00, v9;
	v10 =	vpop (erf)  }
0x138: {  	v55 =	vmul.f32 $1.442695020e+00, v18;
	v5 =	vmul.f32 v11, v11;
	v52 =	vld [tilespmem:s12+$0x3E10];
	v9 =	vadd.f32 v11, v63;
	v11 =	vpop (erf)  }
0x139: {  	v18 =	vmul.f32 v22, v22;
	v39 =	vld [tilespmem:s12+$0x3E20];
	(erf) = vrcp.f32 v17;
	v17 =	vadd.f32 $1.000000000e+00, v11  }
0x13a: {  	v54 =	vmul.f32 v20, v20;
	v51 =	vmul.f32 v15, v15;
	v53 =	vld [tilespmem:s12+$0x7A00];
	[tilespmem:s20+$0x6630] =	vst v14;
	v14 =	vadd.f32 $1.000000000e+00, v10  }
0x13b: {  	v56 =	vpack.i.f32.bf16 v22, v24;
	v6 =	vadd.f32 v16, v61;
	v13 =	vadd.f32 v18, v13;
	v33 =	vld [tilespmem:s12+$0x3E60]  }
0x13c: {  	v32 =	vld [tilespmem:s12+$0x3E70];
	v11 =	vadd.f32 v51, v12;
	(erf) = vrcp.f32 v14;
	v14 =	vadd.f32 v15, v29  }
0x13d: {  	v57 =	vld [tilespmem:s12+$0x3E00];
	[tilespmem:s20+$0x6600] =	vst v56;
	v15 =	vadd.f32 v22, v27;
	v22 =	vmul.f32 v24, v24;
	(erf) = vrcp.f32 v17;
	v17 =	vpop (erf)  }
0x13e: {  	v3 =	vmul.f32 v16, v16;
	v18 =	vld [tilespmem:s12+$0x5210];
	v12 =	vadd.f32 v20, v31;
	v27 =	vadd.f32 $1.000000000e+00, v17;
	v17 =	vpop (erf)  }
0x13f: {  	v19 =	vld [tilespmem:s12+$0x5220];
	v20 =	vpack.i.f32.bf16 v20, v16;
	v16 =	vadd.f32 v24, v21;
	v21 =	vadd.f32 $1.000000000e+00, v17;
	v24 =	vpop (erf)  }
0x140: {  	v23 =	vunpack.i.u.bf16.f32 v23;
	v2 =	vunpack.i.u.bf16.f32 v2;
	v31 =	vld [tilespmem:s12+$0x7A30];
	v58 =	vadd.f32 $1.000000000e+00, v24  }
0x141: {  	v26 =	vunpack.i.u.bf16.f32 v26;
	v29 =	vld [tilespmem:s12+$0x7A10];
	v17 =	vadd.f32 v22, v49;
	v22 =	vpop (erf);
	(erf) = vrcp.f32 v21  }
0x142: {  	v5 =	vadd.f32 v5, v60;
	v24 =	vld [tilespmem:s12+$0x5200];
	v60 =	vadd.f32 $1.000000000e+00, v22;
	(erf) = vrcp.f32 v58  }
0x143: {  	v30 =	vunpack.i.u.bf16.f32 v30;
	v22 =	vld [tilespmem:s12+$0x5250];
	v25 =	vpop (erf);
	(erf) = vrcp.f32 v27;
	v27 =	vunpack.i.l.bf16.f32 v18  }
0x144: {  	v7 =	vadd.f32 v7, v62;
	v21 =	vld [tilespmem:s12+$0x5260];
	v61 =	vmul.f32 v25, v23;
	(erf) = vrcp.f32 v60  }
0x145: {  	v45 =	vunpack.i.u.bf16.f32 v53;
	v40 =	vunpack.i.l.bf16.f32 v53;
	v23 =	vld [tilespmem:s12+$0x5240];
	v47 =	vpop (erf);
	(erf) = vpow2.f32 v55  }
0x146: {  	v10 =	vadd.f32 v54, v48;
	v51 =	vunpack.i.u.bf16.f32 v31;
	v25 =	vld [tilespmem:s12+$0x5230];
	v36 =	vadd.f32 v52, v27;
	[tilespmem:s20+$0x8E00] =	vst v61;
	v27 =	vpop (erf)  }
0x147: {  	v31 =	vunpack.i.l.bf16.f32 v31;
	v48 =	vunpack.i.u.bf16.f32 v29;
	v42 =	vmul.f32 v27, v30;
	v30 =	vld [tilespmem:s12+$0x3E40]  }
0x148: {  	v58 =	vunpack.i.u.bf16.f32 v28;
	v43 =	vmul.f32 v47, v26;
	v47 =	vunpack.i.u.bf16.f32 v34  }
0x149: {  	v34 =	vunpack.i.l.bf16.f32 v34;
	v62 =	vunpack.i.l.bf16.f32 v24;
	v26 =	vld [tilespmem:s12+$0x5270];
	v27 =	vunpack.i.l.bf16.f32 v22  }
0x14a: {  	v63 =	vadd.f32 v57, v62;
	v50 =	vld [tilespmem:s12+$0x3E30];
	v38 =	vadd.f32 v38, v27;
	v27 =	vunpack.i.l.bf16.f32 v19;
	v52 =	vpop (erf)  }
0x14b: {  	v49 =	vunpack.i.l.bf16.f32 v21;
	v56 =	vunpack.i.l.bf16.f32 v23;
	v39 =	vadd.f32 v39, v27;
	v57 =	vpop (erf)  }
0x14c: {  	v62 =	vunpack.i.l.bf16.f32 v29;
	v27 =	vadd.f32 v63, v40;
	v28 =	vadd.f32 v30, v56;
	v30 =	vpop (erf)  }
0x14d: {  	v33 =	vadd.f32 v33, v49;
	v2 =	vmul.f32 v52, v2;
	v37 =	vmul.f32 v30, v59;
	v59 =	vpop (erf)  }
0x14e: {  	v63 =	vsub.f32 $0.0e+00, v27;
	v34 =	vadd.f32 v39, v34;
	v30 =	vunpack.i.l.bf16.f32 v25;
	v61 =	vpop (erf)  }
0x14f: {  	v60 =	vunpack.i.l.bf16.f32 v26;
	v30 =	vadd.f32 v50, v30;
	v40 =	vadd.f32 $1.000000000e+00, v61  }
0x150: {  	v28 =	vadd.f32 v28, v45;
	v45 =	vmul.f32 v59, v58;
	v58 =	vsub.f32 $0.0e+00, v34  }
0x151: {  	v29 =	vadd.f32 v30, v31;
	v30 =	vadd.f32 v33, v47;
	(erf) = vrcp.f32 v40  }
0x152: {  	v46 =	vmul.f32 v57, v46;
	v31 =	vadd.f32 v32, v60;
	v50 =	vsub.f32 $0.0e+00, v28  }
0x153: {  	v52 =	vmul.f32 $1.442695020e+00, v63;
	v33 =	vadd.f32 v36, v62;
	v53 =	vsub.f32 $0.0e+00, v30  }
0x154: {  	v36 =	vadd.f32 v38, v48;
	v38 =	vmul.f32 v34, v34;
	v40 =	vmul.f32 $1.442695020e+00, v58  }
0x155: {  	[tilespmem:s20+$0x8E60] =	vst v43;
	v32 =	vadd.f32 v31, v51;
	(erf) = vpow2.f32 v52;
	v56 =	vmul.f32 $1.442695020e+00, v53  }
0x156: {  	[tilespmem:s20+$0x8E40] =	vst v42;
	v31 =	vmul.f32 v29, v29;
	v54 =	vmul.f32 $1.442695020e+00, v50;
	v55 =	vsub.f32 $0.0e+00, v33  }
0x157: {  	[tilespmem:s20+$0x8E50] =	vst v2;
	v57 =	vmul.f32 v36, v36;
	v2 =	vsub.f32 $0.0e+00, v36;
	(erf) = vpow2.f32 v56  }
0x158: {  	[tilespmem:s20+$0x8E20] =	vst v46;
	v59 =	vsub.f32 $0.0e+00, v29;
	v61 =	vsub.f32 $0.0e+00, v32;
	(erf) = vpow2.f32 v54  }
0x159: {  	[tilespmem:s20+$0x8E10] =	vst v37;
	v62 =	vpack.i.f32.bf16 v36, v33;
	v60 =	vmul.f32 $1.442695020e+00, v55;
	v42 =	vmul.f32 $1.442695020e+00, v2  }
0x15a: {  	[tilespmem:s20+$0x8E30] =	vst v45;
	v2 =	vadd.f32 v57, v35;
	v41 =	vmul.f32 $1.442695020e+00, v59;
	v35 =	vmul.f32 $1.442695020e+00, v61;
	v63 =	vpop (erf)  }
0x15b: {  	s17 =	simm.s32 $0x400;
	v39 =	vpack.i.f32.bf16 v30, v34;
	[tilespmem:s12+$0x6610] =	vst v62;
	(erf) = vpow2.f32 v60;
	v37 =	vmul.f32 v63, v44  }
.LBB2_9:
0x15c: {  	s19 =	sshra.s32 s17, $0x2;
	p2 =	sne.s32 s17, $0x4E00;
	s17 =	sadd.s32 $0x200, s17;
	v43 =	vmul.f32 v33, v33;
	(erf) = vpow2.f32 v42;
	[tilespmem:s20+$0x6620] =	vst v20;
	v1 =	vadd.f32 v3, v1;
	v3 =	vmovc v38  }
0x15d: {  	v4 =	vadd.f32 v36, v4;
	v36 =	vmul.f32 v32, v32;
	v20 =	vmovc v39;
	v38 =	vld [tilespmem:s19+$0x7A20];
	(erf) = vpow2.f32 v40;
	[tilespmem:s20+$0x8E70] =	vst v37;
	s20 =	smov.u32 s12;
	s12 =	smov.u32 s19  }
0x15e: {  	v6 =	vadd.f32 v34, v6;
	v39 =	vld [tilespmem:s12+$0x3E50];
	v5 =	vadd.f32 v43, v5;
	v34 =	vpop (erf);
	(erf) = vpow2.f32 v41  }
0x15f: {  	v37 =	vmul.f32 v30, v30;
	v7 =	vadd.f32 v36, v7;
	v40 =	vld [tilespmem:s12+$0x3E10];
	v34 =	vadd.f32 $1.000000000e+00, v34  }
0x160: {  	v9 =	vadd.f32 v33, v9;
	v42 =	vpack.i.f32.bf16 v32, v29;
	v8 =	vadd.f32 v32, v8;
	v36 =	vld [tilespmem:s12+$0x3E20];
	v32 =	vpop (erf)  }
0x161: {  	v10 =	vadd.f32 v37, v10;
	v41 =	vld [tilespmem:s12+$0x7A00];
	v32 =	vadd.f32 $1.000000000e+00, v32;
	[tilespmem:s20+$0x6630] =	vst v42;
	(erf) = vrcp.f32 v34;
	v33 =	vpop (erf)  }
0x162: {  	v11 =	vadd.f32 v31, v11;
	v37 =	vmul.f32 v28, v28;
	v34 =	vld [tilespmem:s12+$0x3E60];
	v43 =	vadd.f32 $1.000000000e+00, v33  }
0x163: {  	v12 =	vadd.f32 v30, v12;
	v42 =	vpack.i.f32.bf16 v28, v27;
	v31 =	vld [tilespmem:s12+$0x3E70];
	(erf) = vrcp.f32 v32  }
0x164: {  	v14 =	vadd.f32 v29, v14;
	v13 =	vadd.f32 v37, v13;
	v30 =	vld [tilespmem:s12+$0x3E00];
	[tilespmem:s20+$0x6600] =	vst v42;
	(erf) = vrcp.f32 v43;
	v29 =	vpop (erf)  }
0x165: {  	v15 =	vadd.f32 v28, v15;
	v28 =	vmul.f32 v27, v27;
	v32 =	vld [tilespmem:s12+$0x7A10];
	v29 =	vadd.f32 $1.000000000e+00, v29;
	v33 =	vpop (erf)  }
0x166: {  	v16 =	vadd.f32 v27, v16;
	v42 =	vld [tilespmem:s12+$0x5210];
	v27 =	vadd.f32 $1.000000000e+00, v33;
	v33 =	vpop (erf)  }
0x167: {  	v37 =	vunpack.i.u.bf16.f32 v26;
	v17 =	vadd.f32 v28, v17;
	v43 =	vld [tilespmem:s12+$0x7A30];
	v28 =	vadd.f32 $1.000000000e+00, v33;
	v26 =	vpop (erf)  }
0x168: {  	v44 =	vunpack.i.u.bf16.f32 v18;
	v33 =	vld [tilespmem:s12+$0x5200];
	v47 =	vadd.f32 $1.000000000e+00, v26;
	(erf) = vrcp.f32 v27  }
0x169: {  	v46 =	vunpack.i.u.bf16.f32 v19;
	v27 =	vunpack.i.u.bf16.f32 v21;
	v45 =	vld [tilespmem:s12+$0x5250];
	(erf) = vrcp.f32 v28  }
0x16a: {  	v24 =	vunpack.i.u.bf16.f32 v24;
	v28 =	vunpack.i.u.bf16.f32 v23;
	v19 =	vld [tilespmem:s12+$0x5220];
	v23 =	vpop (erf);
	(erf) = vrcp.f32 v29  }
0x16b: {  	v26 =	vunpack.i.l.bf16.f32 v42;
	v21 =	vld [tilespmem:s12+$0x5260];
	v49 =	vmul.f32 v23, v24;
	(erf) = vrcp.f32 v47;
	v18 =	vmovc v42  }
0x16c: {  	v29 =	vunpack.i.u.bf16.f32 v41;
	v41 =	vunpack.i.l.bf16.f32 v41;
	v23 =	vld [tilespmem:s12+$0x5240];
	v42 =	vpop (erf);
	(erf) = vpow2.f32 v35  }
0x16d: {  	v47 =	vunpack.i.u.bf16.f32 v32;
	v40 =	vadd.f32 v40, v26;
	v35 =	vunpack.i.l.bf16.f32 v33;
	v48 =	vld [tilespmem:s12+$0x5230];
	[tilespmem:s20+$0x8E00] =	vst v49;
	v24 =	vpop (erf)  }
0x16e: {  	v27 =	vmul.f32 v42, v27;
	v30 =	vadd.f32 v30, v35;
	v26 =	vld [tilespmem:s12+$0x5270];
	v52 =	vmul.f32 v24, v28;
	v24 =	vmovc v33  }
0x16f: {  	v42 =	vunpack.i.u.bf16.f32 v38;
	v38 =	vunpack.i.l.bf16.f32 v38;
	v35 =	vunpack.i.l.bf16.f32 v45;
	v33 =	vld [tilespmem:s12+$0x3E40]  }
0x170: {  	v35 =	vadd.f32 v39, v35;
	v39 =	vunpack.i.l.bf16.f32 v19;
	v49 =	vunpack.i.l.bf16.f32 v21;
	v50 =	vld [tilespmem:s12+$0x3E30];
	[tilespmem:s20+$0x8E40] =	vst v52  }
0x171: {  	v22 =	vunpack.i.u.bf16.f32 v22;
	v25 =	vunpack.i.u.bf16.f32 v25;
	v51 =	vunpack.i.u.bf16.f32 v43;
	[tilespmem:s20+$0x8E60] =	vst v27;
	v28 =	vpop (erf)  }
0x172: {  	v39 =	vadd.f32 v36, v39;
	v36 =	vunpack.i.l.bf16.f32 v43;
	v53 =	vunpack.i.l.bf16.f32 v23;
	v43 =	vpop (erf)  }
0x173: {  	v27 =	vadd.f32 v30, v41;
	v30 =	vunpack.i.l.bf16.f32 v48;
	v54 =	vmul.f32 v28, v22;
	v28 =	vpop (erf)  }
0x174: {  	v41 =	vunpack.i.l.bf16.f32 v26;
	v33 =	vadd.f32 v33, v53;
	v44 =	vmul.f32 v28, v44;
	v52 =	vpop (erf)  }
0x175: {  	v34 =	vadd.f32 v34, v49;
	v43 =	vmul.f32 v43, v46;
	v30 =	vadd.f32 v50, v30;
	[tilespmem:s20+$0x8E50] =	vst v54;
	v22 =	vpop (erf)  }
0x176: {  	v28 =	vadd.f32 v33, v29;
	[tilespmem:s20+$0x8E10] =	vst v44;
	v33 =	vadd.f32 $1.000000000e+00, v22;
	v44 =	vmul.f32 v52, v25;
	v22 =	vmovc v45  }
0x177: {  	v31 =	vadd.f32 v31, v41;
	v45 =	vunpack.i.l.bf16.f32 v32;
	v25 =	vmovc v48;
	v29 =	vadd.f32 v30, v36;
	[tilespmem:s20+$0x8E20] =	vst v43  }
0x178: {  	v36 =	vsub.f32 $0.0e+00, v27;
	v30 =	vadd.f32 v34, v42;
	[tilespmem:s20+$0x8E30] =	vst v44;
	(erf) = vrcp.f32 v33  }
0x179: {  	v32 =	vadd.f32 v31, v51;
	v34 =	vsub.f32 $0.0e+00, v28;
	v31 =	vmul.f32 v29, v29  }
0x17a: {  	v33 =	vadd.f32 v40, v45;
	v41 =	vmul.f32 $1.442695020e+00, v36;
	v40 =	vsub.f32 $0.0e+00, v30  }
0x17b: {  	v36 =	vadd.f32 v35, v47;
	v42 =	vmul.f32 $1.442695020e+00, v34;
	v34 =	vadd.f32 v39, v38  }
0x17c: {  	v35 =	vsub.f32 $0.0e+00, v33;
	v38 =	vmul.f32 $1.442695020e+00, v40;
	(erf) = vpow2.f32 v41  }
0x17d: {  	v39 =	vmul.f32 v36, v36;
	v40 =	vsub.f32 $0.0e+00, v34;
	v41 =	vsub.f32 $0.0e+00, v29  }
.Ltmp4:
0x17e: {  	v43 =	vmul.f32 $1.442695020e+00, v35;
	v35 =	vsub.f32 $0.0e+00, v36;
	(erf) = vpow2.f32 v38;
	(pc) =	sbr.rel @p2 .LBB2_9-.Ltmp4, $4  }
0x17f: {  	v45 =	vsub.f32 $0.0e+00, v32;
	v40 =	vmul.f32 $1.442695020e+00, v40;
	(erf) = vpow2.f32 v42  }
0x180: {  	v2 =	vadd.f32 v39, v2;
	v41 =	vmul.f32 $1.442695020e+00, v41;
	v42 =	vmul.f32 $1.442695020e+00, v35  }
0x181: {  	v39 =	vpack.i.f32.bf16 v36, v33;
	v38 =	vmul.f32 v34, v34;
	v35 =	vmul.f32 $1.442695020e+00, v45;
	v44 =	vpop (erf)  }
0x182: {  	[tilespmem:s12+$0x6610] =	vst v39;
	v39 =	vpack.i.f32.bf16 v30, v34;
	(erf) = vpow2.f32 v43;
	v37 =	vmul.f32 v44, v37  }
0x183: {  	(erf) = vpow2.f32 v42  }
0x184: {  	(erf) = vpow2.f32 v40;
	_ =	sdelay $0x1  }
0x185: {  	(erf) = vpow2.f32 v41;
	_ =	sdelay $0x1  }
0x186: {  	v47 =	vpop (erf)  }
0x187: {  	v48 =	vpop (erf)  }
0x188: {  	v40 =	vadd.f32 $1.000000000e+00, v47;
	v49 =	vpop (erf)  }
0x189: {  	v41 =	vadd.f32 $1.000000000e+00, v48;
	v43 =	vpop (erf)  }
0x18a: {  	(erf) = vrcp.f32 v40;
	v50 =	vadd.f32 $1.000000000e+00, v49;
	v51 =	vpop (erf)  }
0x18b: {  	(erf) = vrcp.f32 v41;
	v52 =	vadd.f32 $1.000000000e+00, v51;
	v53 =	vpop (erf)  }
0x18c: {  	(erf) = vrcp.f32 v50;
	v54 =	vadd.f32 $1.000000000e+00, v53  }
0x18d: {  	v55 =	vadd.f32 $1.000000000e+00, v43;
	v56 =	vpop (erf);
	(erf) = vrcp.f32 v52  }
0x18e: {  	v57 =	vadd.f32 $1.000000000e+00, v56;
	(erf) = vrcp.f32 v54  }
0x18f: {  	(erf) = vrcp.f32 v55  }
0x190: {  	(erf) = vrcp.f32 v57  }
0x191: {  	(erf) = vpow2.f32 v35;
	_ =	sdelay $0x1  }
0x192: {  	v58 =	vpop (erf)  }
0x193: {  	v59 =	vpop (erf)  }
0x194: {  	v60 =	vpop (erf)  }
0x195: {  	v61 =	vpop (erf)  }
0x196: {  	v62 =	vpop (erf)  }
0x197: {  	v44 =	vpop (erf)  }
0x198: {  	v45 =	vpop (erf)  }
0x199: {  	v46 =	vpop (erf)  }
0x19a: {  	v46 =	vadd.f32 $1.000000000e+00, v46;
	_ =	sdelay $0x1  }
0x19b: {  	[tilespmem:s20+$0x6620] =	vst v20;
	(erf) = vrcp.f32 v46  }
0x19c: {  	v20 =	vpack.i.f32.bf16 v32, v29;
	v24 =	vunpack.i.u.bf16.f32 v24;
	[tilespmem:s20+$0x8E70] =	vst v37  }
0x19d: {  	v63 =	vpack.i.f32.bf16 v28, v27;
	[tilespmem:s12+$0x6630] =	vst v20;
	v20 =	vmul.f32 v58, v24  }
0x19e: {  	v21 =	vunpack.i.u.bf16.f32 v21;
	[tilespmem:s12+$0x6600] =	vst v63  }
0x19f: {  	v23 =	vunpack.i.u.bf16.f32 v23;
	v19 =	vunpack.i.u.bf16.f32 v19;
	[tilespmem:s12+$0x8E00] =	vst v20;
	v20 =	vmul.f32 v59, v21  }
0x1a0: {  	v18 =	vunpack.i.u.bf16.f32 v18;
	[tilespmem:s12+$0x6620] =	vst v39;
	v23 =	vmul.f32 v60, v23;
	v19 =	vmul.f32 v62, v19  }
0x1a1: {  	[tilespmem:s12+$0x8E60] =	vst v20;
	v18 =	vmul.f32 v44, v18  }
0x1a2: {  	v20 =	vunpack.i.u.bf16.f32 v25;
	[tilespmem:s12+$0x8E40] =	vst v23  }
0x1a3: {  	v21 =	vunpack.i.u.bf16.f32 v22;
	[tilespmem:s12+$0x8E10] =	vst v18;
	v18 =	vmul.f32 v45, v20  }
0x1a4: {  	v21 =	vmul.f32 v61, v21;
	[tilespmem:s12+$0x8E20] =	vst v19;
	v20 =	vunpack.i.u.bf16.f32 v26;
	v19 =	vpop (erf)  }
0x1a5: {  	[tilespmem:s12+$0x8E30] =	vst v18;
	v18 =	vmul.f32 v19, v20  }
0x1a6: {  	s15 =	sshll.u32 @!p1 s15, $0x4;
	s17 =	simm.s32 @!p1 $0x7A00;
	[tilespmem:s12+$0x8E50] =	vst v21  }
0x1a7: {  	s18 =	sadd.s32 $0x1, s18;
	[tilespmem:s12+$0x8E70] =	vst v18;
	s12 =	sadd.s32 @!p1 s2, s15;
	s15 =	simm.s32 @!p1 $0x0  }
0x1a8: {  	v1 =	vadd.f32 v3, v1;
	v8 =	vadd.f32 v32, v8;
	v19 =	vmul.f32 v33, v33;
	[tilespmem:s17], [sflag:$0x3] =	stream.linear.gather @!p1 [hbm4b:s12+s15], $0x1400, $0x38;
	[tilespmem:$0x1DB80] =	vst v63  }
0x1a9: {  	v3 =	vmul.f32 v32, v32;
	s31 =	sadd.s32 s9, s14;
	v14 =	vadd.f32 v29, v14;
	v15 =	vadd.f32 v28, v15;
	p1 =	sne.s32 s18, $0x7D  }
0x1aa: {  	v20 =	vadd.f32 v36, v4;
	v4 =	vadd.f32 v19, v5;
	v18 =	vmul.f32 v30, v30;
	[hbm4b:s31+s4] =	stream.linear.scatter [tilespmem:s13], [sflag:$0x5], $0x1400, $0x38;
	[tilespmem:$0x1DB80] =	vst v63  }
.Ltmp5:
0x1ab: {  	v5 =	vadd.f32 v34, v6;
	v6 =	vadd.f32 v3, v7;
	v3 =	vmul.f32 v28, v28;
	(pc) =	sbr.rel @p1 .LBB2_6-.Ltmp5, $4  }
0x1ac: {  	v7 =	vadd.f32 v33, v9;
	v9 =	vadd.f32 v18, v10;
	[spmem:s3] =	stream.indirect.scatter.add.f32 [tilespmem:s21], [sflag:$0x6], $0x80, s29, s24, $0xb8;
	[tilespmem:$0x1DB80] =	vst v63  }
0x1ad: {  	v10 =	vadd.f32 v31, v11;
	v11 =	vadd.f32 v3, v13;
	v3 =	vmul.f32 v27, v27;
	_ =	swait.ge [sflag:s22], $0x1400  }
0x1ae: {  	v1 =	vadd.f32 v38, v1;
	v19 =	vadd.f32 v27, v16;
	[sflag:s22] =	ssyncset.done $0x0  }
0x1af: {  	v18 =	vadd.f32 v30, v12;
	v16 =	vadd.f32 v3, v17;
	[sflag:s22] =	ssyncadd.s32 $0xFFFFEC00  }
0x1b0: {  	s12 =	simm.s32 $0x4  }
0x1b1: {  	_ =	swait.ge [sflag:s12], $0x1400  }
0x1b2: {  	[sflag:s12] =	ssyncset.done $0x0  }
0x1b3: {  	s17 =	simm.s32 $0x5;
	[sflag:s12] =	ssyncadd.s32 $0xFFFFEC00  }
0x1b4: {  	_ =	swait.ge [sflag:s17], $0x1400  }
0x1b5: {  	[sflag:s17] =	ssyncset.done $0x0  }
0x1b6: {  	[sflag:s17] =	ssyncadd.s32 $0xFFFFEC00  }
0x1b7: {  	[tilespmem:$0xA200] =	vst v19  }
0x1b8: {  	[tilespmem:$0xA240] =	vst v15  }
0x1b9: {  	[tilespmem:$0xA280] =	vst v16  }
0x1ba: {  	[tilespmem:$0xA2C0] =	vst v11  }
0x1bb: {  	[tilespmem:$0xA210] =	vst v7  }
0x1bc: {  	[tilespmem:$0xA250] =	vst v20  }
0x1bd: {  	[tilespmem:$0xA290] =	vst v4  }
0x1be: {  	[tilespmem:$0xA2D0] =	vst v2  }
0x1bf: {  	[tilespmem:$0xA220] =	vst v5  }
0x1c0: {  	[tilespmem:$0xA260] =	vst v18  }
0x1c1: {  	[tilespmem:$0xA2A0] =	vst v1  }
0x1c2: {  	[tilespmem:$0xA2E0] =	vst v9  }
0x1c3: {  	[tilespmem:$0xA230] =	vst v14  }
0x1c4: {  	[tilespmem:$0xA270] =	vst v8  }
0x1c5: {  	[tilespmem:$0xA2B0] =	vst v10  }
0x1c6: {  	s14 =	simm.s32 $0xA200;
	s18 =	rddreg [dreg:$0x9];
	[tilespmem:$0xA2F0] =	vst v6  }
0x1c7: {  	[hbm4b:s18+s4] =	stream.linear.scatter [tilespmem:s14], [sflag:$0x6], $0x100, $0x38;
	[tilespmem:$0x1DB80] =	vst v63  }
0x1c8: {  	_ =	swait.ge [sflag:s22], $0x100  }
0x1c9: {  	[sflag:s22] =	ssyncset.done $0x0  }
0x1ca: {  	[sflag:s22] =	ssyncadd.s32 $0xFFFFFF00  }
0x1cb: {  	s19 =	stileid.u32;
	[bflag:$0x0] =	sbarrier.arrive $0xFFFF  }
0x1cc: {  	s12 =	sshll.u32 s19, $0x6;
	s17 =	rddreg [dreg:$0xc]  }
.Ltmp6:
0x1cd: {  	s31 =	rddreg [dreg:$0xb];
	s20 =	sshrl.u32 s17, $0x3;
	(pc) =	sbr.rel @!p0 .LBB2_13-.Ltmp6, $4  }
0x1ce: {  	s12 =	sor.u32 $0x1C06, s12;
	s15 =	sshrl.u32 s31, $0x3;
	s14 =	sadd.s32 s10, s20  }
0x1cf: {  	[hbm:s14], [sflag:s12] =	dma.local [spmem:s15], $0x280  }
0x1d0: {  	s20 =	rddreg [dreg:$0x5]  }
0x1d1: {  	s15 =	sadd.s32 $0x1400, s17;
	s17 =	smov.u32 s31;
	s14 =	sadd.s32 $0xFFFFFFFF, s20  }
.LBB2_12:
0x1d2: {  	_ =	swait.ge [sflag:s22], $0x280  }
0x1d3: {  	s17 =	sadd.s32 $0x1400, s17;
	s18 =	sshrl.u32 s15, $0x3;
	p0 =	sne.s32 s14, $0x1  }
.Ltmp7:
0x1d4: {  	s19 =	sshrl.u32 s17, $0x3;
	[sflag:s22] =	ssyncset.done $0x0;
	(pc) =	sbr.rel @p0 .LBB2_12-.Ltmp7, $4  }
0x1d5: {  	s18 =	sadd.s32 s10, s18;
	[sflag:s22] =	ssyncadd.s32 $0xFFFFFD80  }
0x1d6: {  	[hbm:s18], [sflag:s12] =	dma.local [spmem:s19], $0x280  }
0x1d7: {  	s14 =	sadd.s32 $0xFFFFFFFF, s14  }
0x1d8: {  	s15 =	sadd.s32 $0x1400, s15  }
.LBB2_13:
0x1d9: {  	_ =	swait.ge [sflag:s22], $0x280  }
0x1da: {  	s14 =	rddreg [dreg:$0xd]  }
0x1db: {  	s12 =	rddreg [dreg:$0xa];
	s14 =	sadd.s32 $0x1, s14  }
0x1dc: {  	p0 =	sne.s32 s14, s12  }
.Ltmp8:
0x1dd: {  	_ = 	snop;
	(pc) =	sbr.rel @p0 .LBB2_1-.Ltmp8, $3  }
0x1de: {  	_ =	sdelay $0x1  }
0x1df: {  	[sflag:s22] =	ssyncset.done $0x0  }
0x1e0: {  	[sflag:s22] =	ssyncadd.s32 $0xFFFFFD80  }
0x1e1: {  	_ =	sfence.sel $0x180000  }
0x1e2: {  	[bflag:$0x0] =	sbarrier.arrive $0xFFFF  }
0x1e3: {  	_ =	strace $0x90000047  }
0x1e4: {  	s0 =	stileid.u32;
	[bflag:$0x2] =	sbarrier.arrive $0xFFFF  }
0x1e5: {  	p0 =	sne.s32 s0, $0x0;
	s0 =	rddreg [dreg:$0x4]  }
0x1e6: {  	s0 =	sadd.s32 @!p0 $0x100000, s0  }
0x1e7: {  	[sflag:s0] =	ssyncadd.tile.s32 @!p0 $0x1;
	_ =	shalt  }
.Lfunc_end2:
_tile_overlayer_lowered:
.L_overlay_start_2:
0x1e8: {  	(tag) =	ssettag $0x2  }
0x1e9: {  	s0 =	rddreg [dreg:$0x0];
	s2 =	stileid.u32  }
0x1ea: {  	s1 =	rddreg [dreg:$0x1];
	p0 =	sne.s32 s2, $0x0  }
0x1eb: {  	s3 =	rddreg [dreg:$0x2];
	[bflag:$0x3] =	sbarrier.arrive $0xFFFF;
	s2 =	simm.s32 @!p0 $0x1C06  }
0x1ec: {  	[timem:s3], [sflag:s2] =	dma.local @!p0 [hbm:s0], s1  }
0x1ed: {  	s0 =	simm.s32 @!p0 $0x6  }
0x1ee: {  	_ =	swait.ge @!p0 [sflag:s0], s1  }
0x1ef: {  	s1 =	ssub.s32 @!p0 $0x0, s1;
	[sflag:s0] =	ssyncset.done @!p0 $0x0  }
0x1f0: {  	[sflag:s0] =	ssyncadd.s32 @!p0 s1  }
0x1f1: {  	[bflag:$0x3] =	sbarrier.arrive $0xFFFF  }
0x1f2: {  	_ =	shalt  }

</sc_bundles>
